<compile_context>
chip_gen: v7x
topology: tpu7x:2x2x1
jax: 0.10.2.dev20260603
libtpu: 0.0.44.dev20260713+nightly
codegen_flags: <defaults>
</compile_context>

<pallas_src>
import functools

import jax
import jax.numpy as jnp
from jax import lax
from jax.experimental import pallas as pl
from jax.experimental.pallas import tpu as pltpu
from jax.experimental.pallas import tpu_sc as plsc

NC = 2
NS = 16
L = 16
NW = NC * NS
SLAB = 32
BAND = 8


def _lse_body(tab_ref, out_ref, tt_ref):
    t = tab_ref[...]
    m = jnp.max(t, axis=-1, keepdims=True)
    s = jnp.sum(jnp.exp(t - m), axis=-1, keepdims=True)
    out_ref[...] = m + jnp.log(s)
    tt_ref[...] = t.T


def _final_body(part_ref, out_ref):
    out_ref[...] = jnp.sum(part_ref[...]).reshape(1, 1)


def _make_sc_gather(T, V, B):
    nbands = SLAB // BAND
    mesh = plsc.VectorSubcoreMesh(core_axis_name="c", subcore_axis_name="s")

    @functools.partial(
        pl.kernel,
        out_type=(
            jax.ShapeDtypeStruct((T, V, B), jnp.float32),
            jax.ShapeDtypeStruct((NW, L), jnp.float32),
        ),
        mesh=mesh,
        compiler_params=pltpu.CompilerParams(
            use_tc_tiling_on_sc=True, needs_layout_passes=False
        ),
        scratch_types=[
            pltpu.VMEM((SLAB * 1024,), jnp.float32),
            pltpu.VMEM((BAND, V), jnp.float32),
            pltpu.VMEM((B,), jnp.int32),
            pltpu.VMEM((B,), jnp.int32),
            pltpu.VMEM((B,), jnp.int32),
            pltpu.VMEM((B,), jnp.int32),
            pltpu.VMEM((V,), jnp.float32),
            pltpu.VMEM((BAND, B), jnp.float32),
            pltpu.VMEM((BAND, B), jnp.float32),
            pltpu.VMEM((BAND, B), jnp.float32),
            pltpu.VMEM((BAND, B), jnp.float32),
            pltpu.VMEM((BAND, B), jnp.float32),
            pltpu.VMEM((BAND, B), jnp.float32),
            pltpu.VMEM((BAND, B), jnp.float32),
            pltpu.VMEM((BAND, B), jnp.float32),
            pltpu.VMEM((L,), jnp.float32),
            pltpu.SemaphoreType.DMA,
            pltpu.SemaphoreType.DMA,
            pltpu.SemaphoreType.DMA,
            pltpu.SemaphoreType.DMA,
        ],
    )
    def sc_gather(xt_hbm, yt_hbm, lse_hbm, tt_hbm,
                  p_hbm, part_hbm,
                  slab, stmp, xt0, xt1, yt0, yt1, lsev,
                  bb00, bb01, bb10, bb11, bb20, bb21, bb30, bb31,
                  accv, isem0, isem1, osem0, osem1):
        wid = lax.axis_index("s") * NC + lax.axis_index("c")
        c0 = SLAB * wid
        c1 = jnp.minimum(c0 + SLAB, V)
        slab_start = jnp.minimum(c0, V - SLAB)

        for s in range(SLAB // BAND):
            pltpu.sync_copy(
                tt_hbm.at[pl.ds(slab_start + BAND * s, BAND), :], stmp
            )

            def unpack_body(c, carry, s=s):
                cb = jnp.minimum(L * c, V - L)
                for j in range(BAND):
                    slab[pl.ds((BAND * s + j) * 1024 + cb, L)] = (
                        stmp[j, pl.ds(cb, L)]
                    )
                return carry

            lax.fori_loop(0, (V + L - 1) // L, unpack_body, 0)
        pltpu.sync_copy(lse_hbm, lsev)
        accv[...] = jnp.zeros((L,), jnp.float32)

        rowbase = []
        for k in range(nbands):
            for r in range(BAND):
                rowbase.append(
                    jnp.minimum(c0 + BAND * k - slab_start + r, SLAB - 1) * 1024
                )

        xt = (xt0, xt1)
        yt = (yt0, yt1)
        bb = ((bb00, bb01), (bb10, bb11), (bb20, bb21), (bb30, bb31))
        isem = (isem0, isem1)
        osem = (osem0, osem1)

        pltpu.async_copy(xt_hbm.at[0], xt0, isem0)
        pltpu.async_copy(yt_hbm.at[0], yt0, isem0)

        def do_t(t, p):
            @pl.when(t >= 2)
            def _():
                for k in range(nbands):
                    @pl.when(c0 + BAND * k < c1)
                    def _():
                        pltpu.make_async_copy(
                            bb[k][p], p_hbm.at[0, pl.ds(0, BAND), :], osem[p]
                        ).wait()

            pltpu.make_async_copy(xt_hbm.at[0], xt[p], isem[p]).wait()
            pltpu.make_async_copy(yt_hbm.at[0], yt[p], isem[p]).wait()

            @pl.when(t + 1 < T)
            def _():
                pltpu.async_copy(xt_hbm.at[t + 1], xt[1 - p], isem[1 - p])
                pltpu.async_copy(yt_hbm.at[t + 1], yt[1 - p], isem[1 - p])

            @plsc.parallel_loop(
                0, B // L, carry=jnp.zeros((L,), jnp.float32)
            )
            def g_acc(g, acc):
                gb = L * g
                xg = xt[p][pl.ds(gb, L)]
                yg = yt[p][pl.ds(gb, L)]
                vals = [
                    plsc.load_gather(slab, [xg + rowbase[i]])
                    for i in range(2 * BAND)
                ]
                own = (yg >= c0) & (yg < c1)
                localc = jnp.clip(yg - slab_start, 0, SLAB - 1)
                tv = plsc.load_gather(slab, [xg + localc * 1024])
                for k in range(2):
                    for r in range(BAND):
                        bb[k][p][r, pl.ds(gb, L)] = vals[k * BAND + r]
                return acc + jnp.where(own, tv, jnp.float32(0.0))

            accv[...] = accv[...] + g_acc

            @plsc.parallel_loop(0, B // L)
            def _(g):
                gb = L * g
                xg = xt[p][pl.ds(gb, L)]
                vals = [
                    plsc.load_gather(slab, [xg + rowbase[2 * BAND + i]])
                    for i in range(2 * BAND)
                ]
                for k in range(2):
                    for r in range(BAND):
                        bb[2 + k][p][r, pl.ds(gb, L)] = vals[k * BAND + r]

            for j in range(2):
                xg = xt[p][pl.ds(SLAB * wid + L * j, L)]
                accv[...] = accv[...] + plsc.load_gather(lsev, [xg])

            for k in range(nbands):
                @pl.when(c0 + BAND * k < c1)
                def _():
                    pltpu.async_copy(
                        bb[k][p],
                        p_hbm.at[t, pl.ds(c0 + BAND * k, BAND), :],
                        osem[p],
                    )

        def pair_body(i, carry):
            do_t(2 * i, 0)
            do_t(2 * i + 1, 1)
            return carry

        lax.fori_loop(0, T // 2, pair_body, 0)

        for p in range(2):
            for k in range(nbands):
                @pl.when(c0 + BAND * k < c1)
                def _():
                    pltpu.make_async_copy(
                        bb[k][p], p_hbm.at[0, pl.ds(0, BAND), :], osem[p]
                    ).wait()

        pltpu.sync_copy(accv, part_hbm.at[wid])

    return sc_gather


def kernel(x, y, table):
    B, T = x.shape
    V = table.shape[0]
    N = B * T
    xt = x.T.astype(jnp.int32)
    yt = y.T.astype(jnp.int32)

    lse2, tt = pl.pallas_call(
        _lse_body,
        out_shape=(
            jax.ShapeDtypeStruct((V, 1), jnp.float32),
            jax.ShapeDtypeStruct((V, V), jnp.float32),
        ),
    )(table)
    lse = lse2.reshape(V)

    p, parts = _make_sc_gather(T, V, B)(xt, yt, lse, tt)
    logits = jnp.transpose(p, (2, 0, 1))

    loss_sum = pl.pallas_call(
        _final_body,
        out_shape=jax.ShapeDtypeStruct((1, 1), jnp.float32),
    )(parts)
    loss = loss_sum[0, 0] / N
    return logits, loss

# --- scband reference (transcript-rebuilt; emitter-appended) ---
"""Pipeline reference for scband-bigram-language-model-24850680774785 (READ-ONLY COPY).

The authoritative reference and input builder live on the scoring server;
editing this copy changes nothing except your own understanding.
"""

import jax, jax.numpy as jnp
import numpy as np

VOCAB = 1000
B = 1024
T = 50

def setup_inputs(seed: int = 0) -> dict:
    key = jax.random.key(seed)
    k1, k2, k3 = jax.random.split(key, 3)
    x = jax.random.randint(k1, (B, T), 0, VOCAB, dtype=jnp.int64 if jax.config.jax_enable_x64 else jnp.int32)
    y = jax.random.randint(k2, (B, T), 0, VOCAB, dtype=jnp.int64 if jax.config.jax_enable_x64 else jnp.int32)
    table = jax.random.normal(k3, (VOCAB, VOCAB), dtype=jnp.float32) * 0.02
    return {"x": x, "y": y, "table": table}

def reference(x, y, table):
    # logits = token_embedding_table(x)  -> gather rows of [vocab, vocab] table
    logits = jnp.take(table, x, axis=0)  # [B, T, VOCAB]
    b, t, c = logits.shape
    flat_logits = logits.reshape(b * t, c)
    flat_y = y.reshape(b * t)
    # F.cross_entropy: mean over tokens of -log_softmax(logits)[target]
    logp = jax.nn.log_softmax(flat_logits, axis=-1)
    nll = -jnp.take_along_axis(logp, flat_y[:, None], axis=1)[:, 0]
    loss = jnp.mean(nll)
    return (logits, loss)

if __name__ == "__main__":
    import jax
    _d = setup_inputs()
    print(jax.jit(kernel)(*tuple(_d.values())))

</pallas_src>

<mosaic_0001>
#map = affine_map<(d0, d1) -> (0, 0)>
#map1 = affine_map<(d0, d1) -> (0)>
#map2 = affine_map<(d0, d1) -> (0, 0, 0)>
module attributes {stable_mosaic.version = 14 : i64} {
  func.func @sc_gather(%arg0: i32, %arg1: i32, %arg2: memref<50x1024xi32, #tpu.memory_space<hbm>>, %arg3: memref<50x1024xi32, #tpu.memory_space<hbm>>, %arg4: memref<1000xf32, #tpu.memory_space<hbm>>, %arg5: memref<1000x1000xf32, #tpu.memory_space<hbm>>, %arg6: memref<50x1000x1024xf32, #tpu.memory_space<hbm>>, %arg7: memref<32x16xf32, #tpu.memory_space<hbm>>, %arg8: memref<32768xf32, #tpu.memory_space<vmem>>, %arg9: memref<8x1000xf32, #tpu.memory_space<vmem>>, %arg10: memref<1024xi32, #tpu.memory_space<vmem>>, %arg11: memref<1024xi32, #tpu.memory_space<vmem>>, %arg12: memref<1024xi32, #tpu.memory_space<vmem>>, %arg13: memref<1024xi32, #tpu.memory_space<vmem>>, %arg14: memref<1000xf32, #tpu.memory_space<vmem>>, %arg15: memref<8x1024xf32, #tpu.memory_space<vmem>>, %arg16: memref<8x1024xf32, #tpu.memory_space<vmem>>, %arg17: memref<8x1024xf32, #tpu.memory_space<vmem>>, %arg18: memref<8x1024xf32, #tpu.memory_space<vmem>>, %arg19: memref<8x1024xf32, #tpu.memory_space<vmem>>, %arg20: memref<8x1024xf32, #tpu.memory_space<vmem>>, %arg21: memref<8x1024xf32, #tpu.memory_space<vmem>>, %arg22: memref<8x1024xf32, #tpu.memory_space<vmem>>, %arg23: memref<16xf32, #tpu.memory_space<vmem>>, %arg24: memref<!tpu.dma_semaphore, #tpu.memory_space<semaphore_mem>>, %arg25: memref<!tpu.dma_semaphore, #tpu.memory_space<semaphore_mem>>, %arg26: memref<!tpu.dma_semaphore, #tpu.memory_space<semaphore_mem>>, %arg27: memref<!tpu.dma_semaphore, #tpu.memory_space<semaphore_mem>>) attributes {dimension_semantics = [#tpu.dimension_semantics<core_parallel>, #tpu.dimension_semantics<subcore_parallel>], iteration_bounds = array<i64: 2, 16>, scalar_prefetch = 0 : i64, scratch_operands = 20 : i64, tpu.core_type = #tpu.core_type<sc_vector_subcore>, window_params = [{transform_indices = #map}, {transform_indices = #map}, {transform_indices = #map1}, {transform_indices = #map}, {transform_indices = #map2}, {transform_indices = #map}]} {
    %mul3A = arith.constant 2 : i32
    %mul3A_0 = arith.muli %arg1, %mul3A : i32
    %add3A = arith.addi %mul3A_0, %arg0 : i32
    %mul3A_1 = arith.constant 32 : i32
    %mul3A_2 = arith.muli %mul3A_1, %add3A : i32
    %add3A_3 = arith.constant 32 : i32
    %add3A_4 = arith.addi %mul3A_2, %add3A_3 : i32
    %min3A = arith.constant 1000 : i32
    %min3A_5 = arith.minsi %add3A_4, %min3A : i32
    %min3A_6 = arith.constant 968 : i32
    %min3A_7 = arith.minsi %mul3A_2, %min3A_6 : i32
    %add3A_8 = arith.constant 0 : i32
    %add3A_9 = arith.addi %min3A_7, %add3A_8 : i32
    "tpu.region"() ({
      %run_scoped3A = tpu.sem_alloc : memref<!tpu.dma_semaphore, #tpu.memory_space<semaphore_mem>>
      %dma_start3A_392 = arith.constant 0 : i32
      %dma_start3A_393 = tpu.memref_slice %arg5[%add3A_9, %dma_start3A_392] : memref<1000x1000xf32, #tpu.memory_space<hbm>> -> memref<8x1000xf32, #tpu.memory_space<hbm>>
      %dma_start3A_394 = arith.constant 0 : i32
      %dma_start3A_395 = tpu.memref_slice %arg5[%add3A_9, %dma_start3A_394] : memref<1000x1000xf32, #tpu.memory_space<hbm>> -> memref<8x1000xf32, #tpu.memory_space<hbm>>
      tpu.enqueue_dma source(%dma_start3A_395 : memref<8x1000xf32, #tpu.memory_space<hbm>>) target(%arg9 : memref<8x1000xf32, #tpu.memory_space<vmem>>) target_semaphore(%run_scoped3A : memref<!tpu.dma_semaphore, #tpu.memory_space<semaphore_mem>>)
      %dma_wait3A = arith.constant 0 : i32
      %dma_wait3A_396 = tpu.memref_slice %arg5[%add3A_9, %dma_wait3A] : memref<1000x1000xf32, #tpu.memory_space<hbm>> -> memref<8x1000xf32, #tpu.memory_space<hbm>>
      %dma_wait3A_397 = arith.constant 0 : i32
      %dma_wait3A_398 = tpu.memref_slice %arg5[%add3A_9, %dma_wait3A_397] : memref<1000x1000xf32, #tpu.memory_space<hbm>> -> memref<8x1000xf32, #tpu.memory_space<hbm>>
      tpu.wait_dma2 semaphore(%run_scoped3A : memref<!tpu.dma_semaphore, #tpu.memory_space<semaphore_mem>>) src(%dma_wait3A_398 : memref<8x1000xf32, #tpu.memory_space<hbm>>) dst(%arg9 : memref<8x1000xf32, #tpu.memory_space<vmem>>)
      tpu.yield
    }) : () -> ()
    %scan3A = arith.constant 0 : i32
    %scan3A_10 = arith.constant 0 : i32
    %scan3A_11 = arith.constant 63 : i32
    %scan3A_12 = arith.addi %scan3A_10, %scan3A_11 : i32
    %scan3A_13 = arith.constant 1 : i32
    scf.for %scan3A_392 = %scan3A_10 to %scan3A_12 step %scan3A_13  : i32 {
      %mul3A_393 = arith.constant 16 : i32
      %mul3A_394 = arith.muli %mul3A_393, %scan3A_392 : i32
      %min3A_395 = arith.constant 984 : i32
      %min3A_396 = arith.minsi %mul3A_394, %min3A_395 : i32
      %get3A = arith.constant 0 : i32
      %get3A_397 = arith.index_cast %get3A : i32 to index
      %get3A_398 = arith.index_cast %min3A_396 : i32 to index
      %get3A_399 = tpu.vector_load %arg9[%get3A_397, %get3A_398] {strides = array<i32>} : memref<8x1000xf32, #tpu.memory_space<vmem>>, vector<16xf32>,
      %add3A_400 = arith.constant 0 : i32
      %add3A_401 = arith.addi %add3A_400, %min3A_396 : i32
      %swap3A_402 = arith.index_cast %add3A_401 : i32 to index
      %swap3A_403 = tpu.vector_load %arg8[%swap3A_402] {strides = array<i32>} : memref<32768xf32, #tpu.memory_space<vmem>>, vector<16xf32>,
      tpu.vector_store %arg8[%swap3A_402], %get3A_399 {strides = array<i32>} : memref<32768xf32, #tpu.memory_space<vmem>>, vector<16xf32>,
      %get3A_404 = arith.constant 1 : i32
      %get3A_405 = arith.index_cast %get3A_404 : i32 to index
      %get3A_406 = arith.index_cast %min3A_396 : i32 to index
      %get3A_407 = tpu.vector_load %arg9[%get3A_405, %get3A_406] {strides = array<i32>} : memref<8x1000xf32, #tpu.memory_space<vmem>>, vector<16xf32>,
      %add3A_408 = arith.constant 1024 : i32
      %add3A_409 = arith.addi %add3A_408, %min3A_396 : i32
      %swap3A_410 = arith.index_cast %add3A_409 : i32 to index
      %swap3A_411 = tpu.vector_load %arg8[%swap3A_410] {strides = array<i32>} : memref<32768xf32, #tpu.memory_space<vmem>>, vector<16xf32>,
      tpu.vector_store %arg8[%swap3A_410], %get3A_407 {strides = array<i32>} : memref<32768xf32, #tpu.memory_space<vmem>>, vector<16xf32>,
      %get3A_412 = arith.constant 2 : i32
      %get3A_413 = arith.index_cast %get3A_412 : i32 to index
      %get3A_414 = arith.index_cast %min3A_396 : i32 to index
      %get3A_415 = tpu.vector_load %arg9[%get3A_413, %get3A_414] {strides = array<i32>} : memref<8x1000xf32, #tpu.memory_space<vmem>>, vector<16xf32>,
      %add3A_416 = arith.constant 2048 : i32
      %add3A_417 = arith.addi %add3A_416, %min3A_396 : i32
      %swap3A_418 = arith.index_cast %add3A_417 : i32 to index
      %swap3A_419 = tpu.vector_load %arg8[%swap3A_418] {strides = array<i32>} : memref<32768xf32, #tpu.memory_space<vmem>>, vector<16xf32>,
      tpu.vector_store %arg8[%swap3A_418], %get3A_415 {strides = array<i32>} : memref<32768xf32, #tpu.memory_space<vmem>>, vector<16xf32>,
      %get3A_420 = arith.constant 3 : i32
      %get3A_421 = arith.index_cast %get3A_420 : i32 to index
      %get3A_422 = arith.index_cast %min3A_396 : i32 to index
      %get3A_423 = tpu.vector_load %arg9[%get3A_421, %get3A_422] {strides = array<i32>} : memref<8x1000xf32, #tpu.memory_space<vmem>>, vector<16xf32>,
      %add3A_424 = arith.constant 3072 : i32
      %add3A_425 = arith.addi %add3A_424, %min3A_396 : i32
      %swap3A_426 = arith.index_cast %add3A_425 : i32 to index
      %swap3A_427 = tpu.vector_load %arg8[%swap3A_426] {strides = array<i32>} : memref<32768xf32, #tpu.memory_space<vmem>>, vector<16xf32>,
      tpu.vector_store %arg8[%swap3A_426], %get3A_423 {strides = array<i32>} : memref<32768xf32, #tpu.memory_space<vmem>>, vector<16xf32>,
      %get3A_428 = arith.constant 4 : i32
      %get3A_429 = arith.index_cast %get3A_428 : i32 to index
      %get3A_430 = arith.index_cast %min3A_396 : i32 to index
      %get3A_431 = tpu.vector_load %arg9[%get3A_429, %get3A_430] {strides = array<i32>} : memref<8x1000xf32, #tpu.memory_space<vmem>>, vector<16xf32>,
      %add3A_432 = arith.constant 4096 : i32
      %add3A_433 = arith.addi %add3A_432, %min3A_396 : i32
      %swap3A_434 = arith.index_cast %add3A_433 : i32 to index
      %swap3A_435 = tpu.vector_load %arg8[%swap3A_434] {strides = array<i32>} : memref<32768xf32, #tpu.memory_space<vmem>>, vector<16xf32>,
      tpu.vector_store %arg8[%swap3A_434], %get3A_431 {strides = array<i32>} : memref<32768xf32, #tpu.memory_space<vmem>>, vector<16xf32>,
      %get3A_436 = arith.constant 5 : i32
      %get3A_437 = arith.index_cast %get3A_436 : i32 to index
      %get3A_438 = arith.index_cast %min3A_396 : i32 to index
      %get3A_439 = tpu.vector_load %arg9[%get3A_437, %get3A_438] {strides = array<i32>} : memref<8x1000xf32, #tpu.memory_space<vmem>>, vector<16xf32>,
      %add3A_440 = arith.constant 5120 : i32
      %add3A_441 = arith.addi %add3A_440, %min3A_396 : i32
      %swap3A_442 = arith.index_cast %add3A_441 : i32 to index
      %swap3A_443 = tpu.vector_load %arg8[%swap3A_442] {strides = array<i32>} : memref<32768xf32, #tpu.memory_space<vmem>>, vector<16xf32>,
      tpu.vector_store %arg8[%swap3A_442], %get3A_439 {strides = array<i32>} : memref<32768xf32, #tpu.memory_space<vmem>>, vector<16xf32>,
      %get3A_444 = arith.constant 6 : i32
      %get3A_445 = arith.index_cast %get3A_444 : i32 to index
      %get3A_446 = arith.index_cast %min3A_396 : i32 to index
      %get3A_447 = tpu.vector_load %arg9[%get3A_445, %get3A_446] {strides = array<i32>} : memref<8x1000xf32, #tpu.memory_space<vmem>>, vector<16xf32>,
      %add3A_448 = arith.constant 6144 : i32
      %add3A_449 = arith.addi %add3A_448, %min3A_396 : i32
      %swap3A_450 = arith.index_cast %add3A_449 : i32 to index
      %swap3A_451 = tpu.vector_load %arg8[%swap3A_450] {strides = array<i32>} : memref<32768xf32, #tpu.memory_space<vmem>>, vector<16xf32>,
      tpu.vector_store %arg8[%swap3A_450], %get3A_447 {strides = array<i32>} : memref<32768xf32, #tpu.memory_space<vmem>>, vector<16xf32>,
      %get3A_452 = arith.constant 7 : i32
      %get3A_453 = arith.index_cast %get3A_452 : i32 to index
      %get3A_454 = arith.index_cast %min3A_396 : i32 to index
      %get3A_455 = tpu.vector_load %arg9[%get3A_453, %get3A_454] {strides = array<i32>} : memref<8x1000xf32, #tpu.memory_space<vmem>>, vector<16xf32>,
      %add3A_456 = arith.constant 7168 : i32
      %add3A_457 = arith.addi %add3A_456, %min3A_396 : i32
      %swap3A_458 = arith.index_cast %add3A_457 : i32 to index
      %swap3A_459 = tpu.vector_load %arg8[%swap3A_458] {strides = array<i32>} : memref<32768xf32, #tpu.memory_space<vmem>>, vector<16xf32>,
      tpu.vector_store %arg8[%swap3A_458], %get3A_455 {strides = array<i32>} : memref<32768xf32, #tpu.memory_space<vmem>>, vector<16xf32>,
    }
    %scan3A_14 = arith.constant 63 : i32
    %add3A_15 = arith.constant 8 : i32
    %add3A_16 = arith.addi %min3A_7, %add3A_15 : i32
    "tpu.region"() ({
      %run_scoped3A = tpu.sem_alloc : memref<!tpu.dma_semaphore, #tpu.memory_space<semaphore_mem>>
      %dma_start3A_392 = arith.constant 0 : i32
      %dma_start3A_393 = tpu.memref_slice %arg5[%add3A_16, %dma_start3A_392] : memref<1000x1000xf32, #tpu.memory_space<hbm>> -> memref<8x1000xf32, #tpu.memory_space<hbm>>
      %dma_start3A_394 = arith.constant 0 : i32
      %dma_start3A_395 = tpu.memref_slice %arg5[%add3A_16, %dma_start3A_394] : memref<1000x1000xf32, #tpu.memory_space<hbm>> -> memref<8x1000xf32, #tpu.memory_space<hbm>>
      tpu.enqueue_dma source(%dma_start3A_395 : memref<8x1000xf32, #tpu.memory_space<hbm>>) target(%arg9 : memref<8x1000xf32, #tpu.memory_space<vmem>>) target_semaphore(%run_scoped3A : memref<!tpu.dma_semaphore, #tpu.memory_space<semaphore_mem>>)
      %dma_wait3A = arith.constant 0 : i32
      %dma_wait3A_396 = tpu.memref_slice %arg5[%add3A_16, %dma_wait3A] : memref<1000x1000xf32, #tpu.memory_space<hbm>> -> memref<8x1000xf32, #tpu.memory_space<hbm>>
      %dma_wait3A_397 = arith.constant 0 : i32
      %dma_wait3A_398 = tpu.memref_slice %arg5[%add3A_16, %dma_wait3A_397] : memref<1000x1000xf32, #tpu.memory_space<hbm>> -> memref<8x1000xf32, #tpu.memory_space<hbm>>
      tpu.wait_dma2 semaphore(%run_scoped3A : memref<!tpu.dma_semaphore, #tpu.memory_space<semaphore_mem>>) src(%dma_wait3A_398 : memref<8x1000xf32, #tpu.memory_space<hbm>>) dst(%arg9 : memref<8x1000xf32, #tpu.memory_space<vmem>>)
      tpu.yield
    }) : () -> ()
    %scan3A_17 = arith.constant 0 : i32
    %scan3A_18 = arith.constant 0 : i32
    %scan3A_19 = arith.constant 63 : i32
    %scan3A_20 = arith.addi %scan3A_18, %scan3A_19 : i32
    %scan3A_21 = arith.constant 1 : i32
    scf.for %scan3A_392 = %scan3A_18 to %scan3A_20 step %scan3A_21  : i32 {
      %mul3A_393 = arith.constant 16 : i32
      %mul3A_394 = arith.muli %mul3A_393, %scan3A_392 : i32
      %min3A_395 = arith.constant 984 : i32
      %min3A_396 = arith.minsi %mul3A_394, %min3A_395 : i32
      %get3A = arith.constant 0 : i32
      %get3A_397 = arith.index_cast %get3A : i32 to index
      %get3A_398 = arith.index_cast %min3A_396 : i32 to index
      %get3A_399 = tpu.vector_load %arg9[%get3A_397, %get3A_398] {strides = array<i32>} : memref<8x1000xf32, #tpu.memory_space<vmem>>, vector<16xf32>,
      %add3A_400 = arith.constant 8192 : i32
      %add3A_401 = arith.addi %add3A_400, %min3A_396 : i32
      %swap3A_402 = arith.index_cast %add3A_401 : i32 to index
      %swap3A_403 = tpu.vector_load %arg8[%swap3A_402] {strides = array<i32>} : memref<32768xf32, #tpu.memory_space<vmem>>, vector<16xf32>,
      tpu.vector_store %arg8[%swap3A_402], %get3A_399 {strides = array<i32>} : memref<32768xf32, #tpu.memory_space<vmem>>, vector<16xf32>,
      %get3A_404 = arith.constant 1 : i32
      %get3A_405 = arith.index_cast %get3A_404 : i32 to index
      %get3A_406 = arith.index_cast %min3A_396 : i32 to index
      %get3A_407 = tpu.vector_load %arg9[%get3A_405, %get3A_406] {strides = array<i32>} : memref<8x1000xf32, #tpu.memory_space<vmem>>, vector<16xf32>,
      %add3A_408 = arith.constant 9216 : i32
      %add3A_409 = arith.addi %add3A_408, %min3A_396 : i32
      %swap3A_410 = arith.index_cast %add3A_409 : i32 to index
      %swap3A_411 = tpu.vector_load %arg8[%swap3A_410] {strides = array<i32>} : memref<32768xf32, #tpu.memory_space<vmem>>, vector<16xf32>,
      tpu.vector_store %arg8[%swap3A_410], %get3A_407 {strides = array<i32>} : memref<32768xf32, #tpu.memory_space<vmem>>, vector<16xf32>,
      %get3A_412 = arith.constant 2 : i32
      %get3A_413 = arith.index_cast %get3A_412 : i32 to index
      %get3A_414 = arith.index_cast %min3A_396 : i32 to index
      %get3A_415 = tpu.vector_load %arg9[%get3A_413, %get3A_414] {strides = array<i32>} : memref<8x1000xf32, #tpu.memory_space<vmem>>, vector<16xf32>,
      %add3A_416 = arith.constant 10240 : i32
      %add3A_417 = arith.addi %add3A_416, %min3A_396 : i32
      %swap3A_418 = arith.index_cast %add3A_417 : i32 to index
      %swap3A_419 = tpu.vector_load %arg8[%swap3A_418] {strides = array<i32>} : memref<32768xf32, #tpu.memory_space<vmem>>, vector<16xf32>,
      tpu.vector_store %arg8[%swap3A_418], %get3A_415 {strides = array<i32>} : memref<32768xf32, #tpu.memory_space<vmem>>, vector<16xf32>,
      %get3A_420 = arith.constant 3 : i32
      %get3A_421 = arith.index_cast %get3A_420 : i32 to index
      %get3A_422 = arith.index_cast %min3A_396 : i32 to index
      %get3A_423 = tpu.vector_load %arg9[%get3A_421, %get3A_422] {strides = array<i32>} : memref<8x1000xf32, #tpu.memory_space<vmem>>, vector<16xf32>,
      %add3A_424 = arith.constant 11264 : i32
      %add3A_425 = arith.addi %add3A_424, %min3A_396 : i32
      %swap3A_426 = arith.index_cast %add3A_425 : i32 to index
      %swap3A_427 = tpu.vector_load %arg8[%swap3A_426] {strides = array<i32>} : memref<32768xf32, #tpu.memory_space<vmem>>, vector<16xf32>,
      tpu.vector_store %arg8[%swap3A_426], %get3A_423 {strides = array<i32>} : memref<32768xf32, #tpu.memory_space<vmem>>, vector<16xf32>,
      %get3A_428 = arith.constant 4 : i32
      %get3A_429 = arith.index_cast %get3A_428 : i32 to index
      %get3A_430 = arith.index_cast %min3A_396 : i32 to index
      %get3A_431 = tpu.vector_load %arg9[%get3A_429, %get3A_430] {strides = array<i32>} : memref<8x1000xf32, #tpu.memory_space<vmem>>, vector<16xf32>,
      %add3A_432 = arith.constant 12288 : i32
      %add3A_433 = arith.addi %add3A_432, %min3A_396 : i32
      %swap3A_434 = arith.index_cast %add3A_433 : i32 to index
      %swap3A_435 = tpu.vector_load %arg8[%swap3A_434] {strides = array<i32>} : memref<32768xf32, #tpu.memory_space<vmem>>, vector<16xf32>,
      tpu.vector_store %arg8[%swap3A_434], %get3A_431 {strides = array<i32>} : memref<32768xf32, #tpu.memory_space<vmem>>, vector<16xf32>,
      %get3A_436 = arith.constant 5 : i32
      %get3A_437 = arith.index_cast %get3A_436 : i32 to index
      %get3A_438 = arith.index_cast %min3A_396 : i32 to index
      %get3A_439 = tpu.vector_load %arg9[%get3A_437, %get3A_438] {strides = array<i32>} : memref<8x1000xf32, #tpu.memory_space<vmem>>, vector<16xf32>,
      %add3A_440 = arith.constant 13312 : i32
      %add3A_441 = arith.addi %add3A_440, %min3A_396 : i32
      %swap3A_442 = arith.index_cast %add3A_441 : i32 to index
      %swap3A_443 = tpu.vector_load %arg8[%swap3A_442] {strides = array<i32>} : memref<32768xf32, #tpu.memory_space<vmem>>, vector<16xf32>,
      tpu.vector_store %arg8[%swap3A_442], %get3A_439 {strides = array<i32>} : memref<32768xf32, #tpu.memory_space<vmem>>, vector<16xf32>,
      %get3A_444 = arith.constant 6 : i32
      %get3A_445 = arith.index_cast %get3A_444 : i32 to index
      %get3A_446 = arith.index_cast %min3A_396 : i32 to index
      %get3A_447 = tpu.vector_load %arg9[%get3A_445, %get3A_446] {strides = array<i32>} : memref<8x1000xf32, #tpu.memory_space<vmem>>, vector<16xf32>,
      %add3A_448 = arith.constant 14336 : i32
      %add3A_449 = arith.addi %add3A_448, %min3A_396 : i32
      %swap3A_450 = arith.index_cast %add3A_449 : i32 to index
      %swap3A_451 = tpu.vector_load %arg8[%swap3A_450] {strides = array<i32>} : memref<32768xf32, #tpu.memory_space<vmem>>, vector<16xf32>,
      tpu.vector_store %arg8[%swap3A_450], %get3A_447 {strides = array<i32>} : memref<32768xf32, #tpu.memory_space<vmem>>, vector<16xf32>,
      %get3A_452 = arith.constant 7 : i32
      %get3A_453 = arith.index_cast %get3A_452 : i32 to index
      %get3A_454 = arith.index_cast %min3A_396 : i32 to index
      %get3A_455 = tpu.vector_load %arg9[%get3A_453, %get3A_454] {strides = array<i32>} : memref<8x1000xf32, #tpu.memory_space<vmem>>, vector<16xf32>,
      %add3A_456 = arith.constant 15360 : i32
      %add3A_457 = arith.addi %add3A_456, %min3A_396 : i32
      %swap3A_458 = arith.index_cast %add3A_457 : i32 to index
      %swap3A_459 = tpu.vector_load %arg8[%swap3A_458] {strides = array<i32>} : memref<32768xf32, #tpu.memory_space<vmem>>, vector<16xf32>,
      tpu.vector_store %arg8[%swap3A_458], %get3A_455 {strides = array<i32>} : memref<32768xf32, #tpu.memory_space<vmem>>, vector<16xf32>,
    }
    %scan3A_22 = arith.constant 63 : i32
    %add3A_23 = arith.constant 16 : i32
    %add3A_24 = arith.addi %min3A_7, %add3A_23 : i32
    "tpu.region"() ({
      %run_scoped3A = tpu.sem_alloc : memref<!tpu.dma_semaphore, #tpu.memory_space<semaphore_mem>>
      %dma_start3A_392 = arith.constant 0 : i32
      %dma_start3A_393 = tpu.memref_slice %arg5[%add3A_24, %dma_start3A_392] : memref<1000x1000xf32, #tpu.memory_space<hbm>> -> memref<8x1000xf32, #tpu.memory_space<hbm>>
      %dma_start3A_394 = arith.constant 0 : i32
      %dma_start3A_395 = tpu.memref_slice %arg5[%add3A_24, %dma_start3A_394] : memref<1000x1000xf32, #tpu.memory_space<hbm>> -> memref<8x1000xf32, #tpu.memory_space<hbm>>
      tpu.enqueue_dma source(%dma_start3A_395 : memref<8x1000xf32, #tpu.memory_space<hbm>>) target(%arg9 : memref<8x1000xf32, #tpu.memory_space<vmem>>) target_semaphore(%run_scoped3A : memref<!tpu.dma_semaphore, #tpu.memory_space<semaphore_mem>>)
      %dma_wait3A = arith.constant 0 : i32
      %dma_wait3A_396 = tpu.memref_slice %arg5[%add3A_24, %dma_wait3A] : memref<1000x1000xf32, #tpu.memory_space<hbm>> -> memref<8x1000xf32, #tpu.memory_space<hbm>>
      %dma_wait3A_397 = arith.constant 0 : i32
      %dma_wait3A_398 = tpu.memref_slice %arg5[%add3A_24, %dma_wait3A_397] : memref<1000x1000xf32, #tpu.memory_space<hbm>> -> memref<8x1000xf32, #tpu.memory_space<hbm>>
      tpu.wait_dma2 semaphore(%run_scoped3A : memref<!tpu.dma_semaphore, #tpu.memory_space<semaphore_mem>>) src(%dma_wait3A_398 : memref<8x1000xf32, #tpu.memory_space<hbm>>) dst(%arg9 : memref<8x1000xf32, #tpu.memory_space<vmem>>)
      tpu.yield
    }) : () -> ()
    %scan3A_25 = arith.constant 0 : i32
    %scan3A_26 = arith.constant 0 : i32
    %scan3A_27 = arith.constant 63 : i32
    %scan3A_28 = arith.addi %scan3A_26, %scan3A_27 : i32
    %scan3A_29 = arith.constant 1 : i32
    scf.for %scan3A_392 = %scan3A_26 to %scan3A_28 step %scan3A_29  : i32 {
      %mul3A_393 = arith.constant 16 : i32
      %mul3A_394 = arith.muli %mul3A_393, %scan3A_392 : i32
      %min3A_395 = arith.constant 984 : i32
      %min3A_396 = arith.minsi %mul3A_394, %min3A_395 : i32
      %get3A = arith.constant 0 : i32
      %get3A_397 = arith.index_cast %get3A : i32 to index
      %get3A_398 = arith.index_cast %min3A_396 : i32 to index
      %get3A_399 = tpu.vector_load %arg9[%get3A_397, %get3A_398] {strides = array<i32>} : memref<8x1000xf32, #tpu.memory_space<vmem>>, vector<16xf32>,
      %add3A_400 = arith.constant 16384 : i32
      %add3A_401 = arith.addi %add3A_400, %min3A_396 : i32
      %swap3A_402 = arith.index_cast %add3A_401 : i32 to index
      %swap3A_403 = tpu.vector_load %arg8[%swap3A_402] {strides = array<i32>} : memref<32768xf32, #tpu.memory_space<vmem>>, vector<16xf32>,
      tpu.vector_store %arg8[%swap3A_402], %get3A_399 {strides = array<i32>} : memref<32768xf32, #tpu.memory_space<vmem>>, vector<16xf32>,
      %get3A_404 = arith.constant 1 : i32
      %get3A_405 = arith.index_cast %get3A_404 : i32 to index
      %get3A_406 = arith.index_cast %min3A_396 : i32 to index
      %get3A_407 = tpu.vector_load %arg9[%get3A_405, %get3A_406] {strides = array<i32>} : memref<8x1000xf32, #tpu.memory_space<vmem>>, vector<16xf32>,
      %add3A_408 = arith.constant 17408 : i32
      %add3A_409 = arith.addi %add3A_408, %min3A_396 : i32
      %swap3A_410 = arith.index_cast %add3A_409 : i32 to index
      %swap3A_411 = tpu.vector_load %arg8[%swap3A_410] {strides = array<i32>} : memref<32768xf32, #tpu.memory_space<vmem>>, vector<16xf32>,
      tpu.vector_store %arg8[%swap3A_410], %get3A_407 {strides = array<i32>} : memref<32768xf32, #tpu.memory_space<vmem>>, vector<16xf32>,
      %get3A_412 = arith.constant 2 : i32
      %get3A_413 = arith.index_cast %get3A_412 : i32 to index
      %get3A_414 = arith.index_cast %min3A_396 : i32 to index
      %get3A_415 = tpu.vector_load %arg9[%get3A_413, %get3A_414] {strides = array<i32>} : memref<8x1000xf32, #tpu.memory_space<vmem>>, vector<16xf32>,
      %add3A_416 = arith.constant 18432 : i32
      %add3A_417 = arith.addi %add3A_416, %min3A_396 : i32
      %swap3A_418 = arith.index_cast %add3A_417 : i32 to index
      %swap3A_419 = tpu.vector_load %arg8[%swap3A_418] {strides = array<i32>} : memref<32768xf32, #tpu.memory_space<vmem>>, vector<16xf32>,
      tpu.vector_store %arg8[%swap3A_418], %get3A_415 {strides = array<i32>} : memref<32768xf32, #tpu.memory_space<vmem>>, vector<16xf32>,
      %get3A_420 = arith.constant 3 : i32
      %get3A_421 = arith.index_cast %get3A_420 : i32 to index
      %get3A_422 = arith.index_cast %min3A_396 : i32 to index
      %get3A_423 = tpu.vector_load %arg9[%get3A_421, %get3A_422] {strides = array<i32>} : memref<8x1000xf32, #tpu.memory_space<vmem>>, vector<16xf32>,
      %add3A_424 = arith.constant 19456 : i32
      %add3A_425 = arith.addi %add3A_424, %min3A_396 : i32
      %swap3A_426 = arith.index_cast %add3A_425 : i32 to index
      %swap3A_427 = tpu.vector_load %arg8[%swap3A_426] {strides = array<i32>} : memref<32768xf32, #tpu.memory_space<vmem>>, vector<16xf32>,
      tpu.vector_store %arg8[%swap3A_426], %get3A_423 {strides = array<i32>} : memref<32768xf32, #tpu.memory_space<vmem>>, vector<16xf32>,
      %get3A_428 = arith.constant 4 : i32
      %get3A_429 = arith.index_cast %get3A_428 : i32 to index
      %get3A_430 = arith.index_cast %min3A_396 : i32 to index
      %get3A_431 = tpu.vector_load %arg9[%get3A_429, %get3A_430] {strides = array<i32>} : memref<8x1000xf32, #tpu.memory_space<vmem>>, vector<16xf32>,
      %add3A_432 = arith.constant 20480 : i32
      %add3A_433 = arith.addi %add3A_432, %min3A_396 : i32
      %swap3A_434 = arith.index_cast %add3A_433 : i32 to index
      %swap3A_435 = tpu.vector_load %arg8[%swap3A_434] {strides = array<i32>} : memref<32768xf32, #tpu.memory_space<vmem>>, vector<16xf32>,
      tpu.vector_store %arg8[%swap3A_434], %get3A_431 {strides = array<i32>} : memref<32768xf32, #tpu.memory_space<vmem>>, vector<16xf32>,
      %get3A_436 = arith.constant 5 : i32
      %get3A_437 = arith.index_cast %get3A_436 : i32 to index
      %get3A_438 = arith.index_cast %min3A_396 : i32 to index
      %get3A_439 = tpu.vector_load %arg9[%get3A_437, %get3A_438] {strides = array<i32>} : memref<8x1000xf32, #tpu.memory_space<vmem>>, vector<16xf32>,
      %add3A_440 = arith.constant 21504 : i32
      %add3A_441 = arith.addi %add3A_440, %min3A_396 : i32
      %swap3A_442 = arith.index_cast %add3A_441 : i32 to index
      %swap3A_443 = tpu.vector_load %arg8[%swap3A_442] {strides = array<i32>} : memref<32768xf32, #tpu.memory_space<vmem>>, vector<16xf32>,
      tpu.vector_store %arg8[%swap3A_442], %get3A_439 {strides = array<i32>} : memref<32768xf32, #tpu.memory_space<vmem>>, vector<16xf32>,
      %get3A_444 = arith.constant 6 : i32
      %get3A_445 = arith.index_cast %get3A_444 : i32 to index
      %get3A_446 = arith.index_cast %min3A_396 : i32 to index
      %get3A_447 = tpu.vector_load %arg9[%get3A_445, %get3A_446] {strides = array<i32>} : memref<8x1000xf32, #tpu.memory_space<vmem>>, vector<16xf32>,
      %add3A_448 = arith.constant 22528 : i32
      %add3A_449 = arith.addi %add3A_448, %min3A_396 : i32
      %swap3A_450 = arith.index_cast %add3A_449 : i32 to index
      %swap3A_451 = tpu.vector_load %arg8[%swap3A_450] {strides = array<i32>} : memref<32768xf32, #tpu.memory_space<vmem>>, vector<16xf32>,
      tpu.vector_store %arg8[%swap3A_450], %get3A_447 {strides = array<i32>} : memref<32768xf32, #tpu.memory_space<vmem>>, vector<16xf32>,
      %get3A_452 = arith.constant 7 : i32
      %get3A_453 = arith.index_cast %get3A_452 : i32 to index
      %get3A_454 = arith.index_cast %min3A_396 : i32 to index
      %get3A_455 = tpu.vector_load %arg9[%get3A_453, %get3A_454] {strides = array<i32>} : memref<8x1000xf32, #tpu.memory_space<vmem>>, vector<16xf32>,
      %add3A_456 = arith.constant 23552 : i32
      %add3A_457 = arith.addi %add3A_456, %min3A_396 : i32
      %swap3A_458 = arith.index_cast %add3A_457 : i32 to index
      %swap3A_459 = tpu.vector_load %arg8[%swap3A_458] {strides = array<i32>} : memref<32768xf32, #tpu.memory_space<vmem>>, vector<16xf32>,
      tpu.vector_store %arg8[%swap3A_458], %get3A_455 {strides = array<i32>} : memref<32768xf32, #tpu.memory_space<vmem>>, vector<16xf32>,
    }
    %scan3A_30 = arith.constant 63 : i32
    %add3A_31 = arith.constant 24 : i32
    %add3A_32 = arith.addi %min3A_7, %add3A_31 : i32
    "tpu.region"() ({
      %run_scoped3A = tpu.sem_alloc : memref<!tpu.dma_semaphore, #tpu.memory_space<semaphore_mem>>
      %dma_start3A_392 = arith.constant 0 : i32
      %dma_start3A_393 = tpu.memref_slice %arg5[%add3A_32, %dma_start3A_392] : memref<1000x1000xf32, #tpu.memory_space<hbm>> -> memref<8x1000xf32, #tpu.memory_space<hbm>>
      %dma_start3A_394 = arith.constant 0 : i32
      %dma_start3A_395 = tpu.memref_slice %arg5[%add3A_32, %dma_start3A_394] : memref<1000x1000xf32, #tpu.memory_space<hbm>> -> memref<8x1000xf32, #tpu.memory_space<hbm>>
      tpu.enqueue_dma source(%dma_start3A_395 : memref<8x1000xf32, #tpu.memory_space<hbm>>) target(%arg9 : memref<8x1000xf32, #tpu.memory_space<vmem>>) target_semaphore(%run_scoped3A : memref<!tpu.dma_semaphore, #tpu.memory_space<semaphore_mem>>)
      %dma_wait3A = arith.constant 0 : i32
      %dma_wait3A_396 = tpu.memref_slice %arg5[%add3A_32, %dma_wait3A] : memref<1000x1000xf32, #tpu.memory_space<hbm>> -> memref<8x1000xf32, #tpu.memory_space<hbm>>
      %dma_wait3A_397 = arith.constant 0 : i32
      %dma_wait3A_398 = tpu.memref_slice %arg5[%add3A_32, %dma_wait3A_397] : memref<1000x1000xf32, #tpu.memory_space<hbm>> -> memref<8x1000xf32, #tpu.memory_space<hbm>>
      tpu.wait_dma2 semaphore(%run_scoped3A : memref<!tpu.dma_semaphore, #tpu.memory_space<semaphore_mem>>) src(%dma_wait3A_398 : memref<8x1000xf32, #tpu.memory_space<hbm>>) dst(%arg9 : memref<8x1000xf32, #tpu.memory_space<vmem>>)
      tpu.yield
    }) : () -> ()
    %scan3A_33 = arith.constant 0 : i32
    %scan3A_34 = arith.constant 0 : i32
    %scan3A_35 = arith.constant 63 : i32
    %scan3A_36 = arith.addi %scan3A_34, %scan3A_35 : i32
    %scan3A_37 = arith.constant 1 : i32
    scf.for %scan3A_392 = %scan3A_34 to %scan3A_36 step %scan3A_37  : i32 {
      %mul3A_393 = arith.constant 16 : i32
      %mul3A_394 = arith.muli %mul3A_393, %scan3A_392 : i32
      %min3A_395 = arith.constant 984 : i32
      %min3A_396 = arith.minsi %mul3A_394, %min3A_395 : i32
      %get3A = arith.constant 0 : i32
      %get3A_397 = arith.index_cast %get3A : i32 to index
      %get3A_398 = arith.index_cast %min3A_396 : i32 to index
      %get3A_399 = tpu.vector_load %arg9[%get3A_397, %get3A_398] {strides = array<i32>} : memref<8x1000xf32, #tpu.memory_space<vmem>>, vector<16xf32>,
      %add3A_400 = arith.constant 24576 : i32
      %add3A_401 = arith.addi %add3A_400, %min3A_396 : i32
      %swap3A_402 = arith.index_cast %add3A_401 : i32 to index
      %swap3A_403 = tpu.vector_load %arg8[%swap3A_402] {strides = array<i32>} : memref<32768xf32, #tpu.memory_space<vmem>>, vector<16xf32>,
      tpu.vector_store %arg8[%swap3A_402], %get3A_399 {strides = array<i32>} : memref<32768xf32, #tpu.memory_space<vmem>>, vector<16xf32>,
      %get3A_404 = arith.constant 1 : i32
      %get3A_405 = arith.index_cast %get3A_404 : i32 to index
      %get3A_406 = arith.index_cast %min3A_396 : i32 to index
      %get3A_407 = tpu.vector_load %arg9[%get3A_405, %get3A_406] {strides = array<i32>} : memref<8x1000xf32, #tpu.memory_space<vmem>>, vector<16xf32>,
      %add3A_408 = arith.constant 25600 : i32
      %add3A_409 = arith.addi %add3A_408, %min3A_396 : i32
      %swap3A_410 = arith.index_cast %add3A_409 : i32 to index
      %swap3A_411 = tpu.vector_load %arg8[%swap3A_410] {strides = array<i32>} : memref<32768xf32, #tpu.memory_space<vmem>>, vector<16xf32>,
      tpu.vector_store %arg8[%swap3A_410], %get3A_407 {strides = array<i32>} : memref<32768xf32, #tpu.memory_space<vmem>>, vector<16xf32>,
      %get3A_412 = arith.constant 2 : i32
      %get3A_413 = arith.index_cast %get3A_412 : i32 to index
      %get3A_414 = arith.index_cast %min3A_396 : i32 to index
      %get3A_415 = tpu.vector_load %arg9[%get3A_413, %get3A_414] {strides = array<i32>} : memref<8x1000xf32, #tpu.memory_space<vmem>>, vector<16xf32>,
      %add3A_416 = arith.constant 26624 : i32
      %add3A_417 = arith.addi %add3A_416, %min3A_396 : i32
      %swap3A_418 = arith.index_cast %add3A_417 : i32 to index
      %swap3A_419 = tpu.vector_load %arg8[%swap3A_418] {strides = array<i32>} : memref<32768xf32, #tpu.memory_space<vmem>>, vector<16xf32>,
      tpu.vector_store %arg8[%swap3A_418], %get3A_415 {strides = array<i32>} : memref<32768xf32, #tpu.memory_space<vmem>>, vector<16xf32>,
      %get3A_420 = arith.constant 3 : i32
      %get3A_421 = arith.index_cast %get3A_420 : i32 to index
      %get3A_422 = arith.index_cast %min3A_396 : i32 to index
      %get3A_423 = tpu.vector_load %arg9[%get3A_421, %get3A_422] {strides = array<i32>} : memref<8x1000xf32, #tpu.memory_space<vmem>>, vector<16xf32>,
      %add3A_424 = arith.constant 27648 : i32
      %add3A_425 = arith.addi %add3A_424, %min3A_396 : i32
      %swap3A_426 = arith.index_cast %add3A_425 : i32 to index
      %swap3A_427 = tpu.vector_load %arg8[%swap3A_426] {strides = array<i32>} : memref<32768xf32, #tpu.memory_space<vmem>>, vector<16xf32>,
      tpu.vector_store %arg8[%swap3A_426], %get3A_423 {strides = array<i32>} : memref<32768xf32, #tpu.memory_space<vmem>>, vector<16xf32>,
      %get3A_428 = arith.constant 4 : i32
      %get3A_429 = arith.index_cast %get3A_428 : i32 to index
      %get3A_430 = arith.index_cast %min3A_396 : i32 to index
      %get3A_431 = tpu.vector_load %arg9[%get3A_429, %get3A_430] {strides = array<i32>} : memref<8x1000xf32, #tpu.memory_space<vmem>>, vector<16xf32>,
      %add3A_432 = arith.constant 28672 : i32
      %add3A_433 = arith.addi %add3A_432, %min3A_396 : i32
      %swap3A_434 = arith.index_cast %add3A_433 : i32 to index
      %swap3A_435 = tpu.vector_load %arg8[%swap3A_434] {strides = array<i32>} : memref<32768xf32, #tpu.memory_space<vmem>>, vector<16xf32>,
      tpu.vector_store %arg8[%swap3A_434], %get3A_431 {strides = array<i32>} : memref<32768xf32, #tpu.memory_space<vmem>>, vector<16xf32>,
      %get3A_436 = arith.constant 5 : i32
      %get3A_437 = arith.index_cast %get3A_436 : i32 to index
      %get3A_438 = arith.index_cast %min3A_396 : i32 to index
      %get3A_439 = tpu.vector_load %arg9[%get3A_437, %get3A_438] {strides = array<i32>} : memref<8x1000xf32, #tpu.memory_space<vmem>>, vector<16xf32>,
      %add3A_440 = arith.constant 29696 : i32
      %add3A_441 = arith.addi %add3A_440, %min3A_396 : i32
      %swap3A_442 = arith.index_cast %add3A_441 : i32 to index
      %swap3A_443 = tpu.vector_load %arg8[%swap3A_442] {strides = array<i32>} : memref<32768xf32, #tpu.memory_space<vmem>>, vector<16xf32>,
      tpu.vector_store %arg8[%swap3A_442], %get3A_439 {strides = array<i32>} : memref<32768xf32, #tpu.memory_space<vmem>>, vector<16xf32>,
      %get3A_444 = arith.constant 6 : i32
      %get3A_445 = arith.index_cast %get3A_444 : i32 to index
      %get3A_446 = arith.index_cast %min3A_396 : i32 to index
      %get3A_447 = tpu.vector_load %arg9[%get3A_445, %get3A_446] {strides = array<i32>} : memref<8x1000xf32, #tpu.memory_space<vmem>>, vector<16xf32>,
      %add3A_448 = arith.constant 30720 : i32
      %add3A_449 = arith.addi %add3A_448, %min3A_396 : i32
      %swap3A_450 = arith.index_cast %add3A_449 : i32 to index
      %swap3A_451 = tpu.vector_load %arg8[%swap3A_450] {strides = array<i32>} : memref<32768xf32, #tpu.memory_space<vmem>>, vector<16xf32>,
      tpu.vector_store %arg8[%swap3A_450], %get3A_447 {strides = array<i32>} : memref<32768xf32, #tpu.memory_space<vmem>>, vector<16xf32>,
      %get3A_452 = arith.constant 7 : i32
      %get3A_453 = arith.index_cast %get3A_452 : i32 to index
      %get3A_454 = arith.index_cast %min3A_396 : i32 to index
      %get3A_455 = tpu.vector_load %arg9[%get3A_453, %get3A_454] {strides = array<i32>} : memref<8x1000xf32, #tpu.memory_space<vmem>>, vector<16xf32>,
      %add3A_456 = arith.constant 31744 : i32
      %add3A_457 = arith.addi %add3A_456, %min3A_396 : i32
      %swap3A_458 = arith.index_cast %add3A_457 : i32 to index
      %swap3A_459 = tpu.vector_load %arg8[%swap3A_458] {strides = array<i32>} : memref<32768xf32, #tpu.memory_space<vmem>>, vector<16xf32>,
      tpu.vector_store %arg8[%swap3A_458], %get3A_455 {strides = array<i32>} : memref<32768xf32, #tpu.memory_space<vmem>>, vector<16xf32>,
    }
    %scan3A_38 = arith.constant 63 : i32
    "tpu.region"() ({
      %run_scoped3A = tpu.sem_alloc : memref<!tpu.dma_semaphore, #tpu.memory_space<semaphore_mem>>
      tpu.enqueue_dma source(%arg4 : memref<1000xf32, #tpu.memory_space<hbm>>) target(%arg14 : memref<1000xf32, #tpu.memory_space<vmem>>) target_semaphore(%run_scoped3A : memref<!tpu.dma_semaphore, #tpu.memory_space<semaphore_mem>>)
      tpu.wait_dma2 semaphore(%run_scoped3A : memref<!tpu.dma_semaphore, #tpu.memory_space<semaphore_mem>>) src(%arg4 : memref<1000xf32, #tpu.memory_space<hbm>>) dst(%arg14 : memref<1000xf32, #tpu.memory_space<vmem>>)
      tpu.yield
    }) : () -> ()
    %broadcast_in_dim3A = arith.constant 0.000000e+00 : f32
    %broadcast_in_dim3A_39 = vector.broadcast %broadcast_in_dim3A : f32 to vector<16xf32>
    %swap3A = arith.constant 0 : index
    %swap3A_40 = tpu.vector_load %arg23[%swap3A] {strides = array<i32>} : memref<16xf32, #tpu.memory_space<vmem>>, vector<16xf32>,
    tpu.vector_store %arg23[%swap3A], %broadcast_in_dim3A_39 {strides = array<i32>} : memref<16xf32, #tpu.memory_space<vmem>>, vector<16xf32>,
    %add3A_41 = arith.constant 0 : i32
    %add3A_42 = arith.addi %mul3A_2, %add3A_41 : i32
    %sub3A = arith.subi %add3A_42, %min3A_7 : i32
    %add3A_43 = arith.constant 0 : i32
    %add3A_44 = arith.addi %sub3A, %add3A_43 : i32
    %min3A_45 = arith.constant 31 : i32
    %min3A_46 = arith.minsi %add3A_44, %min3A_45 : i32
    %mul3A_47 = arith.constant 1024 : i32
    %mul3A_48 = arith.muli %min3A_46, %mul3A_47 : i32
    %add3A_49 = arith.constant 0 : i32
    %add3A_50 = arith.addi %mul3A_2, %add3A_49 : i32
    %sub3A_51 = arith.subi %add3A_50, %min3A_7 : i32
    %add3A_52 = arith.constant 1 : i32
    %add3A_53 = arith.addi %sub3A_51, %add3A_52 : i32
    %min3A_54 = arith.constant 31 : i32
    %min3A_55 = arith.minsi %add3A_53, %min3A_54 : i32
    %mul3A_56 = arith.constant 1024 : i32
    %mul3A_57 = arith.muli %min3A_55, %mul3A_56 : i32
    %add3A_58 = arith.constant 0 : i32
    %add3A_59 = arith.addi %mul3A_2, %add3A_58 : i32
    %sub3A_60 = arith.subi %add3A_59, %min3A_7 : i32
    %add3A_61 = arith.constant 2 : i32
    %add3A_62 = arith.addi %sub3A_60, %add3A_61 : i32
    %min3A_63 = arith.constant 31 : i32
    %min3A_64 = arith.minsi %add3A_62, %min3A_63 : i32
    %mul3A_65 = arith.constant 1024 : i32
    %mul3A_66 = arith.muli %min3A_64, %mul3A_65 : i32
    %add3A_67 = arith.constant 0 : i32
    %add3A_68 = arith.addi %mul3A_2, %add3A_67 : i32
    %sub3A_69 = arith.subi %add3A_68, %min3A_7 : i32
    %add3A_70 = arith.constant 3 : i32
    %add3A_71 = arith.addi %sub3A_69, %add3A_70 : i32
    %min3A_72 = arith.constant 31 : i32
    %min3A_73 = arith.minsi %add3A_71, %min3A_72 : i32
    %mul3A_74 = arith.constant 1024 : i32
    %mul3A_75 = arith.muli %min3A_73, %mul3A_74 : i32
    %add3A_76 = arith.constant 0 : i32
    %add3A_77 = arith.addi %mul3A_2, %add3A_76 : i32
    %sub3A_78 = arith.subi %add3A_77, %min3A_7 : i32
    %add3A_79 = arith.constant 4 : i32
    %add3A_80 = arith.addi %sub3A_78, %add3A_79 : i32
    %min3A_81 = arith.constant 31 : i32
    %min3A_82 = arith.minsi %add3A_80, %min3A_81 : i32
    %mul3A_83 = arith.constant 1024 : i32
    %mul3A_84 = arith.muli %min3A_82, %mul3A_83 : i32
    %add3A_85 = arith.constant 0 : i32
    %add3A_86 = arith.addi %mul3A_2, %add3A_85 : i32
    %sub3A_87 = arith.subi %add3A_86, %min3A_7 : i32
    %add3A_88 = arith.constant 5 : i32
    %add3A_89 = arith.addi %sub3A_87, %add3A_88 : i32
    %min3A_90 = arith.constant 31 : i32
    %min3A_91 = arith.minsi %add3A_89, %min3A_90 : i32
    %mul3A_92 = arith.constant 1024 : i32
    %mul3A_93 = arith.muli %min3A_91, %mul3A_92 : i32
    %add3A_94 = arith.constant 0 : i32
    %add3A_95 = arith.addi %mul3A_2, %add3A_94 : i32
    %sub3A_96 = arith.subi %add3A_95, %min3A_7 : i32
    %add3A_97 = arith.constant 6 : i32
    %add3A_98 = arith.addi %sub3A_96, %add3A_97 : i32
    %min3A_99 = arith.constant 31 : i32
    %min3A_100 = arith.minsi %add3A_98, %min3A_99 : i32
    %mul3A_101 = arith.constant 1024 : i32
    %mul3A_102 = arith.muli %min3A_100, %mul3A_101 : i32
    %add3A_103 = arith.constant 0 : i32
    %add3A_104 = arith.addi %mul3A_2, %add3A_103 : i32
    %sub3A_105 = arith.subi %add3A_104, %min3A_7 : i32
    %add3A_106 = arith.constant 7 : i32
    %add3A_107 = arith.addi %sub3A_105, %add3A_106 : i32
    %min3A_108 = arith.constant 31 : i32
    %min3A_109 = arith.minsi %add3A_107, %min3A_108 : i32
    %mul3A_110 = arith.constant 1024 : i32
    %mul3A_111 = arith.muli %min3A_109, %mul3A_110 : i32
    %add3A_112 = arith.constant 8 : i32
    %add3A_113 = arith.addi %mul3A_2, %add3A_112 : i32
    %sub3A_114 = arith.subi %add3A_113, %min3A_7 : i32
    %add3A_115 = arith.constant 0 : i32
    %add3A_116 = arith.addi %sub3A_114, %add3A_115 : i32
    %min3A_117 = arith.constant 31 : i32
    %min3A_118 = arith.minsi %add3A_116, %min3A_117 : i32
    %mul3A_119 = arith.constant 1024 : i32
    %mul3A_120 = arith.muli %min3A_118, %mul3A_119 : i32
    %add3A_121 = arith.constant 8 : i32
    %add3A_122 = arith.addi %mul3A_2, %add3A_121 : i32
    %sub3A_123 = arith.subi %add3A_122, %min3A_7 : i32
    %add3A_124 = arith.constant 1 : i32
    %add3A_125 = arith.addi %sub3A_123, %add3A_124 : i32
    %min3A_126 = arith.constant 31 : i32
    %min3A_127 = arith.minsi %add3A_125, %min3A_126 : i32
    %mul3A_128 = arith.constant 1024 : i32
    %mul3A_129 = arith.muli %min3A_127, %mul3A_128 : i32
    %add3A_130 = arith.constant 8 : i32
    %add3A_131 = arith.addi %mul3A_2, %add3A_130 : i32
    %sub3A_132 = arith.subi %add3A_131, %min3A_7 : i32
    %add3A_133 = arith.constant 2 : i32
    %add3A_134 = arith.addi %sub3A_132, %add3A_133 : i32
    %min3A_135 = arith.constant 31 : i32
    %min3A_136 = arith.minsi %add3A_134, %min3A_135 : i32
    %mul3A_137 = arith.constant 1024 : i32
    %mul3A_138 = arith.muli %min3A_136, %mul3A_137 : i32
    %add3A_139 = arith.constant 8 : i32
    %add3A_140 = arith.addi %mul3A_2, %add3A_139 : i32
    %sub3A_141 = arith.subi %add3A_140, %min3A_7 : i32
    %add3A_142 = arith.constant 3 : i32
    %add3A_143 = arith.addi %sub3A_141, %add3A_142 : i32
    %min3A_144 = arith.constant 31 : i32
    %min3A_145 = arith.minsi %add3A_143, %min3A_144 : i32
    %mul3A_146 = arith.constant 1024 : i32
    %mul3A_147 = arith.muli %min3A_145, %mul3A_146 : i32
    %add3A_148 = arith.constant 8 : i32
    %add3A_149 = arith.addi %mul3A_2, %add3A_148 : i32
    %sub3A_150 = arith.subi %add3A_149, %min3A_7 : i32
    %add3A_151 = arith.constant 4 : i32
    %add3A_152 = arith.addi %sub3A_150, %add3A_151 : i32
    %min3A_153 = arith.constant 31 : i32
    %min3A_154 = arith.minsi %add3A_152, %min3A_153 : i32
    %mul3A_155 = arith.constant 1024 : i32
    %mul3A_156 = arith.muli %min3A_154, %mul3A_155 : i32
    %add3A_157 = arith.constant 8 : i32
    %add3A_158 = arith.addi %mul3A_2, %add3A_157 : i32
    %sub3A_159 = arith.subi %add3A_158, %min3A_7 : i32
    %add3A_160 = arith.constant 5 : i32
    %add3A_161 = arith.addi %sub3A_159, %add3A_160 : i32
    %min3A_162 = arith.constant 31 : i32
    %min3A_163 = arith.minsi %add3A_161, %min3A_162 : i32
    %mul3A_164 = arith.constant 1024 : i32
    %mul3A_165 = arith.muli %min3A_163, %mul3A_164 : i32
    %add3A_166 = arith.constant 8 : i32
    %add3A_167 = arith.addi %mul3A_2, %add3A_166 : i32
    %sub3A_168 = arith.subi %add3A_167, %min3A_7 : i32
    %add3A_169 = arith.constant 6 : i32
    %add3A_170 = arith.addi %sub3A_168, %add3A_169 : i32
    %min3A_171 = arith.constant 31 : i32
    %min3A_172 = arith.minsi %add3A_170, %min3A_171 : i32
    %mul3A_173 = arith.constant 1024 : i32
    %mul3A_174 = arith.muli %min3A_172, %mul3A_173 : i32
    %add3A_175 = arith.constant 8 : i32
    %add3A_176 = arith.addi %mul3A_2, %add3A_175 : i32
    %sub3A_177 = arith.subi %add3A_176, %min3A_7 : i32
    %add3A_178 = arith.constant 7 : i32
    %add3A_179 = arith.addi %sub3A_177, %add3A_178 : i32
    %min3A_180 = arith.constant 31 : i32
    %min3A_181 = arith.minsi %add3A_179, %min3A_180 : i32
    %mul3A_182 = arith.constant 1024 : i32
    %mul3A_183 = arith.muli %min3A_181, %mul3A_182 : i32
    %add3A_184 = arith.constant 16 : i32
    %add3A_185 = arith.addi %mul3A_2, %add3A_184 : i32
    %sub3A_186 = arith.subi %add3A_185, %min3A_7 : i32
    %add3A_187 = arith.constant 0 : i32
    %add3A_188 = arith.addi %sub3A_186, %add3A_187 : i32
    %min3A_189 = arith.constant 31 : i32
    %min3A_190 = arith.minsi %add3A_188, %min3A_189 : i32
    %mul3A_191 = arith.constant 1024 : i32
    %mul3A_192 = arith.muli %min3A_190, %mul3A_191 : i32
    %add3A_193 = arith.constant 16 : i32
    %add3A_194 = arith.addi %mul3A_2, %add3A_193 : i32
    %sub3A_195 = arith.subi %add3A_194, %min3A_7 : i32
    %add3A_196 = arith.constant 1 : i32
    %add3A_197 = arith.addi %sub3A_195, %add3A_196 : i32
    %min3A_198 = arith.constant 31 : i32
    %min3A_199 = arith.minsi %add3A_197, %min3A_198 : i32
    %mul3A_200 = arith.constant 1024 : i32
    %mul3A_201 = arith.muli %min3A_199, %mul3A_200 : i32
    %add3A_202 = arith.constant 16 : i32
    %add3A_203 = arith.addi %mul3A_2, %add3A_202 : i32
    %sub3A_204 = arith.subi %add3A_203, %min3A_7 : i32
    %add3A_205 = arith.constant 2 : i32
    %add3A_206 = arith.addi %sub3A_204, %add3A_205 : i32
    %min3A_207 = arith.constant 31 : i32
    %min3A_208 = arith.minsi %add3A_206, %min3A_207 : i32
    %mul3A_209 = arith.constant 1024 : i32
    %mul3A_210 = arith.muli %min3A_208, %mul3A_209 : i32
    %add3A_211 = arith.constant 16 : i32
    %add3A_212 = arith.addi %mul3A_2, %add3A_211 : i32
    %sub3A_213 = arith.subi %add3A_212, %min3A_7 : i32
    %add3A_214 = arith.constant 3 : i32
    %add3A_215 = arith.addi %sub3A_213, %add3A_214 : i32
    %min3A_216 = arith.constant 31 : i32
    %min3A_217 = arith.minsi %add3A_215, %min3A_216 : i32
    %mul3A_218 = arith.constant 1024 : i32
    %mul3A_219 = arith.muli %min3A_217, %mul3A_218 : i32
    %add3A_220 = arith.constant 16 : i32
    %add3A_221 = arith.addi %mul3A_2, %add3A_220 : i32
    %sub3A_222 = arith.subi %add3A_221, %min3A_7 : i32
    %add3A_223 = arith.constant 4 : i32
    %add3A_224 = arith.addi %sub3A_222, %add3A_223 : i32
    %min3A_225 = arith.constant 31 : i32
    %min3A_226 = arith.minsi %add3A_224, %min3A_225 : i32
    %mul3A_227 = arith.constant 1024 : i32
    %mul3A_228 = arith.muli %min3A_226, %mul3A_227 : i32
    %add3A_229 = arith.constant 16 : i32
    %add3A_230 = arith.addi %mul3A_2, %add3A_229 : i32
    %sub3A_231 = arith.subi %add3A_230, %min3A_7 : i32
    %add3A_232 = arith.constant 5 : i32
    %add3A_233 = arith.addi %sub3A_231, %add3A_232 : i32
    %min3A_234 = arith.constant 31 : i32
    %min3A_235 = arith.minsi %add3A_233, %min3A_234 : i32
    %mul3A_236 = arith.constant 1024 : i32
    %mul3A_237 = arith.muli %min3A_235, %mul3A_236 : i32
    %add3A_238 = arith.constant 16 : i32
    %add3A_239 = arith.addi %mul3A_2, %add3A_238 : i32
    %sub3A_240 = arith.subi %add3A_239, %min3A_7 : i32
    %add3A_241 = arith.constant 6 : i32
    %add3A_242 = arith.addi %sub3A_240, %add3A_241 : i32
    %min3A_243 = arith.constant 31 : i32
    %min3A_244 = arith.minsi %add3A_242, %min3A_243 : i32
    %mul3A_245 = arith.constant 1024 : i32
    %mul3A_246 = arith.muli %min3A_244, %mul3A_245 : i32
    %add3A_247 = arith.constant 16 : i32
    %add3A_248 = arith.addi %mul3A_2, %add3A_247 : i32
    %sub3A_249 = arith.subi %add3A_248, %min3A_7 : i32
    %add3A_250 = arith.constant 7 : i32
    %add3A_251 = arith.addi %sub3A_249, %add3A_250 : i32
    %min3A_252 = arith.constant 31 : i32
    %min3A_253 = arith.minsi %add3A_251, %min3A_252 : i32
    %mul3A_254 = arith.constant 1024 : i32
    %mul3A_255 = arith.muli %min3A_253, %mul3A_254 : i32
    %add3A_256 = arith.constant 24 : i32
    %add3A_257 = arith.addi %mul3A_2, %add3A_256 : i32
    %sub3A_258 = arith.subi %add3A_257, %min3A_7 : i32
    %add3A_259 = arith.constant 0 : i32
    %add3A_260 = arith.addi %sub3A_258, %add3A_259 : i32
    %min3A_261 = arith.constant 31 : i32
    %min3A_262 = arith.minsi %add3A_260, %min3A_261 : i32
    %mul3A_263 = arith.constant 1024 : i32
    %mul3A_264 = arith.muli %min3A_262, %mul3A_263 : i32
    %add3A_265 = arith.constant 24 : i32
    %add3A_266 = arith.addi %mul3A_2, %add3A_265 : i32
    %sub3A_267 = arith.subi %add3A_266, %min3A_7 : i32
    %add3A_268 = arith.constant 1 : i32
    %add3A_269 = arith.addi %sub3A_267, %add3A_268 : i32
    %min3A_270 = arith.constant 31 : i32
    %min3A_271 = arith.minsi %add3A_269, %min3A_270 : i32
    %mul3A_272 = arith.constant 1024 : i32
    %mul3A_273 = arith.muli %min3A_271, %mul3A_272 : i32
    %add3A_274 = arith.constant 24 : i32
    %add3A_275 = arith.addi %mul3A_2, %add3A_274 : i32
    %sub3A_276 = arith.subi %add3A_275, %min3A_7 : i32
    %add3A_277 = arith.constant 2 : i32
    %add3A_278 = arith.addi %sub3A_276, %add3A_277 : i32
    %min3A_279 = arith.constant 31 : i32
    %min3A_280 = arith.minsi %add3A_278, %min3A_279 : i32
    %mul3A_281 = arith.constant 1024 : i32
    %mul3A_282 = arith.muli %min3A_280, %mul3A_281 : i32
    %add3A_283 = arith.constant 24 : i32
    %add3A_284 = arith.addi %mul3A_2, %add3A_283 : i32
    %sub3A_285 = arith.subi %add3A_284, %min3A_7 : i32
    %add3A_286 = arith.constant 3 : i32
    %add3A_287 = arith.addi %sub3A_285, %add3A_286 : i32
    %min3A_288 = arith.constant 31 : i32
    %min3A_289 = arith.minsi %add3A_287, %min3A_288 : i32
    %mul3A_290 = arith.constant 1024 : i32
    %mul3A_291 = arith.muli %min3A_289, %mul3A_290 : i32
    %add3A_292 = arith.constant 24 : i32
    %add3A_293 = arith.addi %mul3A_2, %add3A_292 : i32
    %sub3A_294 = arith.subi %add3A_293, %min3A_7 : i32
    %add3A_295 = arith.constant 4 : i32
    %add3A_296 = arith.addi %sub3A_294, %add3A_295 : i32
    %min3A_297 = arith.constant 31 : i32
    %min3A_298 = arith.minsi %add3A_296, %min3A_297 : i32
    %mul3A_299 = arith.constant 1024 : i32
    %mul3A_300 = arith.muli %min3A_298, %mul3A_299 : i32
    %add3A_301 = arith.constant 24 : i32
    %add3A_302 = arith.addi %mul3A_2, %add3A_301 : i32
    %sub3A_303 = arith.subi %add3A_302, %min3A_7 : i32
    %add3A_304 = arith.constant 5 : i32
    %add3A_305 = arith.addi %sub3A_303, %add3A_304 : i32
    %min3A_306 = arith.constant 31 : i32
    %min3A_307 = arith.minsi %add3A_305, %min3A_306 : i32
    %mul3A_308 = arith.constant 1024 : i32
    %mul3A_309 = arith.muli %min3A_307, %mul3A_308 : i32
    %add3A_310 = arith.constant 24 : i32
    %add3A_311 = arith.addi %mul3A_2, %add3A_310 : i32
    %sub3A_312 = arith.subi %add3A_311, %min3A_7 : i32
    %add3A_313 = arith.constant 6 : i32
    %add3A_314 = arith.addi %sub3A_312, %add3A_313 : i32
    %min3A_315 = arith.constant 31 : i32
    %min3A_316 = arith.minsi %add3A_314, %min3A_315 : i32
    %mul3A_317 = arith.constant 1024 : i32
    %mul3A_318 = arith.muli %min3A_316, %mul3A_317 : i32
    %add3A_319 = arith.constant 24 : i32
    %add3A_320 = arith.addi %mul3A_2, %add3A_319 : i32
    %sub3A_321 = arith.subi %add3A_320, %min3A_7 : i32
    %add3A_322 = arith.constant 7 : i32
    %add3A_323 = arith.addi %sub3A_321, %add3A_322 : i32
    %min3A_324 = arith.constant 31 : i32
    %min3A_325 = arith.minsi %add3A_323, %min3A_324 : i32
    %mul3A_326 = arith.constant 1024 : i32
    %mul3A_327 = arith.muli %min3A_325, %mul3A_326 : i32
    %dma_start3A = arith.constant 0 : i32
    %dma_start3A_328 = arith.constant 0 : i32
    %dma_start3A_329 = tpu.memref_slice %arg2[%dma_start3A, %dma_start3A_328] : memref<50x1024xi32, #tpu.memory_space<hbm>> -> memref<1x1024xi32, #tpu.memory_space<hbm>>
    %dma_start3A_330 = tpu.memref_squeeze %dma_start3A_329 : memref<1x1024xi32, #tpu.memory_space<hbm>> -> memref<1024xi32, #tpu.memory_space<hbm>>
    %dma_start3A_331 = arith.constant 0 : i32
    %dma_start3A_332 = tpu.memref_slice %arg2[%dma_start3A, %dma_start3A_331] : memref<50x1024xi32, #tpu.memory_space<hbm>> -> memref<1x1024xi32, #tpu.memory_space<hbm>>
    %dma_start3A_333 = tpu.memref_squeeze %dma_start3A_332 : memref<1x1024xi32, #tpu.memory_space<hbm>> -> memref<1024xi32, #tpu.memory_space<hbm>>
    tpu.enqueue_dma source(%dma_start3A_333 : memref<1024xi32, #tpu.memory_space<hbm>>) target(%arg10 : memref<1024xi32, #tpu.memory_space<vmem>>) target_semaphore(%arg24 : memref<!tpu.dma_semaphore, #tpu.memory_space<semaphore_mem>>)
    %dma_start3A_334 = arith.constant 0 : i32
    %dma_start3A_335 = arith.constant 0 : i32
    %dma_start3A_336 = tpu.memref_slice %arg3[%dma_start3A_334, %dma_start3A_335] : memref<50x1024xi32, #tpu.memory_space<hbm>> -> memref<1x1024xi32, #tpu.memory_space<hbm>>
    %dma_start3A_337 = tpu.memref_squeeze %dma_start3A_336 : memref<1x1024xi32, #tpu.memory_space<hbm>> -> memref<1024xi32, #tpu.memory_space<hbm>>
    %dma_start3A_338 = arith.constant 0 : i32
    %dma_start3A_339 = tpu.memref_slice %arg3[%dma_start3A_334, %dma_start3A_338] : memref<50x1024xi32, #tpu.memory_space<hbm>> -> memref<1x1024xi32, #tpu.memory_space<hbm>>
    %dma_start3A_340 = tpu.memref_squeeze %dma_start3A_339 : memref<1x1024xi32, #tpu.memory_space<hbm>> -> memref<1024xi32, #tpu.memory_space<hbm>>
    tpu.enqueue_dma source(%dma_start3A_340 : memref<1024xi32, #tpu.memory_space<hbm>>) target(%arg12 : memref<1024xi32, #tpu.memory_space<vmem>>) target_semaphore(%arg24 : memref<!tpu.dma_semaphore, #tpu.memory_space<semaphore_mem>>)
    %scan3A_341 = arith.constant 0 : i32
    %scan3A_342 = arith.constant 0 : i32
    %scan3A_343 = arith.constant 25 : i32
    %scan3A_344 = arith.addi %scan3A_342, %scan3A_343 : i32
    %scan3A_345 = arith.constant 1 : i32
    scf.for %scan3A_392 = %scan3A_342 to %scan3A_344 step %scan3A_345  : i32 {
      %mul3A_393 = arith.constant 2 : i32
      %mul3A_394 = arith.muli %mul3A_393, %scan3A_392 : i32
      %ge3A = arith.constant 2 : i32
      %ge3A_395 = arith.cmpi sge, %mul3A_394, %ge3A : i32
      %convert_element_type3A_396 = arith.extui %ge3A_395 : i1 to i32
      %cond3A_397 = arith.constant 0 : i32
      %cond3A_398 = arith.cmpi ne, %convert_element_type3A_396, %cond3A_397 : i32
      scf.if %cond3A_398 {
        %add3A_570 = arith.constant 0 : i32
        %add3A_571 = arith.addi %mul3A_2, %add3A_570 : i32
        %lt3A_572 = arith.cmpi slt, %add3A_571, %min3A_5 : i32
        %convert_element_type3A_573 = arith.extui %lt3A_572 : i1 to i32
        %cond3A_574 = arith.constant 0 : i32
        %cond3A_575 = arith.cmpi ne, %convert_element_type3A_573, %cond3A_574 : i32
        scf.if %cond3A_575 {
          %dma_wait3A_594 = arith.constant 0 : i32
          %dma_wait3A_595 = arith.constant 0 : i32
          %dma_wait3A_596 = arith.constant 0 : i32
          %dma_wait3A_597 = tpu.memref_slice %arg6[%dma_wait3A_594, %dma_wait3A_595, %dma_wait3A_596] : memref<50x1000x1024xf32, #tpu.memory_space<hbm>> -> memref<1x8x1024xf32, #tpu.memory_space<hbm>>
          %dma_wait3A_598 = tpu.memref_squeeze %dma_wait3A_597 : memref<1x8x1024xf32, #tpu.memory_space<hbm>> -> memref<8x1024xf32, #tpu.memory_space<hbm>>
          %dma_wait3A_599 = arith.constant 0 : i32
          %dma_wait3A_600 = arith.constant 0 : i32
          %dma_wait3A_601 = tpu.memref_slice %arg6[%dma_wait3A_594, %dma_wait3A_599, %dma_wait3A_600] : memref<50x1000x1024xf32, #tpu.memory_space<hbm>> -> memref<1x8x1024xf32, #tpu.memory_space<hbm>>
          %dma_wait3A_602 = tpu.memref_squeeze %dma_wait3A_601 : memref<1x8x1024xf32, #tpu.memory_space<hbm>> -> memref<8x1024xf32, #tpu.memory_space<hbm>>
          tpu.wait_dma2 semaphore(%arg26 : memref<!tpu.dma_semaphore, #tpu.memory_space<semaphore_mem>>) src(%arg15 : memref<8x1024xf32, #tpu.memory_space<vmem>>) dst(%dma_wait3A_602 : memref<8x1024xf32, #tpu.memory_space<hbm>>)
        } else {
        }
        %add3A_576 = arith.constant 8 : i32
        %add3A_577 = arith.addi %mul3A_2, %add3A_576 : i32
        %lt3A_578 = arith.cmpi slt, %add3A_577, %min3A_5 : i32
        %convert_element_type3A_579 = arith.extui %lt3A_578 : i1 to i32
        %cond3A_580 = arith.constant 0 : i32
        %cond3A_581 = arith.cmpi ne, %convert_element_type3A_579, %cond3A_580 : i32
        scf.if %cond3A_581 {
          %dma_wait3A_594 = arith.constant 0 : i32
          %dma_wait3A_595 = arith.constant 0 : i32
          %dma_wait3A_596 = arith.constant 0 : i32
          %dma_wait3A_597 = tpu.memref_slice %arg6[%dma_wait3A_594, %dma_wait3A_595, %dma_wait3A_596] : memref<50x1000x1024xf32, #tpu.memory_space<hbm>> -> memref<1x8x1024xf32, #tpu.memory_space<hbm>>
          %dma_wait3A_598 = tpu.memref_squeeze %dma_wait3A_597 : memref<1x8x1024xf32, #tpu.memory_space<hbm>> -> memref<8x1024xf32, #tpu.memory_space<hbm>>
          %dma_wait3A_599 = arith.constant 0 : i32
          %dma_wait3A_600 = arith.constant 0 : i32
          %dma_wait3A_601 = tpu.memref_slice %arg6[%dma_wait3A_594, %dma_wait3A_599, %dma_wait3A_600] : memref<50x1000x1024xf32, #tpu.memory_space<hbm>> -> memref<1x8x1024xf32, #tpu.memory_space<hbm>>
          %dma_wait3A_602 = tpu.memref_squeeze %dma_wait3A_601 : memref<1x8x1024xf32, #tpu.memory_space<hbm>> -> memref<8x1024xf32, #tpu.memory_space<hbm>>
          tpu.wait_dma2 semaphore(%arg26 : memref<!tpu.dma_semaphore, #tpu.memory_space<semaphore_mem>>) src(%arg17 : memref<8x1024xf32, #tpu.memory_space<vmem>>) dst(%dma_wait3A_602 : memref<8x1024xf32, #tpu.memory_space<hbm>>)
        } else {
        }
        %add3A_582 = arith.constant 16 : i32
        %add3A_583 = arith.addi %mul3A_2, %add3A_582 : i32
        %lt3A_584 = arith.cmpi slt, %add3A_583, %min3A_5 : i32
        %convert_element_type3A_585 = arith.extui %lt3A_584 : i1 to i32
        %cond3A_586 = arith.constant 0 : i32
        %cond3A_587 = arith.cmpi ne, %convert_element_type3A_585, %cond3A_586 : i32
        scf.if %cond3A_587 {
          %dma_wait3A_594 = arith.constant 0 : i32
          %dma_wait3A_595 = arith.constant 0 : i32
          %dma_wait3A_596 = arith.constant 0 : i32
          %dma_wait3A_597 = tpu.memref_slice %arg6[%dma_wait3A_594, %dma_wait3A_595, %dma_wait3A_596] : memref<50x1000x1024xf32, #tpu.memory_space<hbm>> -> memref<1x8x1024xf32, #tpu.memory_space<hbm>>
          %dma_wait3A_598 = tpu.memref_squeeze %dma_wait3A_597 : memref<1x8x1024xf32, #tpu.memory_space<hbm>> -> memref<8x1024xf32, #tpu.memory_space<hbm>>
          %dma_wait3A_599 = arith.constant 0 : i32
          %dma_wait3A_600 = arith.constant 0 : i32
          %dma_wait3A_601 = tpu.memref_slice %arg6[%dma_wait3A_594, %dma_wait3A_599, %dma_wait3A_600] : memref<50x1000x1024xf32, #tpu.memory_space<hbm>> -> memref<1x8x1024xf32, #tpu.memory_space<hbm>>
          %dma_wait3A_602 = tpu.memref_squeeze %dma_wait3A_601 : memref<1x8x1024xf32, #tpu.memory_space<hbm>> -> memref<8x1024xf32, #tpu.memory_space<hbm>>
          tpu.wait_dma2 semaphore(%arg26 : memref<!tpu.dma_semaphore, #tpu.memory_space<semaphore_mem>>) src(%arg19 : memref<8x1024xf32, #tpu.memory_space<vmem>>) dst(%dma_wait3A_602 : memref<8x1024xf32, #tpu.memory_space<hbm>>)
        } else {
        }
        %add3A_588 = arith.constant 24 : i32
        %add3A_589 = arith.addi %mul3A_2, %add3A_588 : i32
        %lt3A_590 = arith.cmpi slt, %add3A_589, %min3A_5 : i32
        %convert_element_type3A_591 = arith.extui %lt3A_590 : i1 to i32
        %cond3A_592 = arith.constant 0 : i32
        %cond3A_593 = arith.cmpi ne, %convert_element_type3A_591, %cond3A_592 : i32
        scf.if %cond3A_593 {
          %dma_wait3A_594 = arith.constant 0 : i32
          %dma_wait3A_595 = arith.constant 0 : i32
          %dma_wait3A_596 = arith.constant 0 : i32
          %dma_wait3A_597 = tpu.memref_slice %arg6[%dma_wait3A_594, %dma_wait3A_595, %dma_wait3A_596] : memref<50x1000x1024xf32, #tpu.memory_space<hbm>> -> memref<1x8x1024xf32, #tpu.memory_space<hbm>>
          %dma_wait3A_598 = tpu.memref_squeeze %dma_wait3A_597 : memref<1x8x1024xf32, #tpu.memory_space<hbm>> -> memref<8x1024xf32, #tpu.memory_space<hbm>>
          %dma_wait3A_599 = arith.constant 0 : i32
          %dma_wait3A_600 = arith.constant 0 : i32
          %dma_wait3A_601 = tpu.memref_slice %arg6[%dma_wait3A_594, %dma_wait3A_599, %dma_wait3A_600] : memref<50x1000x1024xf32, #tpu.memory_space<hbm>> -> memref<1x8x1024xf32, #tpu.memory_space<hbm>>
          %dma_wait3A_602 = tpu.memref_squeeze %dma_wait3A_601 : memref<1x8x1024xf32, #tpu.memory_space<hbm>> -> memref<8x1024xf32, #tpu.memory_space<hbm>>
          tpu.wait_dma2 semaphore(%arg26 : memref<!tpu.dma_semaphore, #tpu.memory_space<semaphore_mem>>) src(%arg21 : memref<8x1024xf32, #tpu.memory_space<vmem>>) dst(%dma_wait3A_602 : memref<8x1024xf32, #tpu.memory_space<hbm>>)
        } else {
        }
      } else {
      }
      %dma_wait3A = arith.constant 0 : i32
      %dma_wait3A_399 = arith.constant 0 : i32
      %dma_wait3A_400 = tpu.memref_slice %arg2[%dma_wait3A, %dma_wait3A_399] : memref<50x1024xi32, #tpu.memory_space<hbm>> -> memref<1x1024xi32, #tpu.memory_space<hbm>>
      %dma_wait3A_401 = tpu.memref_squeeze %dma_wait3A_400 : memref<1x1024xi32, #tpu.memory_space<hbm>> -> memref<1024xi32, #tpu.memory_space<hbm>>
      %dma_wait3A_402 = arith.constant 0 : i32
      %dma_wait3A_403 = tpu.memref_slice %arg2[%dma_wait3A, %dma_wait3A_402] : memref<50x1024xi32, #tpu.memory_space<hbm>> -> memref<1x1024xi32, #tpu.memory_space<hbm>>
      %dma_wait3A_404 = tpu.memref_squeeze %dma_wait3A_403 : memref<1x1024xi32, #tpu.memory_space<hbm>> -> memref<1024xi32, #tpu.memory_space<hbm>>
      tpu.wait_dma2 semaphore(%arg24 : memref<!tpu.dma_semaphore, #tpu.memory_space<semaphore_mem>>) src(%dma_wait3A_404 : memref<1024xi32, #tpu.memory_space<hbm>>) dst(%arg10 : memref<1024xi32, #tpu.memory_space<vmem>>)
      %dma_wait3A_405 = arith.constant 0 : i32
      %dma_wait3A_406 = arith.constant 0 : i32
      %dma_wait3A_407 = tpu.memref_slice %arg3[%dma_wait3A_405, %dma_wait3A_406] : memref<50x1024xi32, #tpu.memory_space<hbm>> -> memref<1x1024xi32, #tpu.memory_space<hbm>>
      %dma_wait3A_408 = tpu.memref_squeeze %dma_wait3A_407 : memref<1x1024xi32, #tpu.memory_space<hbm>> -> memref<1024xi32, #tpu.memory_space<hbm>>
      %dma_wait3A_409 = arith.constant 0 : i32
      %dma_wait3A_410 = tpu.memref_slice %arg3[%dma_wait3A_405, %dma_wait3A_409] : memref<50x1024xi32, #tpu.memory_space<hbm>> -> memref<1x1024xi32, #tpu.memory_space<hbm>>
      %dma_wait3A_411 = tpu.memref_squeeze %dma_wait3A_410 : memref<1x1024xi32, #tpu.memory_space<hbm>> -> memref<1024xi32, #tpu.memory_space<hbm>>
      tpu.wait_dma2 semaphore(%arg24 : memref<!tpu.dma_semaphore, #tpu.memory_space<semaphore_mem>>) src(%dma_wait3A_411 : memref<1024xi32, #tpu.memory_space<hbm>>) dst(%arg12 : memref<1024xi32, #tpu.memory_space<vmem>>)
      %add3A_412 = arith.constant 1 : i32
      %add3A_413 = arith.addi %mul3A_394, %add3A_412 : i32
      %lt3A_414 = arith.constant 50 : i32
      %lt3A_415 = arith.cmpi slt, %add3A_413, %lt3A_414 : i32
      %convert_element_type3A_416 = arith.extui %lt3A_415 : i1 to i32
      %cond3A_417 = arith.constant 0 : i32
      %cond3A_418 = arith.cmpi ne, %convert_element_type3A_416, %cond3A_417 : i32
      scf.if %cond3A_418 {
        %add3A_570 = arith.constant 1 : i32
        %add3A_571 = arith.addi %mul3A_394, %add3A_570 : i32
        %dma_start3A_572 = arith.constant 0 : i32
        %dma_start3A_573 = tpu.memref_slice %arg2[%add3A_571, %dma_start3A_572] : memref<50x1024xi32, #tpu.memory_space<hbm>> -> memref<1x1024xi32, #tpu.memory_space<hbm>>
        %dma_start3A_574 = tpu.memref_squeeze %dma_start3A_573 : memref<1x1024xi32, #tpu.memory_space<hbm>> -> memref<1024xi32, #tpu.memory_space<hbm>>
        %dma_start3A_575 = arith.constant 0 : i32
        %dma_start3A_576 = tpu.memref_slice %arg2[%add3A_571, %dma_start3A_575] : memref<50x1024xi32, #tpu.memory_space<hbm>> -> memref<1x1024xi32, #tpu.memory_space<hbm>>
        %dma_start3A_577 = tpu.memref_squeeze %dma_start3A_576 : memref<1x1024xi32, #tpu.memory_space<hbm>> -> memref<1024xi32, #tpu.memory_space<hbm>>
        tpu.enqueue_dma source(%dma_start3A_577 : memref<1024xi32, #tpu.memory_space<hbm>>) target(%arg11 : memref<1024xi32, #tpu.memory_space<vmem>>) target_semaphore(%arg25 : memref<!tpu.dma_semaphore, #tpu.memory_space<semaphore_mem>>)
        %add3A_578 = arith.constant 1 : i32
        %add3A_579 = arith.addi %mul3A_394, %add3A_578 : i32
        %dma_start3A_580 = arith.constant 0 : i32
        %dma_start3A_581 = tpu.memref_slice %arg3[%add3A_579, %dma_start3A_580] : memref<50x1024xi32, #tpu.memory_space<hbm>> -> memref<1x1024xi32, #tpu.memory_space<hbm>>
        %dma_start3A_582 = tpu.memref_squeeze %dma_start3A_581 : memref<1x1024xi32, #tpu.memory_space<hbm>> -> memref<1024xi32, #tpu.memory_space<hbm>>
        %dma_start3A_583 = arith.constant 0 : i32
        %dma_start3A_584 = tpu.memref_slice %arg3[%add3A_579, %dma_start3A_583] : memref<50x1024xi32, #tpu.memory_space<hbm>> -> memref<1x1024xi32, #tpu.memory_space<hbm>>
        %dma_start3A_585 = tpu.memref_squeeze %dma_start3A_584 : memref<1x1024xi32, #tpu.memory_space<hbm>> -> memref<1024xi32, #tpu.memory_space<hbm>>
        tpu.enqueue_dma source(%dma_start3A_585 : memref<1024xi32, #tpu.memory_space<hbm>>) target(%arg13 : memref<1024xi32, #tpu.memory_space<vmem>>) target_semaphore(%arg25 : memref<!tpu.dma_semaphore, #tpu.memory_space<semaphore_mem>>)
      } else {
      }
      %broadcast_in_dim3A_419 = arith.constant 0.000000e+00 : f32
      %broadcast_in_dim3A_420 = vector.broadcast %broadcast_in_dim3A_419 : f32 to vector<16xf32>
      %parallel_loop3A = arith.constant 0 : i32
      %parallel_loop3A_421 = arith.constant 64 : i32
      %parallel_loop3A_422 = arith.constant 1 : i32
      %parallel_loop3A_423 = scf.for %parallel_loop3A_570 = %parallel_loop3A to %parallel_loop3A_421 step %parallel_loop3A_422 iter_args(%parallel_loop3A_571 = %broadcast_in_dim3A_420) -> (vector<16xf32>)  : i32 {
        %parallel_loop3A_572 = arith.constant 16 : i32
        %parallel_loop3A_573 = arith.muli %parallel_loop3A_572, %parallel_loop3A_570 : i32
        %parallel_loop3A_574 = arith.index_cast %parallel_loop3A_573 : i32 to index
        %parallel_loop3A_575 = tpu.vector_load %arg10[%parallel_loop3A_574] {strides = array<i32>} : memref<1024xi32, #tpu.memory_space<vmem>>, vector<16xi32>,
        %parallel_loop3A_576 = arith.index_cast %parallel_loop3A_573 : i32 to index
        %parallel_loop3A_577 = tpu.vector_load %arg12[%parallel_loop3A_576] {strides = array<i32>} : memref<1024xi32, #tpu.memory_space<vmem>>, vector<16xi32>,
        %parallel_loop3A_578 = vector.broadcast %mul3A_48 : i32 to vector<16xi32>
        %parallel_loop3A_579 = arith.addi %parallel_loop3A_575, %parallel_loop3A_578 : vector<16xi32>
        %parallel_loop3A_580 = tpu.vector_load_idx %arg8[%parallel_loop3A_579] : memref<32768xf32, #tpu.memory_space<vmem>>[vector<16xi32>], vector<16xf32>,
        %parallel_loop3A_581 = vector.broadcast %mul3A_57 : i32 to vector<16xi32>
        %parallel_loop3A_582 = arith.addi %parallel_loop3A_575, %parallel_loop3A_581 : vector<16xi32>
        %parallel_loop3A_583 = tpu.vector_load_idx %arg8[%parallel_loop3A_582] : memref<32768xf32, #tpu.memory_space<vmem>>[vector<16xi32>], vector<16xf32>,
        %parallel_loop3A_584 = vector.broadcast %mul3A_66 : i32 to vector<16xi32>
        %parallel_loop3A_585 = arith.addi %parallel_loop3A_575, %parallel_loop3A_584 : vector<16xi32>
        %parallel_loop3A_586 = tpu.vector_load_idx %arg8[%parallel_loop3A_585] : memref<32768xf32, #tpu.memory_space<vmem>>[vector<16xi32>], vector<16xf32>,
        %parallel_loop3A_587 = vector.broadcast %mul3A_75 : i32 to vector<16xi32>
        %parallel_loop3A_588 = arith.addi %parallel_loop3A_575, %parallel_loop3A_587 : vector<16xi32>
        %parallel_loop3A_589 = tpu.vector_load_idx %arg8[%parallel_loop3A_588] : memref<32768xf32, #tpu.memory_space<vmem>>[vector<16xi32>], vector<16xf32>,
        %parallel_loop3A_590 = vector.broadcast %mul3A_84 : i32 to vector<16xi32>
        %parallel_loop3A_591 = arith.addi %parallel_loop3A_575, %parallel_loop3A_590 : vector<16xi32>
        %parallel_loop3A_592 = tpu.vector_load_idx %arg8[%parallel_loop3A_591] : memref<32768xf32, #tpu.memory_space<vmem>>[vector<16xi32>], vector<16xf32>,
        %parallel_loop3A_593 = vector.broadcast %mul3A_93 : i32 to vector<16xi32>
        %parallel_loop3A_594 = arith.addi %parallel_loop3A_575, %parallel_loop3A_593 : vector<16xi32>
        %parallel_loop3A_595 = tpu.vector_load_idx %arg8[%parallel_loop3A_594] : memref<32768xf32, #tpu.memory_space<vmem>>[vector<16xi32>], vector<16xf32>,
        %parallel_loop3A_596 = vector.broadcast %mul3A_102 : i32 to vector<16xi32>
        %parallel_loop3A_597 = arith.addi %parallel_loop3A_575, %parallel_loop3A_596 : vector<16xi32>
        %parallel_loop3A_598 = tpu.vector_load_idx %arg8[%parallel_loop3A_597] : memref<32768xf32, #tpu.memory_space<vmem>>[vector<16xi32>], vector<16xf32>,
        %parallel_loop3A_599 = vector.broadcast %mul3A_111 : i32 to vector<16xi32>
        %parallel_loop3A_600 = arith.addi %parallel_loop3A_575, %parallel_loop3A_599 : vector<16xi32>
        %parallel_loop3A_601 = tpu.vector_load_idx %arg8[%parallel_loop3A_600] : memref<32768xf32, #tpu.memory_space<vmem>>[vector<16xi32>], vector<16xf32>,
        %parallel_loop3A_602 = vector.broadcast %mul3A_120 : i32 to vector<16xi32>
        %parallel_loop3A_603 = arith.addi %parallel_loop3A_575, %parallel_loop3A_602 : vector<16xi32>
        %parallel_loop3A_604 = tpu.vector_load_idx %arg8[%parallel_loop3A_603] : memref<32768xf32, #tpu.memory_space<vmem>>[vector<16xi32>], vector<16xf32>,
        %parallel_loop3A_605 = vector.broadcast %mul3A_129 : i32 to vector<16xi32>
        %parallel_loop3A_606 = arith.addi %parallel_loop3A_575, %parallel_loop3A_605 : vector<16xi32>
        %parallel_loop3A_607 = tpu.vector_load_idx %arg8[%parallel_loop3A_606] : memref<32768xf32, #tpu.memory_space<vmem>>[vector<16xi32>], vector<16xf32>,
        %parallel_loop3A_608 = vector.broadcast %mul3A_138 : i32 to vector<16xi32>
        %parallel_loop3A_609 = arith.addi %parallel_loop3A_575, %parallel_loop3A_608 : vector<16xi32>
        %parallel_loop3A_610 = tpu.vector_load_idx %arg8[%parallel_loop3A_609] : memref<32768xf32, #tpu.memory_space<vmem>>[vector<16xi32>], vector<16xf32>,
        %parallel_loop3A_611 = vector.broadcast %mul3A_147 : i32 to vector<16xi32>
        %parallel_loop3A_612 = arith.addi %parallel_loop3A_575, %parallel_loop3A_611 : vector<16xi32>
        %parallel_loop3A_613 = tpu.vector_load_idx %arg8[%parallel_loop3A_612] : memref<32768xf32, #tpu.memory_space<vmem>>[vector<16xi32>], vector<16xf32>,
        %parallel_loop3A_614 = vector.broadcast %mul3A_156 : i32 to vector<16xi32>
        %parallel_loop3A_615 = arith.addi %parallel_loop3A_575, %parallel_loop3A_614 : vector<16xi32>
        %parallel_loop3A_616 = tpu.vector_load_idx %arg8[%parallel_loop3A_615] : memref<32768xf32, #tpu.memory_space<vmem>>[vector<16xi32>], vector<16xf32>,
        %parallel_loop3A_617 = vector.broadcast %mul3A_165 : i32 to vector<16xi32>
        %parallel_loop3A_618 = arith.addi %parallel_loop3A_575, %parallel_loop3A_617 : vector<16xi32>
        %parallel_loop3A_619 = tpu.vector_load_idx %arg8[%parallel_loop3A_618] : memref<32768xf32, #tpu.memory_space<vmem>>[vector<16xi32>], vector<16xf32>,
        %parallel_loop3A_620 = vector.broadcast %mul3A_174 : i32 to vector<16xi32>
        %parallel_loop3A_621 = arith.addi %parallel_loop3A_575, %parallel_loop3A_620 : vector<16xi32>
        %parallel_loop3A_622 = tpu.vector_load_idx %arg8[%parallel_loop3A_621] : memref<32768xf32, #tpu.memory_space<vmem>>[vector<16xi32>], vector<16xf32>,
        %parallel_loop3A_623 = vector.broadcast %mul3A_183 : i32 to vector<16xi32>
        %parallel_loop3A_624 = arith.addi %parallel_loop3A_575, %parallel_loop3A_623 : vector<16xi32>
        %parallel_loop3A_625 = tpu.vector_load_idx %arg8[%parallel_loop3A_624] : memref<32768xf32, #tpu.memory_space<vmem>>[vector<16xi32>], vector<16xf32>,
        %parallel_loop3A_626 = vector.broadcast %mul3A_2 : i32 to vector<16xi32>
        %parallel_loop3A_627 = arith.cmpi sge, %parallel_loop3A_577, %parallel_loop3A_626 : vector<16xi32>
        %parallel_loop3A_628 = vector.broadcast %min3A_5 : i32 to vector<16xi32>
        %parallel_loop3A_629 = arith.cmpi slt, %parallel_loop3A_577, %parallel_loop3A_628 : vector<16xi32>
        %parallel_loop3A_630 = arith.andi %parallel_loop3A_627, %parallel_loop3A_629 : vector<16xi1>
        %parallel_loop3A_631 = vector.broadcast %min3A_7 : i32 to vector<16xi32>
        %parallel_loop3A_632 = arith.subi %parallel_loop3A_577, %parallel_loop3A_631 : vector<16xi32>
        %parallel_loop3A_633 = arith.constant 0 : i32
        %parallel_loop3A_634 = arith.constant 31 : i32
        %parallel_loop3A_635 = vector.broadcast %parallel_loop3A_633 : i32 to vector<16xi32>
        %parallel_loop3A_636 = arith.maxsi %parallel_loop3A_635, %parallel_loop3A_632 : vector<16xi32>
        %parallel_loop3A_637 = vector.broadcast %parallel_loop3A_634 : i32 to vector<16xi32>
        %parallel_loop3A_638 = arith.minsi %parallel_loop3A_637, %parallel_loop3A_636 : vector<16xi32>
        %parallel_loop3A_639 = arith.constant 1024 : i32
        %parallel_loop3A_640 = vector.broadcast %parallel_loop3A_639 : i32 to vector<16xi32>
        %parallel_loop3A_641 = arith.muli %parallel_loop3A_638, %parallel_loop3A_640 : vector<16xi32>
        %parallel_loop3A_642 = arith.addi %parallel_loop3A_575, %parallel_loop3A_641 : vector<16xi32>
        %parallel_loop3A_643 = tpu.vector_load_idx %arg8[%parallel_loop3A_642] : memref<32768xf32, #tpu.memory_space<vmem>>[vector<16xi32>], vector<16xf32>,
        %parallel_loop3A_644 = arith.constant 0 : i32
        %parallel_loop3A_645 = arith.index_cast %parallel_loop3A_644 : i32 to index
        %parallel_loop3A_646 = arith.index_cast %parallel_loop3A_573 : i32 to index
        %parallel_loop3A_647 = tpu.vector_load %arg15[%parallel_loop3A_645, %parallel_loop3A_646] {strides = array<i32>} : memref<8x1024xf32, #tpu.memory_space<vmem>>, vector<16xf32>,
        tpu.vector_store %arg15[%parallel_loop3A_645, %parallel_loop3A_646], %parallel_loop3A_580 {strides = array<i32>} : memref<8x1024xf32, #tpu.memory_space<vmem>>, vector<16xf32>,
        %parallel_loop3A_648 = arith.constant 1 : i32
        %parallel_loop3A_649 = arith.index_cast %parallel_loop3A_648 : i32 to index
        %parallel_loop3A_650 = arith.index_cast %parallel_loop3A_573 : i32 to index
        %parallel_loop3A_651 = tpu.vector_load %arg15[%parallel_loop3A_649, %parallel_loop3A_650] {strides = array<i32>} : memref<8x1024xf32, #tpu.memory_space<vmem>>, vector<16xf32>,
        tpu.vector_store %arg15[%parallel_loop3A_649, %parallel_loop3A_650], %parallel_loop3A_583 {strides = array<i32>} : memref<8x1024xf32, #tpu.memory_space<vmem>>, vector<16xf32>,
        %parallel_loop3A_652 = arith.constant 2 : i32
        %parallel_loop3A_653 = arith.index_cast %parallel_loop3A_652 : i32 to index
        %parallel_loop3A_654 = arith.index_cast %parallel_loop3A_573 : i32 to index
        %parallel_loop3A_655 = tpu.vector_load %arg15[%parallel_loop3A_653, %parallel_loop3A_654] {strides = array<i32>} : memref<8x1024xf32, #tpu.memory_space<vmem>>, vector<16xf32>,
        tpu.vector_store %arg15[%parallel_loop3A_653, %parallel_loop3A_654], %parallel_loop3A_586 {strides = array<i32>} : memref<8x1024xf32, #tpu.memory_space<vmem>>, vector<16xf32>,
        %parallel_loop3A_656 = arith.constant 3 : i32
        %parallel_loop3A_657 = arith.index_cast %parallel_loop3A_656 : i32 to index
        %parallel_loop3A_658 = arith.index_cast %parallel_loop3A_573 : i32 to index
        %parallel_loop3A_659 = tpu.vector_load %arg15[%parallel_loop3A_657, %parallel_loop3A_658] {strides = array<i32>} : memref<8x1024xf32, #tpu.memory_space<vmem>>, vector<16xf32>,
        tpu.vector_store %arg15[%parallel_loop3A_657, %parallel_loop3A_658], %parallel_loop3A_589 {strides = array<i32>} : memref<8x1024xf32, #tpu.memory_space<vmem>>, vector<16xf32>,
        %parallel_loop3A_660 = arith.constant 4 : i32
        %parallel_loop3A_661 = arith.index_cast %parallel_loop3A_660 : i32 to index
        %parallel_loop3A_662 = arith.index_cast %parallel_loop3A_573 : i32 to index
        %parallel_loop3A_663 = tpu.vector_load %arg15[%parallel_loop3A_661, %parallel_loop3A_662] {strides = array<i32>} : memref<8x1024xf32, #tpu.memory_space<vmem>>, vector<16xf32>,
        tpu.vector_store %arg15[%parallel_loop3A_661, %parallel_loop3A_662], %parallel_loop3A_592 {strides = array<i32>} : memref<8x1024xf32, #tpu.memory_space<vmem>>, vector<16xf32>,
        %parallel_loop3A_664 = arith.constant 5 : i32
        %parallel_loop3A_665 = arith.index_cast %parallel_loop3A_664 : i32 to index
        %parallel_loop3A_666 = arith.index_cast %parallel_loop3A_573 : i32 to index
        %parallel_loop3A_667 = tpu.vector_load %arg15[%parallel_loop3A_665, %parallel_loop3A_666] {strides = array<i32>} : memref<8x1024xf32, #tpu.memory_space<vmem>>, vector<16xf32>,
        tpu.vector_store %arg15[%parallel_loop3A_665, %parallel_loop3A_666], %parallel_loop3A_595 {strides = array<i32>} : memref<8x1024xf32, #tpu.memory_space<vmem>>, vector<16xf32>,
        %parallel_loop3A_668 = arith.constant 6 : i32
        %parallel_loop3A_669 = arith.index_cast %parallel_loop3A_668 : i32 to index
        %parallel_loop3A_670 = arith.index_cast %parallel_loop3A_573 : i32 to index
        %parallel_loop3A_671 = tpu.vector_load %arg15[%parallel_loop3A_669, %parallel_loop3A_670] {strides = array<i32>} : memref<8x1024xf32, #tpu.memory_space<vmem>>, vector<16xf32>,
        tpu.vector_store %arg15[%parallel_loop3A_669, %parallel_loop3A_670], %parallel_loop3A_598 {strides = array<i32>} : memref<8x1024xf32, #tpu.memory_space<vmem>>, vector<16xf32>,
        %parallel_loop3A_672 = arith.constant 7 : i32
        %parallel_loop3A_673 = arith.index_cast %parallel_loop3A_672 : i32 to index
        %parallel_loop3A_674 = arith.index_cast %parallel_loop3A_573 : i32 to index
        %parallel_loop3A_675 = tpu.vector_load %arg15[%parallel_loop3A_673, %parallel_loop3A_674] {strides = array<i32>} : memref<8x1024xf32, #tpu.memory_space<vmem>>, vector<16xf32>,
        tpu.vector_store %arg15[%parallel_loop3A_673, %parallel_loop3A_674], %parallel_loop3A_601 {strides = array<i32>} : memref<8x1024xf32, #tpu.memory_space<vmem>>, vector<16xf32>,
        %parallel_loop3A_676 = arith.constant 0 : i32
        %parallel_loop3A_677 = arith.index_cast %parallel_loop3A_676 : i32 to index
        %parallel_loop3A_678 = arith.index_cast %parallel_loop3A_573 : i32 to index
        %parallel_loop3A_679 = tpu.vector_load %arg17[%parallel_loop3A_677, %parallel_loop3A_678] {strides = array<i32>} : memref<8x1024xf32, #tpu.memory_space<vmem>>, vector<16xf32>,
        tpu.vector_store %arg17[%parallel_loop3A_677, %parallel_loop3A_678], %parallel_loop3A_604 {strides = array<i32>} : memref<8x1024xf32, #tpu.memory_space<vmem>>, vector<16xf32>,
        %parallel_loop3A_680 = arith.constant 1 : i32
        %parallel_loop3A_681 = arith.index_cast %parallel_loop3A_680 : i32 to index
        %parallel_loop3A_682 = arith.index_cast %parallel_loop3A_573 : i32 to index
        %parallel_loop3A_683 = tpu.vector_load %arg17[%parallel_loop3A_681, %parallel_loop3A_682] {strides = array<i32>} : memref<8x1024xf32, #tpu.memory_space<vmem>>, vector<16xf32>,
        tpu.vector_store %arg17[%parallel_loop3A_681, %parallel_loop3A_682], %parallel_loop3A_607 {strides = array<i32>} : memref<8x1024xf32, #tpu.memory_space<vmem>>, vector<16xf32>,
        %parallel_loop3A_684 = arith.constant 2 : i32
        %parallel_loop3A_685 = arith.index_cast %parallel_loop3A_684 : i32 to index
        %parallel_loop3A_686 = arith.index_cast %parallel_loop3A_573 : i32 to index
        %parallel_loop3A_687 = tpu.vector_load %arg17[%parallel_loop3A_685, %parallel_loop3A_686] {strides = array<i32>} : memref<8x1024xf32, #tpu.memory_space<vmem>>, vector<16xf32>,
        tpu.vector_store %arg17[%parallel_loop3A_685, %parallel_loop3A_686], %parallel_loop3A_610 {strides = array<i32>} : memref<8x1024xf32, #tpu.memory_space<vmem>>, vector<16xf32>,
        %parallel_loop3A_688 = arith.constant 3 : i32
        %parallel_loop3A_689 = arith.index_cast %parallel_loop3A_688 : i32 to index
        %parallel_loop3A_690 = arith.index_cast %parallel_loop3A_573 : i32 to index
        %parallel_loop3A_691 = tpu.vector_load %arg17[%parallel_loop3A_689, %parallel_loop3A_690] {strides = array<i32>} : memref<8x1024xf32, #tpu.memory_space<vmem>>, vector<16xf32>,
        tpu.vector_store %arg17[%parallel_loop3A_689, %parallel_loop3A_690], %parallel_loop3A_613 {strides = array<i32>} : memref<8x1024xf32, #tpu.memory_space<vmem>>, vector<16xf32>,
        %parallel_loop3A_692 = arith.constant 4 : i32
        %parallel_loop3A_693 = arith.index_cast %parallel_loop3A_692 : i32 to index
        %parallel_loop3A_694 = arith.index_cast %parallel_loop3A_573 : i32 to index
        %parallel_loop3A_695 = tpu.vector_load %arg17[%parallel_loop3A_693, %parallel_loop3A_694] {strides = array<i32>} : memref<8x1024xf32, #tpu.memory_space<vmem>>, vector<16xf32>,
        tpu.vector_store %arg17[%parallel_loop3A_693, %parallel_loop3A_694], %parallel_loop3A_616 {strides = array<i32>} : memref<8x1024xf32, #tpu.memory_space<vmem>>, vector<16xf32>,
        %parallel_loop3A_696 = arith.constant 5 : i32
        %parallel_loop3A_697 = arith.index_cast %parallel_loop3A_696 : i32 to index
        %parallel_loop3A_698 = arith.index_cast %parallel_loop3A_573 : i32 to index
        %parallel_loop3A_699 = tpu.vector_load %arg17[%parallel_loop3A_697, %parallel_loop3A_698] {strides = array<i32>} : memref<8x1024xf32, #tpu.memory_space<vmem>>, vector<16xf32>,
        tpu.vector_store %arg17[%parallel_loop3A_697, %parallel_loop3A_698], %parallel_loop3A_619 {strides = array<i32>} : memref<8x1024xf32, #tpu.memory_space<vmem>>, vector<16xf32>,
        %parallel_loop3A_700 = arith.constant 6 : i32
        %parallel_loop3A_701 = arith.index_cast %parallel_loop3A_700 : i32 to index
        %parallel_loop3A_702 = arith.index_cast %parallel_loop3A_573 : i32 to index
        %parallel_loop3A_703 = tpu.vector_load %arg17[%parallel_loop3A_701, %parallel_loop3A_702] {strides = array<i32>} : memref<8x1024xf32, #tpu.memory_space<vmem>>, vector<16xf32>,
        tpu.vector_store %arg17[%parallel_loop3A_701, %parallel_loop3A_702], %parallel_loop3A_622 {strides = array<i32>} : memref<8x1024xf32, #tpu.memory_space<vmem>>, vector<16xf32>,
        %parallel_loop3A_704 = arith.constant 7 : i32
        %parallel_loop3A_705 = arith.index_cast %parallel_loop3A_704 : i32 to index
        %parallel_loop3A_706 = arith.index_cast %parallel_loop3A_573 : i32 to index
        %parallel_loop3A_707 = tpu.vector_load %arg17[%parallel_loop3A_705, %parallel_loop3A_706] {strides = array<i32>} : memref<8x1024xf32, #tpu.memory_space<vmem>>, vector<16xf32>,
        tpu.vector_store %arg17[%parallel_loop3A_705, %parallel_loop3A_706], %parallel_loop3A_625 {strides = array<i32>} : memref<8x1024xf32, #tpu.memory_space<vmem>>, vector<16xf32>,
        %parallel_loop3A_708 = arith.constant 0.000000e+00 : f32
        %parallel_loop3A_709 = vector.broadcast %parallel_loop3A_708 : f32 to vector<16xf32>
        %parallel_loop3A_710 = arith.select %parallel_loop3A_630, %parallel_loop3A_643, %parallel_loop3A_709 : vector<16xi1>, vector<16xf32>
        %parallel_loop3A_711 = arith.addf %parallel_loop3A_571, %parallel_loop3A_710 : vector<16xf32>
        scf.yield %parallel_loop3A_711 : vector<16xf32>
      } {sc.loop_unroll_factor = 1 : i64, sc.parallel_access}
      %get3A = arith.constant 0 : index
      %get3A_424 = tpu.vector_load %arg23[%get3A] {strides = array<i32>} : memref<16xf32, #tpu.memory_space<vmem>>, vector<16xf32>,
      %add3A_425 = arith.addf %get3A_424, %parallel_loop3A_423 : vector<16xf32>
      %swap3A_426 = arith.constant 0 : index
      %swap3A_427 = tpu.vector_load %arg23[%swap3A_426] {strides = array<i32>} : memref<16xf32, #tpu.memory_space<vmem>>, vector<16xf32>,
      tpu.vector_store %arg23[%swap3A_426], %add3A_425 {strides = array<i32>} : memref<16xf32, #tpu.memory_space<vmem>>, vector<16xf32>,
      %parallel_loop3A_428 = arith.constant 0 : i32
      %parallel_loop3A_429 = arith.constant 64 : i32
      %parallel_loop3A_430 = arith.constant 1 : i32
      scf.for %parallel_loop3A_570 = %parallel_loop3A_428 to %parallel_loop3A_429 step %parallel_loop3A_430  : i32 {
        %parallel_loop3A_571 = arith.constant 16 : i32
        %parallel_loop3A_572 = arith.muli %parallel_loop3A_571, %parallel_loop3A_570 : i32
        %parallel_loop3A_573 = arith.index_cast %parallel_loop3A_572 : i32 to index
        %parallel_loop3A_574 = tpu.vector_load %arg10[%parallel_loop3A_573] {strides = array<i32>} : memref<1024xi32, #tpu.memory_space<vmem>>, vector<16xi32>,
        %parallel_loop3A_575 = vector.broadcast %mul3A_192 : i32 to vector<16xi32>
        %parallel_loop3A_576 = arith.addi %parallel_loop3A_574, %parallel_loop3A_575 : vector<16xi32>
        %parallel_loop3A_577 = tpu.vector_load_idx %arg8[%parallel_loop3A_576] : memref<32768xf32, #tpu.memory_space<vmem>>[vector<16xi32>], vector<16xf32>,
        %parallel_loop3A_578 = vector.broadcast %mul3A_201 : i32 to vector<16xi32>
        %parallel_loop3A_579 = arith.addi %parallel_loop3A_574, %parallel_loop3A_578 : vector<16xi32>
        %parallel_loop3A_580 = tpu.vector_load_idx %arg8[%parallel_loop3A_579] : memref<32768xf32, #tpu.memory_space<vmem>>[vector<16xi32>], vector<16xf32>,
        %parallel_loop3A_581 = vector.broadcast %mul3A_210 : i32 to vector<16xi32>
        %parallel_loop3A_582 = arith.addi %parallel_loop3A_574, %parallel_loop3A_581 : vector<16xi32>
        %parallel_loop3A_583 = tpu.vector_load_idx %arg8[%parallel_loop3A_582] : memref<32768xf32, #tpu.memory_space<vmem>>[vector<16xi32>], vector<16xf32>,
        %parallel_loop3A_584 = vector.broadcast %mul3A_219 : i32 to vector<16xi32>
        %parallel_loop3A_585 = arith.addi %parallel_loop3A_574, %parallel_loop3A_584 : vector<16xi32>
        %parallel_loop3A_586 = tpu.vector_load_idx %arg8[%parallel_loop3A_585] : memref<32768xf32, #tpu.memory_space<vmem>>[vector<16xi32>], vector<16xf32>,
        %parallel_loop3A_587 = vector.broadcast %mul3A_228 : i32 to vector<16xi32>
        %parallel_loop3A_588 = arith.addi %parallel_loop3A_574, %parallel_loop3A_587 : vector<16xi32>
        %parallel_loop3A_589 = tpu.vector_load_idx %arg8[%parallel_loop3A_588] : memref<32768xf32, #tpu.memory_space<vmem>>[vector<16xi32>], vector<16xf32>,
        %parallel_loop3A_590 = vector.broadcast %mul3A_237 : i32 to vector<16xi32>
        %parallel_loop3A_591 = arith.addi %parallel_loop3A_574, %parallel_loop3A_590 : vector<16xi32>
        %parallel_loop3A_592 = tpu.vector_load_idx %arg8[%parallel_loop3A_591] : memref<32768xf32, #tpu.memory_space<vmem>>[vector<16xi32>], vector<16xf32>,
        %parallel_loop3A_593 = vector.broadcast %mul3A_246 : i32 to vector<16xi32>
        %parallel_loop3A_594 = arith.addi %parallel_loop3A_574, %parallel_loop3A_593 : vector<16xi32>
        %parallel_loop3A_595 = tpu.vector_load_idx %arg8[%parallel_loop3A_594] : memref<32768xf32, #tpu.memory_space<vmem>>[vector<16xi32>], vector<16xf32>,
        %parallel_loop3A_596 = vector.broadcast %mul3A_255 : i32 to vector<16xi32>
        %parallel_loop3A_597 = arith.addi %parallel_loop3A_574, %parallel_loop3A_596 : vector<16xi32>
        %parallel_loop3A_598 = tpu.vector_load_idx %arg8[%parallel_loop3A_597] : memref<32768xf32, #tpu.memory_space<vmem>>[vector<16xi32>], vector<16xf32>,
        %parallel_loop3A_599 = vector.broadcast %mul3A_264 : i32 to vector<16xi32>
        %parallel_loop3A_600 = arith.addi %parallel_loop3A_574, %parallel_loop3A_599 : vector<16xi32>
        %parallel_loop3A_601 = tpu.vector_load_idx %arg8[%parallel_loop3A_600] : memref<32768xf32, #tpu.memory_space<vmem>>[vector<16xi32>], vector<16xf32>,
        %parallel_loop3A_602 = vector.broadcast %mul3A_273 : i32 to vector<16xi32>
        %parallel_loop3A_603 = arith.addi %parallel_loop3A_574, %parallel_loop3A_602 : vector<16xi32>
        %parallel_loop3A_604 = tpu.vector_load_idx %arg8[%parallel_loop3A_603] : memref<32768xf32, #tpu.memory_space<vmem>>[vector<16xi32>], vector<16xf32>,
        %parallel_loop3A_605 = vector.broadcast %mul3A_282 : i32 to vector<16xi32>
        %parallel_loop3A_606 = arith.addi %parallel_loop3A_574, %parallel_loop3A_605 : vector<16xi32>
        %parallel_loop3A_607 = tpu.vector_load_idx %arg8[%parallel_loop3A_606] : memref<32768xf32, #tpu.memory_space<vmem>>[vector<16xi32>], vector<16xf32>,
        %parallel_loop3A_608 = vector.broadcast %mul3A_291 : i32 to vector<16xi32>
        %parallel_loop3A_609 = arith.addi %parallel_loop3A_574, %parallel_loop3A_608 : vector<16xi32>
        %parallel_loop3A_610 = tpu.vector_load_idx %arg8[%parallel_loop3A_609] : memref<32768xf32, #tpu.memory_space<vmem>>[vector<16xi32>], vector<16xf32>,
        %parallel_loop3A_611 = vector.broadcast %mul3A_300 : i32 to vector<16xi32>
        %parallel_loop3A_612 = arith.addi %parallel_loop3A_574, %parallel_loop3A_611 : vector<16xi32>
        %parallel_loop3A_613 = tpu.vector_load_idx %arg8[%parallel_loop3A_612] : memref<32768xf32, #tpu.memory_space<vmem>>[vector<16xi32>], vector<16xf32>,
        %parallel_loop3A_614 = vector.broadcast %mul3A_309 : i32 to vector<16xi32>
        %parallel_loop3A_615 = arith.addi %parallel_loop3A_574, %parallel_loop3A_614 : vector<16xi32>
        %parallel_loop3A_616 = tpu.vector_load_idx %arg8[%parallel_loop3A_615] : memref<32768xf32, #tpu.memory_space<vmem>>[vector<16xi32>], vector<16xf32>,
        %parallel_loop3A_617 = vector.broadcast %mul3A_318 : i32 to vector<16xi32>
        %parallel_loop3A_618 = arith.addi %parallel_loop3A_574, %parallel_loop3A_617 : vector<16xi32>
        %parallel_loop3A_619 = tpu.vector_load_idx %arg8[%parallel_loop3A_618] : memref<32768xf32, #tpu.memory_space<vmem>>[vector<16xi32>], vector<16xf32>,
        %parallel_loop3A_620 = vector.broadcast %mul3A_327 : i32 to vector<16xi32>
        %parallel_loop3A_621 = arith.addi %parallel_loop3A_574, %parallel_loop3A_620 : vector<16xi32>
        %parallel_loop3A_622 = tpu.vector_load_idx %arg8[%parallel_loop3A_621] : memref<32768xf32, #tpu.memory_space<vmem>>[vector<16xi32>], vector<16xf32>,
        %parallel_loop3A_623 = arith.constant 0 : i32
        %parallel_loop3A_624 = arith.index_cast %parallel_loop3A_623 : i32 to index
        %parallel_loop3A_625 = arith.index_cast %parallel_loop3A_572 : i32 to index
        %parallel_loop3A_626 = tpu.vector_load %arg19[%parallel_loop3A_624, %parallel_loop3A_625] {strides = array<i32>} : memref<8x1024xf32, #tpu.memory_space<vmem>>, vector<16xf32>,
        tpu.vector_store %arg19[%parallel_loop3A_624, %parallel_loop3A_625], %parallel_loop3A_577 {strides = array<i32>} : memref<8x1024xf32, #tpu.memory_space<vmem>>, vector<16xf32>,
        %parallel_loop3A_627 = arith.constant 1 : i32
        %parallel_loop3A_628 = arith.index_cast %parallel_loop3A_627 : i32 to index
        %parallel_loop3A_629 = arith.index_cast %parallel_loop3A_572 : i32 to index
        %parallel_loop3A_630 = tpu.vector_load %arg19[%parallel_loop3A_628, %parallel_loop3A_629] {strides = array<i32>} : memref<8x1024xf32, #tpu.memory_space<vmem>>, vector<16xf32>,
        tpu.vector_store %arg19[%parallel_loop3A_628, %parallel_loop3A_629], %parallel_loop3A_580 {strides = array<i32>} : memref<8x1024xf32, #tpu.memory_space<vmem>>, vector<16xf32>,
        %parallel_loop3A_631 = arith.constant 2 : i32
        %parallel_loop3A_632 = arith.index_cast %parallel_loop3A_631 : i32 to index
        %parallel_loop3A_633 = arith.index_cast %parallel_loop3A_572 : i32 to index
        %parallel_loop3A_634 = tpu.vector_load %arg19[%parallel_loop3A_632, %parallel_loop3A_633] {strides = array<i32>} : memref<8x1024xf32, #tpu.memory_space<vmem>>, vector<16xf32>,
        tpu.vector_store %arg19[%parallel_loop3A_632, %parallel_loop3A_633], %parallel_loop3A_583 {strides = array<i32>} : memref<8x1024xf32, #tpu.memory_space<vmem>>, vector<16xf32>,
        %parallel_loop3A_635 = arith.constant 3 : i32
        %parallel_loop3A_636 = arith.index_cast %parallel_loop3A_635 : i32 to index
        %parallel_loop3A_637 = arith.index_cast %parallel_loop3A_572 : i32 to index
        %parallel_loop3A_638 = tpu.vector_load %arg19[%parallel_loop3A_636, %parallel_loop3A_637] {strides = array<i32>} : memref<8x1024xf32, #tpu.memory_space<vmem>>, vector<16xf32>,
        tpu.vector_store %arg19[%parallel_loop3A_636, %parallel_loop3A_637], %parallel_loop3A_586 {strides = array<i32>} : memref<8x1024xf32, #tpu.memory_space<vmem>>, vector<16xf32>,
        %parallel_loop3A_639 = arith.constant 4 : i32
        %parallel_loop3A_640 = arith.index_cast %parallel_loop3A_639 : i32 to index
        %parallel_loop3A_641 = arith.index_cast %parallel_loop3A_572 : i32 to index
        %parallel_loop3A_642 = tpu.vector_load %arg19[%parallel_loop3A_640, %parallel_loop3A_641] {strides = array<i32>} : memref<8x1024xf32, #tpu.memory_space<vmem>>, vector<16xf32>,
        tpu.vector_store %arg19[%parallel_loop3A_640, %parallel_loop3A_641], %parallel_loop3A_589 {strides = array<i32>} : memref<8x1024xf32, #tpu.memory_space<vmem>>, vector<16xf32>,
        %parallel_loop3A_643 = arith.constant 5 : i32
        %parallel_loop3A_644 = arith.index_cast %parallel_loop3A_643 : i32 to index
        %parallel_loop3A_645 = arith.index_cast %parallel_loop3A_572 : i32 to index
        %parallel_loop3A_646 = tpu.vector_load %arg19[%parallel_loop3A_644, %parallel_loop3A_645] {strides = array<i32>} : memref<8x1024xf32, #tpu.memory_space<vmem>>, vector<16xf32>,
        tpu.vector_store %arg19[%parallel_loop3A_644, %parallel_loop3A_645], %parallel_loop3A_592 {strides = array<i32>} : memref<8x1024xf32, #tpu.memory_space<vmem>>, vector<16xf32>,
        %parallel_loop3A_647 = arith.constant 6 : i32
        %parallel_loop3A_648 = arith.index_cast %parallel_loop3A_647 : i32 to index
        %parallel_loop3A_649 = arith.index_cast %parallel_loop3A_572 : i32 to index
        %parallel_loop3A_650 = tpu.vector_load %arg19[%parallel_loop3A_648, %parallel_loop3A_649] {strides = array<i32>} : memref<8x1024xf32, #tpu.memory_space<vmem>>, vector<16xf32>,
        tpu.vector_store %arg19[%parallel_loop3A_648, %parallel_loop3A_649], %parallel_loop3A_595 {strides = array<i32>} : memref<8x1024xf32, #tpu.memory_space<vmem>>, vector<16xf32>,
        %parallel_loop3A_651 = arith.constant 7 : i32
        %parallel_loop3A_652 = arith.index_cast %parallel_loop3A_651 : i32 to index
        %parallel_loop3A_653 = arith.index_cast %parallel_loop3A_572 : i32 to index
        %parallel_loop3A_654 = tpu.vector_load %arg19[%parallel_loop3A_652, %parallel_loop3A_653] {strides = array<i32>} : memref<8x1024xf32, #tpu.memory_space<vmem>>, vector<16xf32>,
        tpu.vector_store %arg19[%parallel_loop3A_652, %parallel_loop3A_653], %parallel_loop3A_598 {strides = array<i32>} : memref<8x1024xf32, #tpu.memory_space<vmem>>, vector<16xf32>,
        %parallel_loop3A_655 = arith.constant 0 : i32
        %parallel_loop3A_656 = arith.index_cast %parallel_loop3A_655 : i32 to index
        %parallel_loop3A_657 = arith.index_cast %parallel_loop3A_572 : i32 to index
        %parallel_loop3A_658 = tpu.vector_load %arg21[%parallel_loop3A_656, %parallel_loop3A_657] {strides = array<i32>} : memref<8x1024xf32, #tpu.memory_space<vmem>>, vector<16xf32>,
        tpu.vector_store %arg21[%parallel_loop3A_656, %parallel_loop3A_657], %parallel_loop3A_601 {strides = array<i32>} : memref<8x1024xf32, #tpu.memory_space<vmem>>, vector<16xf32>,
        %parallel_loop3A_659 = arith.constant 1 : i32
        %parallel_loop3A_660 = arith.index_cast %parallel_loop3A_659 : i32 to index
        %parallel_loop3A_661 = arith.index_cast %parallel_loop3A_572 : i32 to index
        %parallel_loop3A_662 = tpu.vector_load %arg21[%parallel_loop3A_660, %parallel_loop3A_661] {strides = array<i32>} : memref<8x1024xf32, #tpu.memory_space<vmem>>, vector<16xf32>,
        tpu.vector_store %arg21[%parallel_loop3A_660, %parallel_loop3A_661], %parallel_loop3A_604 {strides = array<i32>} : memref<8x1024xf32, #tpu.memory_space<vmem>>, vector<16xf32>,
        %parallel_loop3A_663 = arith.constant 2 : i32
        %parallel_loop3A_664 = arith.index_cast %parallel_loop3A_663 : i32 to index
        %parallel_loop3A_665 = arith.index_cast %parallel_loop3A_572 : i32 to index
        %parallel_loop3A_666 = tpu.vector_load %arg21[%parallel_loop3A_664, %parallel_loop3A_665] {strides = array<i32>} : memref<8x1024xf32, #tpu.memory_space<vmem>>, vector<16xf32>,
        tpu.vector_store %arg21[%parallel_loop3A_664, %parallel_loop3A_665], %parallel_loop3A_607 {strides = array<i32>} : memref<8x1024xf32, #tpu.memory_space<vmem>>, vector<16xf32>,
        %parallel_loop3A_667 = arith.constant 3 : i32
        %parallel_loop3A_668 = arith.index_cast %parallel_loop3A_667 : i32 to index
        %parallel_loop3A_669 = arith.index_cast %parallel_loop3A_572 : i32 to index
        %parallel_loop3A_670 = tpu.vector_load %arg21[%parallel_loop3A_668, %parallel_loop3A_669] {strides = array<i32>} : memref<8x1024xf32, #tpu.memory_space<vmem>>, vector<16xf32>,
        tpu.vector_store %arg21[%parallel_loop3A_668, %parallel_loop3A_669], %parallel_loop3A_610 {strides = array<i32>} : memref<8x1024xf32, #tpu.memory_space<vmem>>, vector<16xf32>,
        %parallel_loop3A_671 = arith.constant 4 : i32
        %parallel_loop3A_672 = arith.index_cast %parallel_loop3A_671 : i32 to index
        %parallel_loop3A_673 = arith.index_cast %parallel_loop3A_572 : i32 to index
        %parallel_loop3A_674 = tpu.vector_load %arg21[%parallel_loop3A_672, %parallel_loop3A_673] {strides = array<i32>} : memref<8x1024xf32, #tpu.memory_space<vmem>>, vector<16xf32>,
        tpu.vector_store %arg21[%parallel_loop3A_672, %parallel_loop3A_673], %parallel_loop3A_613 {strides = array<i32>} : memref<8x1024xf32, #tpu.memory_space<vmem>>, vector<16xf32>,
        %parallel_loop3A_675 = arith.constant 5 : i32
        %parallel_loop3A_676 = arith.index_cast %parallel_loop3A_675 : i32 to index
        %parallel_loop3A_677 = arith.index_cast %parallel_loop3A_572 : i32 to index
        %parallel_loop3A_678 = tpu.vector_load %arg21[%parallel_loop3A_676, %parallel_loop3A_677] {strides = array<i32>} : memref<8x1024xf32, #tpu.memory_space<vmem>>, vector<16xf32>,
        tpu.vector_store %arg21[%parallel_loop3A_676, %parallel_loop3A_677], %parallel_loop3A_616 {strides = array<i32>} : memref<8x1024xf32, #tpu.memory_space<vmem>>, vector<16xf32>,
        %parallel_loop3A_679 = arith.constant 6 : i32
        %parallel_loop3A_680 = arith.index_cast %parallel_loop3A_679 : i32 to index
        %parallel_loop3A_681 = arith.index_cast %parallel_loop3A_572 : i32 to index
        %parallel_loop3A_682 = tpu.vector_load %arg21[%parallel_loop3A_680, %parallel_loop3A_681] {strides = array<i32>} : memref<8x1024xf32, #tpu.memory_space<vmem>>, vector<16xf32>,
        tpu.vector_store %arg21[%parallel_loop3A_680, %parallel_loop3A_681], %parallel_loop3A_619 {strides = array<i32>} : memref<8x1024xf32, #tpu.memory_space<vmem>>, vector<16xf32>,
        %parallel_loop3A_683 = arith.constant 7 : i32
        %parallel_loop3A_684 = arith.index_cast %parallel_loop3A_683 : i32 to index
        %parallel_loop3A_685 = arith.index_cast %parallel_loop3A_572 : i32 to index
        %parallel_loop3A_686 = tpu.vector_load %arg21[%parallel_loop3A_684, %parallel_loop3A_685] {strides = array<i32>} : memref<8x1024xf32, #tpu.memory_space<vmem>>, vector<16xf32>,
        tpu.vector_store %arg21[%parallel_loop3A_684, %parallel_loop3A_685], %parallel_loop3A_622 {strides = array<i32>} : memref<8x1024xf32, #tpu.memory_space<vmem>>, vector<16xf32>,
      } {sc.loop_unroll_factor = 1 : i64, sc.parallel_access}
      %mul3A_431 = arith.constant 32 : i32
      %mul3A_432 = arith.muli %mul3A_431, %add3A : i32
      %add3A_433 = arith.constant 0 : i32
      %add3A_434 = arith.addi %mul3A_432, %add3A_433 : i32
      %get3A_435 = arith.index_cast %add3A_434 : i32 to index
      %get3A_436 = tpu.vector_load %arg10[%get3A_435] {strides = array<i32>} : memref<1024xi32, #tpu.memory_space<vmem>>, vector<16xi32>,
      %get3A_437 = arith.constant 0 : index
      %get3A_438 = tpu.vector_load %arg23[%get3A_437] {strides = array<i32>} : memref<16xf32, #tpu.memory_space<vmem>>, vector<16xf32>,
      %gather3A = tpu.vector_load_idx %arg14[%get3A_436] : memref<1000xf32, #tpu.memory_space<vmem>>[vector<16xi32>], vector<16xf32>,
      %add3A_439 = arith.addf %get3A_438, %gather3A : vector<16xf32>
      %swap3A_440 = arith.constant 0 : index
      %swap3A_441 = tpu.vector_load %arg23[%swap3A_440] {strides = array<i32>} : memref<16xf32, #tpu.memory_space<vmem>>, vector<16xf32>,
      tpu.vector_store %arg23[%swap3A_440], %add3A_439 {strides = array<i32>} : memref<16xf32, #tpu.memory_space<vmem>>, vector<16xf32>,
      %mul3A_442 = arith.constant 32 : i32
      %mul3A_443 = arith.muli %mul3A_442, %add3A : i32
      %add3A_444 = arith.constant 16 : i32
      %add3A_445 = arith.addi %mul3A_443, %add3A_444 : i32
      %get3A_446 = arith.index_cast %add3A_445 : i32 to index
      %get3A_447 = tpu.vector_load %arg10[%get3A_446] {strides = array<i32>} : memref<1024xi32, #tpu.memory_space<vmem>>, vector<16xi32>,
      %get3A_448 = arith.constant 0 : index
      %get3A_449 = tpu.vector_load %arg23[%get3A_448] {strides = array<i32>} : memref<16xf32, #tpu.memory_space<vmem>>, vector<16xf32>,
      %gather3A_450 = tpu.vector_load_idx %arg14[%get3A_447] : memref<1000xf32, #tpu.memory_space<vmem>>[vector<16xi32>], vector<16xf32>,
      %add3A_451 = arith.addf %get3A_449, %gather3A_450 : vector<16xf32>
      %swap3A_452 = arith.constant 0 : index
      %swap3A_453 = tpu.vector_load %arg23[%swap3A_452] {strides = array<i32>} : memref<16xf32, #tpu.memory_space<vmem>>, vector<16xf32>,
      tpu.vector_store %arg23[%swap3A_452], %add3A_451 {strides = array<i32>} : memref<16xf32, #tpu.memory_space<vmem>>, vector<16xf32>,
      %add3A_454 = arith.constant 0 : i32
      %add3A_455 = arith.addi %mul3A_2, %add3A_454 : i32
      %lt3A_456 = arith.cmpi slt, %add3A_455, %min3A_5 : i32
      %convert_element_type3A_457 = arith.extui %lt3A_456 : i1 to i32
      %cond3A_458 = arith.constant 0 : i32
      %cond3A_459 = arith.cmpi ne, %convert_element_type3A_457, %cond3A_458 : i32
      scf.if %cond3A_459 {
        %add3A_570 = arith.constant 0 : i32
        %add3A_571 = arith.addi %mul3A_2, %add3A_570 : i32
        %dma_start3A_572 = arith.constant 0 : i32
        %dma_start3A_573 = tpu.memref_slice %arg6[%mul3A_394, %add3A_571, %dma_start3A_572] : memref<50x1000x1024xf32, #tpu.memory_space<hbm>> -> memref<1x8x1024xf32, #tpu.memory_space<hbm>>
        %dma_start3A_574 = tpu.memref_squeeze %dma_start3A_573 : memref<1x8x1024xf32, #tpu.memory_space<hbm>> -> memref<8x1024xf32, #tpu.memory_space<hbm>>
        %dma_start3A_575 = arith.constant 0 : i32
        %dma_start3A_576 = tpu.memref_slice %arg6[%mul3A_394, %add3A_571, %dma_start3A_575] : memref<50x1000x1024xf32, #tpu.memory_space<hbm>> -> memref<1x8x1024xf32, #tpu.memory_space<hbm>>
        %dma_start3A_577 = tpu.memref_squeeze %dma_start3A_576 : memref<1x8x1024xf32, #tpu.memory_space<hbm>> -> memref<8x1024xf32, #tpu.memory_space<hbm>>
        tpu.enqueue_dma source(%arg15 : memref<8x1024xf32, #tpu.memory_space<vmem>>) target(%dma_start3A_577 : memref<8x1024xf32, #tpu.memory_space<hbm>>) target_semaphore(%arg26 : memref<!tpu.dma_semaphore, #tpu.memory_space<semaphore_mem>>)
      } else {
      }
      %add3A_460 = arith.constant 8 : i32
      %add3A_461 = arith.addi %mul3A_2, %add3A_460 : i32
      %lt3A_462 = arith.cmpi slt, %add3A_461, %min3A_5 : i32
      %convert_element_type3A_463 = arith.extui %lt3A_462 : i1 to i32
      %cond3A_464 = arith.constant 0 : i32
      %cond3A_465 = arith.cmpi ne, %convert_element_type3A_463, %cond3A_464 : i32
      scf.if %cond3A_465 {
        %add3A_570 = arith.constant 8 : i32
        %add3A_571 = arith.addi %mul3A_2, %add3A_570 : i32
        %dma_start3A_572 = arith.constant 0 : i32
        %dma_start3A_573 = tpu.memref_slice %arg6[%mul3A_394, %add3A_571, %dma_start3A_572] : memref<50x1000x1024xf32, #tpu.memory_space<hbm>> -> memref<1x8x1024xf32, #tpu.memory_space<hbm>>
        %dma_start3A_574 = tpu.memref_squeeze %dma_start3A_573 : memref<1x8x1024xf32, #tpu.memory_space<hbm>> -> memref<8x1024xf32, #tpu.memory_space<hbm>>
        %dma_start3A_575 = arith.constant 0 : i32
        %dma_start3A_576 = tpu.memref_slice %arg6[%mul3A_394, %add3A_571, %dma_start3A_575] : memref<50x1000x1024xf32, #tpu.memory_space<hbm>> -> memref<1x8x1024xf32, #tpu.memory_space<hbm>>
        %dma_start3A_577 = tpu.memref_squeeze %dma_start3A_576 : memref<1x8x1024xf32, #tpu.memory_space<hbm>> -> memref<8x1024xf32, #tpu.memory_space<hbm>>
        tpu.enqueue_dma source(%arg17 : memref<8x1024xf32, #tpu.memory_space<vmem>>) target(%dma_start3A_577 : memref<8x1024xf32, #tpu.memory_space<hbm>>) target_semaphore(%arg26 : memref<!tpu.dma_semaphore, #tpu.memory_space<semaphore_mem>>)
      } else {
      }
      %add3A_466 = arith.constant 16 : i32
      %add3A_467 = arith.addi %mul3A_2, %add3A_466 : i32
      %lt3A_468 = arith.cmpi slt, %add3A_467, %min3A_5 : i32
      %convert_element_type3A_469 = arith.extui %lt3A_468 : i1 to i32
      %cond3A_470 = arith.constant 0 : i32
      %cond3A_471 = arith.cmpi ne, %convert_element_type3A_469, %cond3A_470 : i32
      scf.if %cond3A_471 {
        %add3A_570 = arith.constant 16 : i32
        %add3A_571 = arith.addi %mul3A_2, %add3A_570 : i32
        %dma_start3A_572 = arith.constant 0 : i32
        %dma_start3A_573 = tpu.memref_slice %arg6[%mul3A_394, %add3A_571, %dma_start3A_572] : memref<50x1000x1024xf32, #tpu.memory_space<hbm>> -> memref<1x8x1024xf32, #tpu.memory_space<hbm>>
        %dma_start3A_574 = tpu.memref_squeeze %dma_start3A_573 : memref<1x8x1024xf32, #tpu.memory_space<hbm>> -> memref<8x1024xf32, #tpu.memory_space<hbm>>
        %dma_start3A_575 = arith.constant 0 : i32
        %dma_start3A_576 = tpu.memref_slice %arg6[%mul3A_394, %add3A_571, %dma_start3A_575] : memref<50x1000x1024xf32, #tpu.memory_space<hbm>> -> memref<1x8x1024xf32, #tpu.memory_space<hbm>>
        %dma_start3A_577 = tpu.memref_squeeze %dma_start3A_576 : memref<1x8x1024xf32, #tpu.memory_space<hbm>> -> memref<8x1024xf32, #tpu.memory_space<hbm>>
        tpu.enqueue_dma source(%arg19 : memref<8x1024xf32, #tpu.memory_space<vmem>>) target(%dma_start3A_577 : memref<8x1024xf32, #tpu.memory_space<hbm>>) target_semaphore(%arg26 : memref<!tpu.dma_semaphore, #tpu.memory_space<semaphore_mem>>)
      } else {
      }
      %add3A_472 = arith.constant 24 : i32
      %add3A_473 = arith.addi %mul3A_2, %add3A_472 : i32
      %lt3A_474 = arith.cmpi slt, %add3A_473, %min3A_5 : i32
      %convert_element_type3A_475 = arith.extui %lt3A_474 : i1 to i32
      %cond3A_476 = arith.constant 0 : i32
      %cond3A_477 = arith.cmpi ne, %convert_element_type3A_475, %cond3A_476 : i32
      scf.if %cond3A_477 {
        %add3A_570 = arith.constant 24 : i32
        %add3A_571 = arith.addi %mul3A_2, %add3A_570 : i32
        %dma_start3A_572 = arith.constant 0 : i32
        %dma_start3A_573 = tpu.memref_slice %arg6[%mul3A_394, %add3A_571, %dma_start3A_572] : memref<50x1000x1024xf32, #tpu.memory_space<hbm>> -> memref<1x8x1024xf32, #tpu.memory_space<hbm>>
        %dma_start3A_574 = tpu.memref_squeeze %dma_start3A_573 : memref<1x8x1024xf32, #tpu.memory_space<hbm>> -> memref<8x1024xf32, #tpu.memory_space<hbm>>
        %dma_start3A_575 = arith.constant 0 : i32
        %dma_start3A_576 = tpu.memref_slice %arg6[%mul3A_394, %add3A_571, %dma_start3A_575] : memref<50x1000x1024xf32, #tpu.memory_space<hbm>> -> memref<1x8x1024xf32, #tpu.memory_space<hbm>>
        %dma_start3A_577 = tpu.memref_squeeze %dma_start3A_576 : memref<1x8x1024xf32, #tpu.memory_space<hbm>> -> memref<8x1024xf32, #tpu.memory_space<hbm>>
        tpu.enqueue_dma source(%arg21 : memref<8x1024xf32, #tpu.memory_space<vmem>>) target(%dma_start3A_577 : memref<8x1024xf32, #tpu.memory_space<hbm>>) target_semaphore(%arg26 : memref<!tpu.dma_semaphore, #tpu.memory_space<semaphore_mem>>)
      } else {
      }
      %mul3A_478 = arith.constant 2 : i32
      %mul3A_479 = arith.muli %mul3A_478, %scan3A_392 : i32
      %add3A_480 = arith.constant 1 : i32
      %add3A_481 = arith.addi %mul3A_479, %add3A_480 : i32
      %ge3A_482 = arith.constant 2 : i32
      %ge3A_483 = arith.cmpi sge, %add3A_481, %ge3A_482 : i32
      %convert_element_type3A_484 = arith.extui %ge3A_483 : i1 to i32
      %cond3A_485 = arith.constant 0 : i32
      %cond3A_486 = arith.cmpi ne, %convert_element_type3A_484, %cond3A_485 : i32
      scf.if %cond3A_486 {
        %add3A_570 = arith.constant 0 : i32
        %add3A_571 = arith.addi %mul3A_2, %add3A_570 : i32
        %lt3A_572 = arith.cmpi slt, %add3A_571, %min3A_5 : i32
        %convert_element_type3A_573 = arith.extui %lt3A_572 : i1 to i32
        %cond3A_574 = arith.constant 0 : i32
        %cond3A_575 = arith.cmpi ne, %convert_element_type3A_573, %cond3A_574 : i32
        scf.if %cond3A_575 {
          %dma_wait3A_594 = arith.constant 0 : i32
          %dma_wait3A_595 = arith.constant 0 : i32
          %dma_wait3A_596 = arith.constant 0 : i32
          %dma_wait3A_597 = tpu.memref_slice %arg6[%dma_wait3A_594, %dma_wait3A_595, %dma_wait3A_596] : memref<50x1000x1024xf32, #tpu.memory_space<hbm>> -> memref<1x8x1024xf32, #tpu.memory_space<hbm>>
          %dma_wait3A_598 = tpu.memref_squeeze %dma_wait3A_597 : memref<1x8x1024xf32, #tpu.memory_space<hbm>> -> memref<8x1024xf32, #tpu.memory_space<hbm>>
          %dma_wait3A_599 = arith.constant 0 : i32
          %dma_wait3A_600 = arith.constant 0 : i32
          %dma_wait3A_601 = tpu.memref_slice %arg6[%dma_wait3A_594, %dma_wait3A_599, %dma_wait3A_600] : memref<50x1000x1024xf32, #tpu.memory_space<hbm>> -> memref<1x8x1024xf32, #tpu.memory_space<hbm>>
          %dma_wait3A_602 = tpu.memref_squeeze %dma_wait3A_601 : memref<1x8x1024xf32, #tpu.memory_space<hbm>> -> memref<8x1024xf32, #tpu.memory_space<hbm>>
          tpu.wait_dma2 semaphore(%arg27 : memref<!tpu.dma_semaphore, #tpu.memory_space<semaphore_mem>>) src(%arg16 : memref<8x1024xf32, #tpu.memory_space<vmem>>) dst(%dma_wait3A_602 : memref<8x1024xf32, #tpu.memory_space<hbm>>)
        } else {
        }
        %add3A_576 = arith.constant 8 : i32
        %add3A_577 = arith.addi %mul3A_2, %add3A_576 : i32
        %lt3A_578 = arith.cmpi slt, %add3A_577, %min3A_5 : i32
        %convert_element_type3A_579 = arith.extui %lt3A_578 : i1 to i32
        %cond3A_580 = arith.constant 0 : i32
        %cond3A_581 = arith.cmpi ne, %convert_element_type3A_579, %cond3A_580 : i32
        scf.if %cond3A_581 {
          %dma_wait3A_594 = arith.constant 0 : i32
          %dma_wait3A_595 = arith.constant 0 : i32
          %dma_wait3A_596 = arith.constant 0 : i32
          %dma_wait3A_597 = tpu.memref_slice %arg6[%dma_wait3A_594, %dma_wait3A_595, %dma_wait3A_596] : memref<50x1000x1024xf32, #tpu.memory_space<hbm>> -> memref<1x8x1024xf32, #tpu.memory_space<hbm>>
          %dma_wait3A_598 = tpu.memref_squeeze %dma_wait3A_597 : memref<1x8x1024xf32, #tpu.memory_space<hbm>> -> memref<8x1024xf32, #tpu.memory_space<hbm>>
          %dma_wait3A_599 = arith.constant 0 : i32
          %dma_wait3A_600 = arith.constant 0 : i32
          %dma_wait3A_601 = tpu.memref_slice %arg6[%dma_wait3A_594, %dma_wait3A_599, %dma_wait3A_600] : memref<50x1000x1024xf32, #tpu.memory_space<hbm>> -> memref<1x8x1024xf32, #tpu.memory_space<hbm>>
          %dma_wait3A_602 = tpu.memref_squeeze %dma_wait3A_601 : memref<1x8x1024xf32, #tpu.memory_space<hbm>> -> memref<8x1024xf32, #tpu.memory_space<hbm>>
          tpu.wait_dma2 semaphore(%arg27 : memref<!tpu.dma_semaphore, #tpu.memory_space<semaphore_mem>>) src(%arg18 : memref<8x1024xf32, #tpu.memory_space<vmem>>) dst(%dma_wait3A_602 : memref<8x1024xf32, #tpu.memory_space<hbm>>)
        } else {
        }
        %add3A_582 = arith.constant 16 : i32
        %add3A_583 = arith.addi %mul3A_2, %add3A_582 : i32
        %lt3A_584 = arith.cmpi slt, %add3A_583, %min3A_5 : i32
        %convert_element_type3A_585 = arith.extui %lt3A_584 : i1 to i32
        %cond3A_586 = arith.constant 0 : i32
        %cond3A_587 = arith.cmpi ne, %convert_element_type3A_585, %cond3A_586 : i32
        scf.if %cond3A_587 {
          %dma_wait3A_594 = arith.constant 0 : i32
          %dma_wait3A_595 = arith.constant 0 : i32
          %dma_wait3A_596 = arith.constant 0 : i32
          %dma_wait3A_597 = tpu.memref_slice %arg6[%dma_wait3A_594, %dma_wait3A_595, %dma_wait3A_596] : memref<50x1000x1024xf32, #tpu.memory_space<hbm>> -> memref<1x8x1024xf32, #tpu.memory_space<hbm>>
          %dma_wait3A_598 = tpu.memref_squeeze %dma_wait3A_597 : memref<1x8x1024xf32, #tpu.memory_space<hbm>> -> memref<8x1024xf32, #tpu.memory_space<hbm>>
          %dma_wait3A_599 = arith.constant 0 : i32
          %dma_wait3A_600 = arith.constant 0 : i32
          %dma_wait3A_601 = tpu.memref_slice %arg6[%dma_wait3A_594, %dma_wait3A_599, %dma_wait3A_600] : memref<50x1000x1024xf32, #tpu.memory_space<hbm>> -> memref<1x8x1024xf32, #tpu.memory_space<hbm>>
          %dma_wait3A_602 = tpu.memref_squeeze %dma_wait3A_601 : memref<1x8x1024xf32, #tpu.memory_space<hbm>> -> memref<8x1024xf32, #tpu.memory_space<hbm>>
          tpu.wait_dma2 semaphore(%arg27 : memref<!tpu.dma_semaphore, #tpu.memory_space<semaphore_mem>>) src(%arg20 : memref<8x1024xf32, #tpu.memory_space<vmem>>) dst(%dma_wait3A_602 : memref<8x1024xf32, #tpu.memory_space<hbm>>)
        } else {
        }
        %add3A_588 = arith.constant 24 : i32
        %add3A_589 = arith.addi %mul3A_2, %add3A_588 : i32
        %lt3A_590 = arith.cmpi slt, %add3A_589, %min3A_5 : i32
        %convert_element_type3A_591 = arith.extui %lt3A_590 : i1 to i32
        %cond3A_592 = arith.constant 0 : i32
        %cond3A_593 = arith.cmpi ne, %convert_element_type3A_591, %cond3A_592 : i32
        scf.if %cond3A_593 {
          %dma_wait3A_594 = arith.constant 0 : i32
          %dma_wait3A_595 = arith.constant 0 : i32
          %dma_wait3A_596 = arith.constant 0 : i32
          %dma_wait3A_597 = tpu.memref_slice %arg6[%dma_wait3A_594, %dma_wait3A_595, %dma_wait3A_596] : memref<50x1000x1024xf32, #tpu.memory_space<hbm>> -> memref<1x8x1024xf32, #tpu.memory_space<hbm>>
          %dma_wait3A_598 = tpu.memref_squeeze %dma_wait3A_597 : memref<1x8x1024xf32, #tpu.memory_space<hbm>> -> memref<8x1024xf32, #tpu.memory_space<hbm>>
          %dma_wait3A_599 = arith.constant 0 : i32
          %dma_wait3A_600 = arith.constant 0 : i32
          %dma_wait3A_601 = tpu.memref_slice %arg6[%dma_wait3A_594, %dma_wait3A_599, %dma_wait3A_600] : memref<50x1000x1024xf32, #tpu.memory_space<hbm>> -> memref<1x8x1024xf32, #tpu.memory_space<hbm>>
          %dma_wait3A_602 = tpu.memref_squeeze %dma_wait3A_601 : memref<1x8x1024xf32, #tpu.memory_space<hbm>> -> memref<8x1024xf32, #tpu.memory_space<hbm>>
          tpu.wait_dma2 semaphore(%arg27 : memref<!tpu.dma_semaphore, #tpu.memory_space<semaphore_mem>>) src(%arg22 : memref<8x1024xf32, #tpu.memory_space<vmem>>) dst(%dma_wait3A_602 : memref<8x1024xf32, #tpu.memory_space<hbm>>)
        } else {
        }
      } else {
      }
      %dma_wait3A_487 = arith.constant 0 : i32
      %dma_wait3A_488 = arith.constant 0 : i32
      %dma_wait3A_489 = tpu.memref_slice %arg2[%dma_wait3A_487, %dma_wait3A_488] : memref<50x1024xi32, #tpu.memory_space<hbm>> -> memref<1x1024xi32, #tpu.memory_space<hbm>>
      %dma_wait3A_490 = tpu.memref_squeeze %dma_wait3A_489 : memref<1x1024xi32, #tpu.memory_space<hbm>> -> memref<1024xi32, #tpu.memory_space<hbm>>
      %dma_wait3A_491 = arith.constant 0 : i32
      %dma_wait3A_492 = tpu.memref_slice %arg2[%dma_wait3A_487, %dma_wait3A_491] : memref<50x1024xi32, #tpu.memory_space<hbm>> -> memref<1x1024xi32, #tpu.memory_space<hbm>>
      %dma_wait3A_493 = tpu.memref_squeeze %dma_wait3A_492 : memref<1x1024xi32, #tpu.memory_space<hbm>> -> memref<1024xi32, #tpu.memory_space<hbm>>
      tpu.wait_dma2 semaphore(%arg25 : memref<!tpu.dma_semaphore, #tpu.memory_space<semaphore_mem>>) src(%dma_wait3A_493 : memref<1024xi32, #tpu.memory_space<hbm>>) dst(%arg11 : memref<1024xi32, #tpu.memory_space<vmem>>)
      %dma_wait3A_494 = arith.constant 0 : i32
      %dma_wait3A_495 = arith.constant 0 : i32
      %dma_wait3A_496 = tpu.memref_slice %arg3[%dma_wait3A_494, %dma_wait3A_495] : memref<50x1024xi32, #tpu.memory_space<hbm>> -> memref<1x1024xi32, #tpu.memory_space<hbm>>
      %dma_wait3A_497 = tpu.memref_squeeze %dma_wait3A_496 : memref<1x1024xi32, #tpu.memory_space<hbm>> -> memref<1024xi32, #tpu.memory_space<hbm>>
      %dma_wait3A_498 = arith.constant 0 : i32
      %dma_wait3A_499 = tpu.memref_slice %arg3[%dma_wait3A_494, %dma_wait3A_498] : memref<50x1024xi32, #tpu.memory_space<hbm>> -> memref<1x1024xi32, #tpu.memory_space<hbm>>
      %dma_wait3A_500 = tpu.memref_squeeze %dma_wait3A_499 : memref<1x1024xi32, #tpu.memory_space<hbm>> -> memref<1024xi32, #tpu.memory_space<hbm>>
      tpu.wait_dma2 semaphore(%arg25 : memref<!tpu.dma_semaphore, #tpu.memory_space<semaphore_mem>>) src(%dma_wait3A_500 : memref<1024xi32, #tpu.memory_space<hbm>>) dst(%arg13 : memref<1024xi32, #tpu.memory_space<vmem>>)
      %add3A_501 = arith.constant 1 : i32
      %add3A_502 = arith.addi %add3A_481, %add3A_501 : i32
      %lt3A_503 = arith.constant 50 : i32
      %lt3A_504 = arith.cmpi slt, %add3A_502, %lt3A_503 : i32
      %convert_element_type3A_505 = arith.extui %lt3A_504 : i1 to i32
      %cond3A_506 = arith.constant 0 : i32
      %cond3A_507 = arith.cmpi ne, %convert_element_type3A_505, %cond3A_506 : i32
      scf.if %cond3A_507 {
        %add3A_570 = arith.constant 1 : i32
        %add3A_571 = arith.addi %add3A_481, %add3A_570 : i32
        %dma_start3A_572 = arith.constant 0 : i32
        %dma_start3A_573 = tpu.memref_slice %arg2[%add3A_571, %dma_start3A_572] : memref<50x1024xi32, #tpu.memory_space<hbm>> -> memref<1x1024xi32, #tpu.memory_space<hbm>>
        %dma_start3A_574 = tpu.memref_squeeze %dma_start3A_573 : memref<1x1024xi32, #tpu.memory_space<hbm>> -> memref<1024xi32, #tpu.memory_space<hbm>>
        %dma_start3A_575 = arith.constant 0 : i32
        %dma_start3A_576 = tpu.memref_slice %arg2[%add3A_571, %dma_start3A_575] : memref<50x1024xi32, #tpu.memory_space<hbm>> -> memref<1x1024xi32, #tpu.memory_space<hbm>>
        %dma_start3A_577 = tpu.memref_squeeze %dma_start3A_576 : memref<1x1024xi32, #tpu.memory_space<hbm>> -> memref<1024xi32, #tpu.memory_space<hbm>>
        tpu.enqueue_dma source(%dma_start3A_577 : memref<1024xi32, #tpu.memory_space<hbm>>) target(%arg10 : memref<1024xi32, #tpu.memory_space<vmem>>) target_semaphore(%arg24 : memref<!tpu.dma_semaphore, #tpu.memory_space<semaphore_mem>>)
        %add3A_578 = arith.constant 1 : i32
        %add3A_579 = arith.addi %add3A_481, %add3A_578 : i32
        %dma_start3A_580 = arith.constant 0 : i32
        %dma_start3A_581 = tpu.memref_slice %arg3[%add3A_579, %dma_start3A_580] : memref<50x1024xi32, #tpu.memory_space<hbm>> -> memref<1x1024xi32, #tpu.memory_space<hbm>>
        %dma_start3A_582 = tpu.memref_squeeze %dma_start3A_581 : memref<1x1024xi32, #tpu.memory_space<hbm>> -> memref<1024xi32, #tpu.memory_space<hbm>>
        %dma_start3A_583 = arith.constant 0 : i32
        %dma_start3A_584 = tpu.memref_slice %arg3[%add3A_579, %dma_start3A_583] : memref<50x1024xi32, #tpu.memory_space<hbm>> -> memref<1x1024xi32, #tpu.memory_space<hbm>>
        %dma_start3A_585 = tpu.memref_squeeze %dma_start3A_584 : memref<1x1024xi32, #tpu.memory_space<hbm>> -> memref<1024xi32, #tpu.memory_space<hbm>>
        tpu.enqueue_dma source(%dma_start3A_585 : memref<1024xi32, #tpu.memory_space<hbm>>) target(%arg12 : memref<1024xi32, #tpu.memory_space<vmem>>) target_semaphore(%arg24 : memref<!tpu.dma_semaphore, #tpu.memory_space<semaphore_mem>>)
      } else {
      }
      %broadcast_in_dim3A_508 = arith.constant 0.000000e+00 : f32
      %broadcast_in_dim3A_509 = vector.broadcast %broadcast_in_dim3A_508 : f32 to vector<16xf32>
      %parallel_loop3A_510 = arith.constant 0 : i32
      %parallel_loop3A_511 = arith.constant 64 : i32
      %parallel_loop3A_512 = arith.constant 1 : i32
      %parallel_loop3A_513 = scf.for %parallel_loop3A_570 = %parallel_loop3A_510 to %parallel_loop3A_511 step %parallel_loop3A_512 iter_args(%parallel_loop3A_571 = %broadcast_in_dim3A_509) -> (vector<16xf32>)  : i32 {
        %parallel_loop3A_572 = arith.constant 16 : i32
        %parallel_loop3A_573 = arith.muli %parallel_loop3A_572, %parallel_loop3A_570 : i32
        %parallel_loop3A_574 = arith.index_cast %parallel_loop3A_573 : i32 to index
        %parallel_loop3A_575 = tpu.vector_load %arg11[%parallel_loop3A_574] {strides = array<i32>} : memref<1024xi32, #tpu.memory_space<vmem>>, vector<16xi32>,
        %parallel_loop3A_576 = arith.index_cast %parallel_loop3A_573 : i32 to index
        %parallel_loop3A_577 = tpu.vector_load %arg13[%parallel_loop3A_576] {strides = array<i32>} : memref<1024xi32, #tpu.memory_space<vmem>>, vector<16xi32>,
        %parallel_loop3A_578 = vector.broadcast %mul3A_48 : i32 to vector<16xi32>
        %parallel_loop3A_579 = arith.addi %parallel_loop3A_575, %parallel_loop3A_578 : vector<16xi32>
        %parallel_loop3A_580 = tpu.vector_load_idx %arg8[%parallel_loop3A_579] : memref<32768xf32, #tpu.memory_space<vmem>>[vector<16xi32>], vector<16xf32>,
        %parallel_loop3A_581 = vector.broadcast %mul3A_57 : i32 to vector<16xi32>
        %parallel_loop3A_582 = arith.addi %parallel_loop3A_575, %parallel_loop3A_581 : vector<16xi32>
        %parallel_loop3A_583 = tpu.vector_load_idx %arg8[%parallel_loop3A_582] : memref<32768xf32, #tpu.memory_space<vmem>>[vector<16xi32>], vector<16xf32>,
        %parallel_loop3A_584 = vector.broadcast %mul3A_66 : i32 to vector<16xi32>
        %parallel_loop3A_585 = arith.addi %parallel_loop3A_575, %parallel_loop3A_584 : vector<16xi32>
        %parallel_loop3A_586 = tpu.vector_load_idx %arg8[%parallel_loop3A_585] : memref<32768xf32, #tpu.memory_space<vmem>>[vector<16xi32>], vector<16xf32>,
        %parallel_loop3A_587 = vector.broadcast %mul3A_75 : i32 to vector<16xi32>
        %parallel_loop3A_588 = arith.addi %parallel_loop3A_575, %parallel_loop3A_587 : vector<16xi32>
        %parallel_loop3A_589 = tpu.vector_load_idx %arg8[%parallel_loop3A_588] : memref<32768xf32, #tpu.memory_space<vmem>>[vector<16xi32>], vector<16xf32>,
        %parallel_loop3A_590 = vector.broadcast %mul3A_84 : i32 to vector<16xi32>
        %parallel_loop3A_591 = arith.addi %parallel_loop3A_575, %parallel_loop3A_590 : vector<16xi32>
        %parallel_loop3A_592 = tpu.vector_load_idx %arg8[%parallel_loop3A_591] : memref<32768xf32, #tpu.memory_space<vmem>>[vector<16xi32>], vector<16xf32>,
        %parallel_loop3A_593 = vector.broadcast %mul3A_93 : i32 to vector<16xi32>
        %parallel_loop3A_594 = arith.addi %parallel_loop3A_575, %parallel_loop3A_593 : vector<16xi32>
        %parallel_loop3A_595 = tpu.vector_load_idx %arg8[%parallel_loop3A_594] : memref<32768xf32, #tpu.memory_space<vmem>>[vector<16xi32>], vector<16xf32>,
        %parallel_loop3A_596 = vector.broadcast %mul3A_102 : i32 to vector<16xi32>
        %parallel_loop3A_597 = arith.addi %parallel_loop3A_575, %parallel_loop3A_596 : vector<16xi32>
        %parallel_loop3A_598 = tpu.vector_load_idx %arg8[%parallel_loop3A_597] : memref<32768xf32, #tpu.memory_space<vmem>>[vector<16xi32>], vector<16xf32>,
        %parallel_loop3A_599 = vector.broadcast %mul3A_111 : i32 to vector<16xi32>
        %parallel_loop3A_600 = arith.addi %parallel_loop3A_575, %parallel_loop3A_599 : vector<16xi32>
        %parallel_loop3A_601 = tpu.vector_load_idx %arg8[%parallel_loop3A_600] : memref<32768xf32, #tpu.memory_space<vmem>>[vector<16xi32>], vector<16xf32>,
        %parallel_loop3A_602 = vector.broadcast %mul3A_120 : i32 to vector<16xi32>
        %parallel_loop3A_603 = arith.addi %parallel_loop3A_575, %parallel_loop3A_602 : vector<16xi32>
        %parallel_loop3A_604 = tpu.vector_load_idx %arg8[%parallel_loop3A_603] : memref<32768xf32, #tpu.memory_space<vmem>>[vector<16xi32>], vector<16xf32>,
        %parallel_loop3A_605 = vector.broadcast %mul3A_129 : i32 to vector<16xi32>
        %parallel_loop3A_606 = arith.addi %parallel_loop3A_575, %parallel_loop3A_605 : vector<16xi32>
        %parallel_loop3A_607 = tpu.vector_load_idx %arg8[%parallel_loop3A_606] : memref<32768xf32, #tpu.memory_space<vmem>>[vector<16xi32>], vector<16xf32>,
        %parallel_loop3A_608 = vector.broadcast %mul3A_138 : i32 to vector<16xi32>
        %parallel_loop3A_609 = arith.addi %parallel_loop3A_575, %parallel_loop3A_608 : vector<16xi32>
        %parallel_loop3A_610 = tpu.vector_load_idx %arg8[%parallel_loop3A_609] : memref<32768xf32, #tpu.memory_space<vmem>>[vector<16xi32>], vector<16xf32>,
        %parallel_loop3A_611 = vector.broadcast %mul3A_147 : i32 to vector<16xi32>
        %parallel_loop3A_612 = arith.addi %parallel_loop3A_575, %parallel_loop3A_611 : vector<16xi32>
        %parallel_loop3A_613 = tpu.vector_load_idx %arg8[%parallel_loop3A_612] : memref<32768xf32, #tpu.memory_space<vmem>>[vector<16xi32>], vector<16xf32>,
        %parallel_loop3A_614 = vector.broadcast %mul3A_156 : i32 to vector<16xi32>
        %parallel_loop3A_615 = arith.addi %parallel_loop3A_575, %parallel_loop3A_614 : vector<16xi32>
        %parallel_loop3A_616 = tpu.vector_load_idx %arg8[%parallel_loop3A_615] : memref<32768xf32, #tpu.memory_space<vmem>>[vector<16xi32>], vector<16xf32>,
        %parallel_loop3A_617 = vector.broadcast %mul3A_165 : i32 to vector<16xi32>
        %parallel_loop3A_618 = arith.addi %parallel_loop3A_575, %parallel_loop3A_617 : vector<16xi32>
        %parallel_loop3A_619 = tpu.vector_load_idx %arg8[%parallel_loop3A_618] : memref<32768xf32, #tpu.memory_space<vmem>>[vector<16xi32>], vector<16xf32>,
        %parallel_loop3A_620 = vector.broadcast %mul3A_174 : i32 to vector<16xi32>
        %parallel_loop3A_621 = arith.addi %parallel_loop3A_575, %parallel_loop3A_620 : vector<16xi32>
        %parallel_loop3A_622 = tpu.vector_load_idx %arg8[%parallel_loop3A_621] : memref<32768xf32, #tpu.memory_space<vmem>>[vector<16xi32>], vector<16xf32>,
        %parallel_loop3A_623 = vector.broadcast %mul3A_183 : i32 to vector<16xi32>
        %parallel_loop3A_624 = arith.addi %parallel_loop3A_575, %parallel_loop3A_623 : vector<16xi32>
        %parallel_loop3A_625 = tpu.vector_load_idx %arg8[%parallel_loop3A_624] : memref<32768xf32, #tpu.memory_space<vmem>>[vector<16xi32>], vector<16xf32>,
        %parallel_loop3A_626 = vector.broadcast %mul3A_2 : i32 to vector<16xi32>
        %parallel_loop3A_627 = arith.cmpi sge, %parallel_loop3A_577, %parallel_loop3A_626 : vector<16xi32>
        %parallel_loop3A_628 = vector.broadcast %min3A_5 : i32 to vector<16xi32>
        %parallel_loop3A_629 = arith.cmpi slt, %parallel_loop3A_577, %parallel_loop3A_628 : vector<16xi32>
        %parallel_loop3A_630 = arith.andi %parallel_loop3A_627, %parallel_loop3A_629 : vector<16xi1>
        %parallel_loop3A_631 = vector.broadcast %min3A_7 : i32 to vector<16xi32>
        %parallel_loop3A_632 = arith.subi %parallel_loop3A_577, %parallel_loop3A_631 : vector<16xi32>
        %parallel_loop3A_633 = arith.constant 0 : i32
        %parallel_loop3A_634 = arith.constant 31 : i32
        %parallel_loop3A_635 = vector.broadcast %parallel_loop3A_633 : i32 to vector<16xi32>
        %parallel_loop3A_636 = arith.maxsi %parallel_loop3A_635, %parallel_loop3A_632 : vector<16xi32>
        %parallel_loop3A_637 = vector.broadcast %parallel_loop3A_634 : i32 to vector<16xi32>
        %parallel_loop3A_638 = arith.minsi %parallel_loop3A_637, %parallel_loop3A_636 : vector<16xi32>
        %parallel_loop3A_639 = arith.constant 1024 : i32
        %parallel_loop3A_640 = vector.broadcast %parallel_loop3A_639 : i32 to vector<16xi32>
        %parallel_loop3A_641 = arith.muli %parallel_loop3A_638, %parallel_loop3A_640 : vector<16xi32>
        %parallel_loop3A_642 = arith.addi %parallel_loop3A_575, %parallel_loop3A_641 : vector<16xi32>
        %parallel_loop3A_643 = tpu.vector_load_idx %arg8[%parallel_loop3A_642] : memref<32768xf32, #tpu.memory_space<vmem>>[vector<16xi32>], vector<16xf32>,
        %parallel_loop3A_644 = arith.constant 0 : i32
        %parallel_loop3A_645 = arith.index_cast %parallel_loop3A_644 : i32 to index
        %parallel_loop3A_646 = arith.index_cast %parallel_loop3A_573 : i32 to index
        %parallel_loop3A_647 = tpu.vector_load %arg16[%parallel_loop3A_645, %parallel_loop3A_646] {strides = array<i32>} : memref<8x1024xf32, #tpu.memory_space<vmem>>, vector<16xf32>,
        tpu.vector_store %arg16[%parallel_loop3A_645, %parallel_loop3A_646], %parallel_loop3A_580 {strides = array<i32>} : memref<8x1024xf32, #tpu.memory_space<vmem>>, vector<16xf32>,
        %parallel_loop3A_648 = arith.constant 1 : i32
        %parallel_loop3A_649 = arith.index_cast %parallel_loop3A_648 : i32 to index
        %parallel_loop3A_650 = arith.index_cast %parallel_loop3A_573 : i32 to index
        %parallel_loop3A_651 = tpu.vector_load %arg16[%parallel_loop3A_649, %parallel_loop3A_650] {strides = array<i32>} : memref<8x1024xf32, #tpu.memory_space<vmem>>, vector<16xf32>,
        tpu.vector_store %arg16[%parallel_loop3A_649, %parallel_loop3A_650], %parallel_loop3A_583 {strides = array<i32>} : memref<8x1024xf32, #tpu.memory_space<vmem>>, vector<16xf32>,
        %parallel_loop3A_652 = arith.constant 2 : i32
        %parallel_loop3A_653 = arith.index_cast %parallel_loop3A_652 : i32 to index
        %parallel_loop3A_654 = arith.index_cast %parallel_loop3A_573 : i32 to index
        %parallel_loop3A_655 = tpu.vector_load %arg16[%parallel_loop3A_653, %parallel_loop3A_654] {strides = array<i32>} : memref<8x1024xf32, #tpu.memory_space<vmem>>, vector<16xf32>,
        tpu.vector_store %arg16[%parallel_loop3A_653, %parallel_loop3A_654], %parallel_loop3A_586 {strides = array<i32>} : memref<8x1024xf32, #tpu.memory_space<vmem>>, vector<16xf32>,
        %parallel_loop3A_656 = arith.constant 3 : i32
        %parallel_loop3A_657 = arith.index_cast %parallel_loop3A_656 : i32 to index
        %parallel_loop3A_658 = arith.index_cast %parallel_loop3A_573 : i32 to index
        %parallel_loop3A_659 = tpu.vector_load %arg16[%parallel_loop3A_657, %parallel_loop3A_658] {strides = array<i32>} : memref<8x1024xf32, #tpu.memory_space<vmem>>, vector<16xf32>,
        tpu.vector_store %arg16[%parallel_loop3A_657, %parallel_loop3A_658], %parallel_loop3A_589 {strides = array<i32>} : memref<8x1024xf32, #tpu.memory_space<vmem>>, vector<16xf32>,
        %parallel_loop3A_660 = arith.constant 4 : i32
        %parallel_loop3A_661 = arith.index_cast %parallel_loop3A_660 : i32 to index
        %parallel_loop3A_662 = arith.index_cast %parallel_loop3A_573 : i32 to index
        %parallel_loop3A_663 = tpu.vector_load %arg16[%parallel_loop3A_661, %parallel_loop3A_662] {strides = array<i32>} : memref<8x1024xf32, #tpu.memory_space<vmem>>, vector<16xf32>,
        tpu.vector_store %arg16[%parallel_loop3A_661, %parallel_loop3A_662], %parallel_loop3A_592 {strides = array<i32>} : memref<8x1024xf32, #tpu.memory_space<vmem>>, vector<16xf32>,
        %parallel_loop3A_664 = arith.constant 5 : i32
        %parallel_loop3A_665 = arith.index_cast %parallel_loop3A_664 : i32 to index
        %parallel_loop3A_666 = arith.index_cast %parallel_loop3A_573 : i32 to index
        %parallel_loop3A_667 = tpu.vector_load %arg16[%parallel_loop3A_665, %parallel_loop3A_666] {strides = array<i32>} : memref<8x1024xf32, #tpu.memory_space<vmem>>, vector<16xf32>,
        tpu.vector_store %arg16[%parallel_loop3A_665, %parallel_loop3A_666], %parallel_loop3A_595 {strides = array<i32>} : memref<8x1024xf32, #tpu.memory_space<vmem>>, vector<16xf32>,
        %parallel_loop3A_668 = arith.constant 6 : i32
        %parallel_loop3A_669 = arith.index_cast %parallel_loop3A_668 : i32 to index
        %parallel_loop3A_670 = arith.index_cast %parallel_loop3A_573 : i32 to index
        %parallel_loop3A_671 = tpu.vector_load %arg16[%parallel_loop3A_669, %parallel_loop3A_670] {strides = array<i32>} : memref<8x1024xf32, #tpu.memory_space<vmem>>, vector<16xf32>,
        tpu.vector_store %arg16[%parallel_loop3A_669, %parallel_loop3A_670], %parallel_loop3A_598 {strides = array<i32>} : memref<8x1024xf32, #tpu.memory_space<vmem>>, vector<16xf32>,
        %parallel_loop3A_672 = arith.constant 7 : i32
        %parallel_loop3A_673 = arith.index_cast %parallel_loop3A_672 : i32 to index
        %parallel_loop3A_674 = arith.index_cast %parallel_loop3A_573 : i32 to index
        %parallel_loop3A_675 = tpu.vector_load %arg16[%parallel_loop3A_673, %parallel_loop3A_674] {strides = array<i32>} : memref<8x1024xf32, #tpu.memory_space<vmem>>, vector<16xf32>,
        tpu.vector_store %arg16[%parallel_loop3A_673, %parallel_loop3A_674], %parallel_loop3A_601 {strides = array<i32>} : memref<8x1024xf32, #tpu.memory_space<vmem>>, vector<16xf32>,
        %parallel_loop3A_676 = arith.constant 0 : i32
        %parallel_loop3A_677 = arith.index_cast %parallel_loop3A_676 : i32 to index
        %parallel_loop3A_678 = arith.index_cast %parallel_loop3A_573 : i32 to index
        %parallel_loop3A_679 = tpu.vector_load %arg18[%parallel_loop3A_677, %parallel_loop3A_678] {strides = array<i32>} : memref<8x1024xf32, #tpu.memory_space<vmem>>, vector<16xf32>,
        tpu.vector_store %arg18[%parallel_loop3A_677, %parallel_loop3A_678], %parallel_loop3A_604 {strides = array<i32>} : memref<8x1024xf32, #tpu.memory_space<vmem>>, vector<16xf32>,
        %parallel_loop3A_680 = arith.constant 1 : i32
        %parallel_loop3A_681 = arith.index_cast %parallel_loop3A_680 : i32 to index
        %parallel_loop3A_682 = arith.index_cast %parallel_loop3A_573 : i32 to index
        %parallel_loop3A_683 = tpu.vector_load %arg18[%parallel_loop3A_681, %parallel_loop3A_682] {strides = array<i32>} : memref<8x1024xf32, #tpu.memory_space<vmem>>, vector<16xf32>,
        tpu.vector_store %arg18[%parallel_loop3A_681, %parallel_loop3A_682], %parallel_loop3A_607 {strides = array<i32>} : memref<8x1024xf32, #tpu.memory_space<vmem>>, vector<16xf32>,
        %parallel_loop3A_684 = arith.constant 2 : i32
        %parallel_loop3A_685 = arith.index_cast %parallel_loop3A_684 : i32 to index
        %parallel_loop3A_686 = arith.index_cast %parallel_loop3A_573 : i32 to index
        %parallel_loop3A_687 = tpu.vector_load %arg18[%parallel_loop3A_685, %parallel_loop3A_686] {strides = array<i32>} : memref<8x1024xf32, #tpu.memory_space<vmem>>, vector<16xf32>,
        tpu.vector_store %arg18[%parallel_loop3A_685, %parallel_loop3A_686], %parallel_loop3A_610 {strides = array<i32>} : memref<8x1024xf32, #tpu.memory_space<vmem>>, vector<16xf32>,
        %parallel_loop3A_688 = arith.constant 3 : i32
        %parallel_loop3A_689 = arith.index_cast %parallel_loop3A_688 : i32 to index
        %parallel_loop3A_690 = arith.index_cast %parallel_loop3A_573 : i32 to index
        %parallel_loop3A_691 = tpu.vector_load %arg18[%parallel_loop3A_689, %parallel_loop3A_690] {strides = array<i32>} : memref<8x1024xf32, #tpu.memory_space<vmem>>, vector<16xf32>,
        tpu.vector_store %arg18[%parallel_loop3A_689, %parallel_loop3A_690], %parallel_loop3A_613 {strides = array<i32>} : memref<8x1024xf32, #tpu.memory_space<vmem>>, vector<16xf32>,
        %parallel_loop3A_692 = arith.constant 4 : i32
        %parallel_loop3A_693 = arith.index_cast %parallel_loop3A_692 : i32 to index
        %parallel_loop3A_694 = arith.index_cast %parallel_loop3A_573 : i32 to index
        %parallel_loop3A_695 = tpu.vector_load %arg18[%parallel_loop3A_693, %parallel_loop3A_694] {strides = array<i32>} : memref<8x1024xf32, #tpu.memory_space<vmem>>, vector<16xf32>,
        tpu.vector_store %arg18[%parallel_loop3A_693, %parallel_loop3A_694], %parallel_loop3A_616 {strides = array<i32>} : memref<8x1024xf32, #tpu.memory_space<vmem>>, vector<16xf32>,
        %parallel_loop3A_696 = arith.constant 5 : i32
        %parallel_loop3A_697 = arith.index_cast %parallel_loop3A_696 : i32 to index
        %parallel_loop3A_698 = arith.index_cast %parallel_loop3A_573 : i32 to index
        %parallel_loop3A_699 = tpu.vector_load %arg18[%parallel_loop3A_697, %parallel_loop3A_698] {strides = array<i32>} : memref<8x1024xf32, #tpu.memory_space<vmem>>, vector<16xf32>,
        tpu.vector_store %arg18[%parallel_loop3A_697, %parallel_loop3A_698], %parallel_loop3A_619 {strides = array<i32>} : memref<8x1024xf32, #tpu.memory_space<vmem>>, vector<16xf32>,
        %parallel_loop3A_700 = arith.constant 6 : i32
        %parallel_loop3A_701 = arith.index_cast %parallel_loop3A_700 : i32 to index
        %parallel_loop3A_702 = arith.index_cast %parallel_loop3A_573 : i32 to index
        %parallel_loop3A_703 = tpu.vector_load %arg18[%parallel_loop3A_701, %parallel_loop3A_702] {strides = array<i32>} : memref<8x1024xf32, #tpu.memory_space<vmem>>, vector<16xf32>,
        tpu.vector_store %arg18[%parallel_loop3A_701, %parallel_loop3A_702], %parallel_loop3A_622 {strides = array<i32>} : memref<8x1024xf32, #tpu.memory_space<vmem>>, vector<16xf32>,
        %parallel_loop3A_704 = arith.constant 7 : i32
        %parallel_loop3A_705 = arith.index_cast %parallel_loop3A_704 : i32 to index
        %parallel_loop3A_706 = arith.index_cast %parallel_loop3A_573 : i32 to index
        %parallel_loop3A_707 = tpu.vector_load %arg18[%parallel_loop3A_705, %parallel_loop3A_706] {strides = array<i32>} : memref<8x1024xf32, #tpu.memory_space<vmem>>, vector<16xf32>,
        tpu.vector_store %arg18[%parallel_loop3A_705, %parallel_loop3A_706], %parallel_loop3A_625 {strides = array<i32>} : memref<8x1024xf32, #tpu.memory_space<vmem>>, vector<16xf32>,
        %parallel_loop3A_708 = arith.constant 0.000000e+00 : f32
        %parallel_loop3A_709 = vector.broadcast %parallel_loop3A_708 : f32 to vector<16xf32>
        %parallel_loop3A_710 = arith.select %parallel_loop3A_630, %parallel_loop3A_643, %parallel_loop3A_709 : vector<16xi1>, vector<16xf32>
        %parallel_loop3A_711 = arith.addf %parallel_loop3A_571, %parallel_loop3A_710 : vector<16xf32>
        scf.yield %parallel_loop3A_711 : vector<16xf32>
      } {sc.loop_unroll_factor = 1 : i64, sc.parallel_access}
      %get3A_514 = arith.constant 0 : index
      %get3A_515 = tpu.vector_load %arg23[%get3A_514] {strides = array<i32>} : memref<16xf32, #tpu.memory_space<vmem>>, vector<16xf32>,
      %add3A_516 = arith.addf %get3A_515, %parallel_loop3A_513 : vector<16xf32>
      %swap3A_517 = arith.constant 0 : index
      %swap3A_518 = tpu.vector_load %arg23[%swap3A_517] {strides = array<i32>} : memref<16xf32, #tpu.memory_space<vmem>>, vector<16xf32>,
      tpu.vector_store %arg23[%swap3A_517], %add3A_516 {strides = array<i32>} : memref<16xf32, #tpu.memory_space<vmem>>, vector<16xf32>,
      %parallel_loop3A_519 = arith.constant 0 : i32
      %parallel_loop3A_520 = arith.constant 64 : i32
      %parallel_loop3A_521 = arith.constant 1 : i32
      scf.for %parallel_loop3A_570 = %parallel_loop3A_519 to %parallel_loop3A_520 step %parallel_loop3A_521  : i32 {
        %parallel_loop3A_571 = arith.constant 16 : i32
        %parallel_loop3A_572 = arith.muli %parallel_loop3A_571, %parallel_loop3A_570 : i32
        %parallel_loop3A_573 = arith.index_cast %parallel_loop3A_572 : i32 to index
        %parallel_loop3A_574 = tpu.vector_load %arg11[%parallel_loop3A_573] {strides = array<i32>} : memref<1024xi32, #tpu.memory_space<vmem>>, vector<16xi32>,
        %parallel_loop3A_575 = vector.broadcast %mul3A_192 : i32 to vector<16xi32>
        %parallel_loop3A_576 = arith.addi %parallel_loop3A_574, %parallel_loop3A_575 : vector<16xi32>
        %parallel_loop3A_577 = tpu.vector_load_idx %arg8[%parallel_loop3A_576] : memref<32768xf32, #tpu.memory_space<vmem>>[vector<16xi32>], vector<16xf32>,
        %parallel_loop3A_578 = vector.broadcast %mul3A_201 : i32 to vector<16xi32>
        %parallel_loop3A_579 = arith.addi %parallel_loop3A_574, %parallel_loop3A_578 : vector<16xi32>
        %parallel_loop3A_580 = tpu.vector_load_idx %arg8[%parallel_loop3A_579] : memref<32768xf32, #tpu.memory_space<vmem>>[vector<16xi32>], vector<16xf32>,
        %parallel_loop3A_581 = vector.broadcast %mul3A_210 : i32 to vector<16xi32>
        %parallel_loop3A_582 = arith.addi %parallel_loop3A_574, %parallel_loop3A_581 : vector<16xi32>
        %parallel_loop3A_583 = tpu.vector_load_idx %arg8[%parallel_loop3A_582] : memref<32768xf32, #tpu.memory_space<vmem>>[vector<16xi32>], vector<16xf32>,
        %parallel_loop3A_584 = vector.broadcast %mul3A_219 : i32 to vector<16xi32>
        %parallel_loop3A_585 = arith.addi %parallel_loop3A_574, %parallel_loop3A_584 : vector<16xi32>
        %parallel_loop3A_586 = tpu.vector_load_idx %arg8[%parallel_loop3A_585] : memref<32768xf32, #tpu.memory_space<vmem>>[vector<16xi32>], vector<16xf32>,
        %parallel_loop3A_587 = vector.broadcast %mul3A_228 : i32 to vector<16xi32>
        %parallel_loop3A_588 = arith.addi %parallel_loop3A_574, %parallel_loop3A_587 : vector<16xi32>
        %parallel_loop3A_589 = tpu.vector_load_idx %arg8[%parallel_loop3A_588] : memref<32768xf32, #tpu.memory_space<vmem>>[vector<16xi32>], vector<16xf32>,
        %parallel_loop3A_590 = vector.broadcast %mul3A_237 : i32 to vector<16xi32>
        %parallel_loop3A_591 = arith.addi %parallel_loop3A_574, %parallel_loop3A_590 : vector<16xi32>
        %parallel_loop3A_592 = tpu.vector_load_idx %arg8[%parallel_loop3A_591] : memref<32768xf32, #tpu.memory_space<vmem>>[vector<16xi32>], vector<16xf32>,
        %parallel_loop3A_593 = vector.broadcast %mul3A_246 : i32 to vector<16xi32>
        %parallel_loop3A_594 = arith.addi %parallel_loop3A_574, %parallel_loop3A_593 : vector<16xi32>
        %parallel_loop3A_595 = tpu.vector_load_idx %arg8[%parallel_loop3A_594] : memref<32768xf32, #tpu.memory_space<vmem>>[vector<16xi32>], vector<16xf32>,
        %parallel_loop3A_596 = vector.broadcast %mul3A_255 : i32 to vector<16xi32>
        %parallel_loop3A_597 = arith.addi %parallel_loop3A_574, %parallel_loop3A_596 : vector<16xi32>
        %parallel_loop3A_598 = tpu.vector_load_idx %arg8[%parallel_loop3A_597] : memref<32768xf32, #tpu.memory_space<vmem>>[vector<16xi32>], vector<16xf32>,
        %parallel_loop3A_599 = vector.broadcast %mul3A_264 : i32 to vector<16xi32>
        %parallel_loop3A_600 = arith.addi %parallel_loop3A_574, %parallel_loop3A_599 : vector<16xi32>
        %parallel_loop3A_601 = tpu.vector_load_idx %arg8[%parallel_loop3A_600] : memref<32768xf32, #tpu.memory_space<vmem>>[vector<16xi32>], vector<16xf32>,
        %parallel_loop3A_602 = vector.broadcast %mul3A_273 : i32 to vector<16xi32>
        %parallel_loop3A_603 = arith.addi %parallel_loop3A_574, %parallel_loop3A_602 : vector<16xi32>
        %parallel_loop3A_604 = tpu.vector_load_idx %arg8[%parallel_loop3A_603] : memref<32768xf32, #tpu.memory_space<vmem>>[vector<16xi32>], vector<16xf32>,
        %parallel_loop3A_605 = vector.broadcast %mul3A_282 : i32 to vector<16xi32>
        %parallel_loop3A_606 = arith.addi %parallel_loop3A_574, %parallel_loop3A_605 : vector<16xi32>
        %parallel_loop3A_607 = tpu.vector_load_idx %arg8[%parallel_loop3A_606] : memref<32768xf32, #tpu.memory_space<vmem>>[vector<16xi32>], vector<16xf32>,
        %parallel_loop3A_608 = vector.broadcast %mul3A_291 : i32 to vector<16xi32>
        %parallel_loop3A_609 = arith.addi %parallel_loop3A_574, %parallel_loop3A_608 : vector<16xi32>
        %parallel_loop3A_610 = tpu.vector_load_idx %arg8[%parallel_loop3A_609] : memref<32768xf32, #tpu.memory_space<vmem>>[vector<16xi32>], vector<16xf32>,
        %parallel_loop3A_611 = vector.broadcast %mul3A_300 : i32 to vector<16xi32>
        %parallel_loop3A_612 = arith.addi %parallel_loop3A_574, %parallel_loop3A_611 : vector<16xi32>
        %parallel_loop3A_613 = tpu.vector_load_idx %arg8[%parallel_loop3A_612] : memref<32768xf32, #tpu.memory_space<vmem>>[vector<16xi32>], vector<16xf32>,
        %parallel_loop3A_614 = vector.broadcast %mul3A_309 : i32 to vector<16xi32>
        %parallel_loop3A_615 = arith.addi %parallel_loop3A_574, %parallel_loop3A_614 : vector<16xi32>
        %parallel_loop3A_616 = tpu.vector_load_idx %arg8[%parallel_loop3A_615] : memref<32768xf32, #tpu.memory_space<vmem>>[vector<16xi32>], vector<16xf32>,
        %parallel_loop3A_617 = vector.broadcast %mul3A_318 : i32 to vector<16xi32>
        %parallel_loop3A_618 = arith.addi %parallel_loop3A_574, %parallel_loop3A_617 : vector<16xi32>
        %parallel_loop3A_619 = tpu.vector_load_idx %arg8[%parallel_loop3A_618] : memref<32768xf32, #tpu.memory_space<vmem>>[vector<16xi32>], vector<16xf32>,
        %parallel_loop3A_620 = vector.broadcast %mul3A_327 : i32 to vector<16xi32>
        %parallel_loop3A_621 = arith.addi %parallel_loop3A_574, %parallel_loop3A_620 : vector<16xi32>
        %parallel_loop3A_622 = tpu.vector_load_idx %arg8[%parallel_loop3A_621] : memref<32768xf32, #tpu.memory_space<vmem>>[vector<16xi32>], vector<16xf32>,
        %parallel_loop3A_623 = arith.constant 0 : i32
        %parallel_loop3A_624 = arith.index_cast %parallel_loop3A_623 : i32 to index
        %parallel_loop3A_625 = arith.index_cast %parallel_loop3A_572 : i32 to index
        %parallel_loop3A_626 = tpu.vector_load %arg20[%parallel_loop3A_624, %parallel_loop3A_625] {strides = array<i32>} : memref<8x1024xf32, #tpu.memory_space<vmem>>, vector<16xf32>,
        tpu.vector_store %arg20[%parallel_loop3A_624, %parallel_loop3A_625], %parallel_loop3A_577 {strides = array<i32>} : memref<8x1024xf32, #tpu.memory_space<vmem>>, vector<16xf32>,
        %parallel_loop3A_627 = arith.constant 1 : i32
        %parallel_loop3A_628 = arith.index_cast %parallel_loop3A_627 : i32 to index
        %parallel_loop3A_629 = arith.index_cast %parallel_loop3A_572 : i32 to index
        %parallel_loop3A_630 = tpu.vector_load %arg20[%parallel_loop3A_628, %parallel_loop3A_629] {strides = array<i32>} : memref<8x1024xf32, #tpu.memory_space<vmem>>, vector<16xf32>,
        tpu.vector_store %arg20[%parallel_loop3A_628, %parallel_loop3A_629], %parallel_loop3A_580 {strides = array<i32>} : memref<8x1024xf32, #tpu.memory_space<vmem>>, vector<16xf32>,
        %parallel_loop3A_631 = arith.constant 2 : i32
        %parallel_loop3A_632 = arith.index_cast %parallel_loop3A_631 : i32 to index
        %parallel_loop3A_633 = arith.index_cast %parallel_loop3A_572 : i32 to index
        %parallel_loop3A_634 = tpu.vector_load %arg20[%parallel_loop3A_632, %parallel_loop3A_633] {strides = array<i32>} : memref<8x1024xf32, #tpu.memory_space<vmem>>, vector<16xf32>,
        tpu.vector_store %arg20[%parallel_loop3A_632, %parallel_loop3A_633], %parallel_loop3A_583 {strides = array<i32>} : memref<8x1024xf32, #tpu.memory_space<vmem>>, vector<16xf32>,
        %parallel_loop3A_635 = arith.constant 3 : i32
        %parallel_loop3A_636 = arith.index_cast %parallel_loop3A_635 : i32 to index
        %parallel_loop3A_637 = arith.index_cast %parallel_loop3A_572 : i32 to index
        %parallel_loop3A_638 = tpu.vector_load %arg20[%parallel_loop3A_636, %parallel_loop3A_637] {strides = array<i32>} : memref<8x1024xf32, #tpu.memory_space<vmem>>, vector<16xf32>,
        tpu.vector_store %arg20[%parallel_loop3A_636, %parallel_loop3A_637], %parallel_loop3A_586 {strides = array<i32>} : memref<8x1024xf32, #tpu.memory_space<vmem>>, vector<16xf32>,
        %parallel_loop3A_639 = arith.constant 4 : i32
        %parallel_loop3A_640 = arith.index_cast %parallel_loop3A_639 : i32 to index
        %parallel_loop3A_641 = arith.index_cast %parallel_loop3A_572 : i32 to index
        %parallel_loop3A_642 = tpu.vector_load %arg20[%parallel_loop3A_640, %parallel_loop3A_641] {strides = array<i32>} : memref<8x1024xf32, #tpu.memory_space<vmem>>, vector<16xf32>,
        tpu.vector_store %arg20[%parallel_loop3A_640, %parallel_loop3A_641], %parallel_loop3A_589 {strides = array<i32>} : memref<8x1024xf32, #tpu.memory_space<vmem>>, vector<16xf32>,
        %parallel_loop3A_643 = arith.constant 5 : i32
        %parallel_loop3A_644 = arith.index_cast %parallel_loop3A_643 : i32 to index
        %parallel_loop3A_645 = arith.index_cast %parallel_loop3A_572 : i32 to index
        %parallel_loop3A_646 = tpu.vector_load %arg20[%parallel_loop3A_644, %parallel_loop3A_645] {strides = array<i32>} : memref<8x1024xf32, #tpu.memory_space<vmem>>, vector<16xf32>,
        tpu.vector_store %arg20[%parallel_loop3A_644, %parallel_loop3A_645], %parallel_loop3A_592 {strides = array<i32>} : memref<8x1024xf32, #tpu.memory_space<vmem>>, vector<16xf32>,
        %parallel_loop3A_647 = arith.constant 6 : i32
        %parallel_loop3A_648 = arith.index_cast %parallel_loop3A_647 : i32 to index
        %parallel_loop3A_649 = arith.index_cast %parallel_loop3A_572 : i32 to index
        %parallel_loop3A_650 = tpu.vector_load %arg20[%parallel_loop3A_648, %parallel_loop3A_649] {strides = array<i32>} : memref<8x1024xf32, #tpu.memory_space<vmem>>, vector<16xf32>,
        tpu.vector_store %arg20[%parallel_loop3A_648, %parallel_loop3A_649], %parallel_loop3A_595 {strides = array<i32>} : memref<8x1024xf32, #tpu.memory_space<vmem>>, vector<16xf32>,
        %parallel_loop3A_651 = arith.constant 7 : i32
        %parallel_loop3A_652 = arith.index_cast %parallel_loop3A_651 : i32 to index
        %parallel_loop3A_653 = arith.index_cast %parallel_loop3A_572 : i32 to index
        %parallel_loop3A_654 = tpu.vector_load %arg20[%parallel_loop3A_652, %parallel_loop3A_653] {strides = array<i32>} : memref<8x1024xf32, #tpu.memory_space<vmem>>, vector<16xf32>,
        tpu.vector_store %arg20[%parallel_loop3A_652, %parallel_loop3A_653], %parallel_loop3A_598 {strides = array<i32>} : memref<8x1024xf32, #tpu.memory_space<vmem>>, vector<16xf32>,
        %parallel_loop3A_655 = arith.constant 0 : i32
        %parallel_loop3A_656 = arith.index_cast %parallel_loop3A_655 : i32 to index
        %parallel_loop3A_657 = arith.index_cast %parallel_loop3A_572 : i32 to index
        %parallel_loop3A_658 = tpu.vector_load %arg22[%parallel_loop3A_656, %parallel_loop3A_657] {strides = array<i32>} : memref<8x1024xf32, #tpu.memory_space<vmem>>, vector<16xf32>,
        tpu.vector_store %arg22[%parallel_loop3A_656, %parallel_loop3A_657], %parallel_loop3A_601 {strides = array<i32>} : memref<8x1024xf32, #tpu.memory_space<vmem>>, vector<16xf32>,
        %parallel_loop3A_659 = arith.constant 1 : i32
        %parallel_loop3A_660 = arith.index_cast %parallel_loop3A_659 : i32 to index
        %parallel_loop3A_661 = arith.index_cast %parallel_loop3A_572 : i32 to index
        %parallel_loop3A_662 = tpu.vector_load %arg22[%parallel_loop3A_660, %parallel_loop3A_661] {strides = array<i32>} : memref<8x1024xf32, #tpu.memory_space<vmem>>, vector<16xf32>,
        tpu.vector_store %arg22[%parallel_loop3A_660, %parallel_loop3A_661], %parallel_loop3A_604 {strides = array<i32>} : memref<8x1024xf32, #tpu.memory_space<vmem>>, vector<16xf32>,
        %parallel_loop3A_663 = arith.constant 2 : i32
        %parallel_loop3A_664 = arith.index_cast %parallel_loop3A_663 : i32 to index
        %parallel_loop3A_665 = arith.index_cast %parallel_loop3A_572 : i32 to index
        %parallel_loop3A_666 = tpu.vector_load %arg22[%parallel_loop3A_664, %parallel_loop3A_665] {strides = array<i32>} : memref<8x1024xf32, #tpu.memory_space<vmem>>, vector<16xf32>,
        tpu.vector_store %arg22[%parallel_loop3A_664, %parallel_loop3A_665], %parallel_loop3A_607 {strides = array<i32>} : memref<8x1024xf32, #tpu.memory_space<vmem>>, vector<16xf32>,
        %parallel_loop3A_667 = arith.constant 3 : i32
        %parallel_loop3A_668 = arith.index_cast %parallel_loop3A_667 : i32 to index
        %parallel_loop3A_669 = arith.index_cast %parallel_loop3A_572 : i32 to index
        %parallel_loop3A_670 = tpu.vector_load %arg22[%parallel_loop3A_668, %parallel_loop3A_669] {strides = array<i32>} : memref<8x1024xf32, #tpu.memory_space<vmem>>, vector<16xf32>,
        tpu.vector_store %arg22[%parallel_loop3A_668, %parallel_loop3A_669], %parallel_loop3A_610 {strides = array<i32>} : memref<8x1024xf32, #tpu.memory_space<vmem>>, vector<16xf32>,
        %parallel_loop3A_671 = arith.constant 4 : i32
        %parallel_loop3A_672 = arith.index_cast %parallel_loop3A_671 : i32 to index
        %parallel_loop3A_673 = arith.index_cast %parallel_loop3A_572 : i32 to index
        %parallel_loop3A_674 = tpu.vector_load %arg22[%parallel_loop3A_672, %parallel_loop3A_673] {strides = array<i32>} : memref<8x1024xf32, #tpu.memory_space<vmem>>, vector<16xf32>,
        tpu.vector_store %arg22[%parallel_loop3A_672, %parallel_loop3A_673], %parallel_loop3A_613 {strides = array<i32>} : memref<8x1024xf32, #tpu.memory_space<vmem>>, vector<16xf32>,
        %parallel_loop3A_675 = arith.constant 5 : i32
        %parallel_loop3A_676 = arith.index_cast %parallel_loop3A_675 : i32 to index
        %parallel_loop3A_677 = arith.index_cast %parallel_loop3A_572 : i32 to index
        %parallel_loop3A_678 = tpu.vector_load %arg22[%parallel_loop3A_676, %parallel_loop3A_677] {strides = array<i32>} : memref<8x1024xf32, #tpu.memory_space<vmem>>, vector<16xf32>,
        tpu.vector_store %arg22[%parallel_loop3A_676, %parallel_loop3A_677], %parallel_loop3A_616 {strides = array<i32>} : memref<8x1024xf32, #tpu.memory_space<vmem>>, vector<16xf32>,
        %parallel_loop3A_679 = arith.constant 6 : i32
        %parallel_loop3A_680 = arith.index_cast %parallel_loop3A_679 : i32 to index
        %parallel_loop3A_681 = arith.index_cast %parallel_loop3A_572 : i32 to index
        %parallel_loop3A_682 = tpu.vector_load %arg22[%parallel_loop3A_680, %parallel_loop3A_681] {strides = array<i32>} : memref<8x1024xf32, #tpu.memory_space<vmem>>, vector<16xf32>,
        tpu.vector_store %arg22[%parallel_loop3A_680, %parallel_loop3A_681], %parallel_loop3A_619 {strides = array<i32>} : memref<8x1024xf32, #tpu.memory_space<vmem>>, vector<16xf32>,
        %parallel_loop3A_683 = arith.constant 7 : i32
        %parallel_loop3A_684 = arith.index_cast %parallel_loop3A_683 : i32 to index
        %parallel_loop3A_685 = arith.index_cast %parallel_loop3A_572 : i32 to index
        %parallel_loop3A_686 = tpu.vector_load %arg22[%parallel_loop3A_684, %parallel_loop3A_685] {strides = array<i32>} : memref<8x1024xf32, #tpu.memory_space<vmem>>, vector<16xf32>,
        tpu.vector_store %arg22[%parallel_loop3A_684, %parallel_loop3A_685], %parallel_loop3A_622 {strides = array<i32>} : memref<8x1024xf32, #tpu.memory_space<vmem>>, vector<16xf32>,
      } {sc.loop_unroll_factor = 1 : i64, sc.parallel_access}
      %mul3A_522 = arith.constant 32 : i32
      %mul3A_523 = arith.muli %mul3A_522, %add3A : i32
      %add3A_524 = arith.constant 0 : i32
      %add3A_525 = arith.addi %mul3A_523, %add3A_524 : i32
      %get3A_526 = arith.index_cast %add3A_525 : i32 to index
      %get3A_527 = tpu.vector_load %arg11[%get3A_526] {strides = array<i32>} : memref<1024xi32, #tpu.memory_space<vmem>>, vector<16xi32>,
      %get3A_528 = arith.constant 0 : index
      %get3A_529 = tpu.vector_load %arg23[%get3A_528] {strides = array<i32>} : memref<16xf32, #tpu.memory_space<vmem>>, vector<16xf32>,
      %gather3A_530 = tpu.vector_load_idx %arg14[%get3A_527] : memref<1000xf32, #tpu.memory_space<vmem>>[vector<16xi32>], vector<16xf32>,
      %add3A_531 = arith.addf %get3A_529, %gather3A_530 : vector<16xf32>
      %swap3A_532 = arith.constant 0 : index
      %swap3A_533 = tpu.vector_load %arg23[%swap3A_532] {strides = array<i32>} : memref<16xf32, #tpu.memory_space<vmem>>, vector<16xf32>,
      tpu.vector_store %arg23[%swap3A_532], %add3A_531 {strides = array<i32>} : memref<16xf32, #tpu.memory_space<vmem>>, vector<16xf32>,
      %mul3A_534 = arith.constant 32 : i32
      %mul3A_535 = arith.muli %mul3A_534, %add3A : i32
      %add3A_536 = arith.constant 16 : i32
      %add3A_537 = arith.addi %mul3A_535, %add3A_536 : i32
      %get3A_538 = arith.index_cast %add3A_537 : i32 to index
      %get3A_539 = tpu.vector_load %arg11[%get3A_538] {strides = array<i32>} : memref<1024xi32, #tpu.memory_space<vmem>>, vector<16xi32>,
      %get3A_540 = arith.constant 0 : index
      %get3A_541 = tpu.vector_load %arg23[%get3A_540] {strides = array<i32>} : memref<16xf32, #tpu.memory_space<vmem>>, vector<16xf32>,
      %gather3A_542 = tpu.vector_load_idx %arg14[%get3A_539] : memref<1000xf32, #tpu.memory_space<vmem>>[vector<16xi32>], vector<16xf32>,
      %add3A_543 = arith.addf %get3A_541, %gather3A_542 : vector<16xf32>
      %swap3A_544 = arith.constant 0 : index
      %swap3A_545 = tpu.vector_load %arg23[%swap3A_544] {strides = array<i32>} : memref<16xf32, #tpu.memory_space<vmem>>, vector<16xf32>,
      tpu.vector_store %arg23[%swap3A_544], %add3A_543 {strides = array<i32>} : memref<16xf32, #tpu.memory_space<vmem>>, vector<16xf32>,
      %add3A_546 = arith.constant 0 : i32
      %add3A_547 = arith.addi %mul3A_2, %add3A_546 : i32
      %lt3A_548 = arith.cmpi slt, %add3A_547, %min3A_5 : i32
      %convert_element_type3A_549 = arith.extui %lt3A_548 : i1 to i32
      %cond3A_550 = arith.constant 0 : i32
      %cond3A_551 = arith.cmpi ne, %convert_element_type3A_549, %cond3A_550 : i32
      scf.if %cond3A_551 {
        %add3A_570 = arith.constant 0 : i32
        %add3A_571 = arith.addi %mul3A_2, %add3A_570 : i32
        %dma_start3A_572 = arith.constant 0 : i32
        %dma_start3A_573 = tpu.memref_slice %arg6[%add3A_481, %add3A_571, %dma_start3A_572] : memref<50x1000x1024xf32, #tpu.memory_space<hbm>> -> memref<1x8x1024xf32, #tpu.memory_space<hbm>>
        %dma_start3A_574 = tpu.memref_squeeze %dma_start3A_573 : memref<1x8x1024xf32, #tpu.memory_space<hbm>> -> memref<8x1024xf32, #tpu.memory_space<hbm>>
        %dma_start3A_575 = arith.constant 0 : i32
        %dma_start3A_576 = tpu.memref_slice %arg6[%add3A_481, %add3A_571, %dma_start3A_575] : memref<50x1000x1024xf32, #tpu.memory_space<hbm>> -> memref<1x8x1024xf32, #tpu.memory_space<hbm>>
        %dma_start3A_577 = tpu.memref_squeeze %dma_start3A_576 : memref<1x8x1024xf32, #tpu.memory_space<hbm>> -> memref<8x1024xf32, #tpu.memory_space<hbm>>
        tpu.enqueue_dma source(%arg16 : memref<8x1024xf32, #tpu.memory_space<vmem>>) target(%dma_start3A_577 : memref<8x1024xf32, #tpu.memory_space<hbm>>) target_semaphore(%arg27 : memref<!tpu.dma_semaphore, #tpu.memory_space<semaphore_mem>>)
      } else {
      }
      %add3A_552 = arith.constant 8 : i32
      %add3A_553 = arith.addi %mul3A_2, %add3A_552 : i32
      %lt3A_554 = arith.cmpi slt, %add3A_553, %min3A_5 : i32
      %convert_element_type3A_555 = arith.extui %lt3A_554 : i1 to i32
      %cond3A_556 = arith.constant 0 : i32
      %cond3A_557 = arith.cmpi ne, %convert_element_type3A_555, %cond3A_556 : i32
      scf.if %cond3A_557 {
        %add3A_570 = arith.constant 8 : i32
        %add3A_571 = arith.addi %mul3A_2, %add3A_570 : i32
        %dma_start3A_572 = arith.constant 0 : i32
        %dma_start3A_573 = tpu.memref_slice %arg6[%add3A_481, %add3A_571, %dma_start3A_572] : memref<50x1000x1024xf32, #tpu.memory_space<hbm>> -> memref<1x8x1024xf32, #tpu.memory_space<hbm>>
        %dma_start3A_574 = tpu.memref_squeeze %dma_start3A_573 : memref<1x8x1024xf32, #tpu.memory_space<hbm>> -> memref<8x1024xf32, #tpu.memory_space<hbm>>
        %dma_start3A_575 = arith.constant 0 : i32
        %dma_start3A_576 = tpu.memref_slice %arg6[%add3A_481, %add3A_571, %dma_start3A_575] : memref<50x1000x1024xf32, #tpu.memory_space<hbm>> -> memref<1x8x1024xf32, #tpu.memory_space<hbm>>
        %dma_start3A_577 = tpu.memref_squeeze %dma_start3A_576 : memref<1x8x1024xf32, #tpu.memory_space<hbm>> -> memref<8x1024xf32, #tpu.memory_space<hbm>>
        tpu.enqueue_dma source(%arg18 : memref<8x1024xf32, #tpu.memory_space<vmem>>) target(%dma_start3A_577 : memref<8x1024xf32, #tpu.memory_space<hbm>>) target_semaphore(%arg27 : memref<!tpu.dma_semaphore, #tpu.memory_space<semaphore_mem>>)
      } else {
      }
      %add3A_558 = arith.constant 16 : i32
      %add3A_559 = arith.addi %mul3A_2, %add3A_558 : i32
      %lt3A_560 = arith.cmpi slt, %add3A_559, %min3A_5 : i32
      %convert_element_type3A_561 = arith.extui %lt3A_560 : i1 to i32
      %cond3A_562 = arith.constant 0 : i32
      %cond3A_563 = arith.cmpi ne, %convert_element_type3A_561, %cond3A_562 : i32
      scf.if %cond3A_563 {
        %add3A_570 = arith.constant 16 : i32
        %add3A_571 = arith.addi %mul3A_2, %add3A_570 : i32
        %dma_start3A_572 = arith.constant 0 : i32
        %dma_start3A_573 = tpu.memref_slice %arg6[%add3A_481, %add3A_571, %dma_start3A_572] : memref<50x1000x1024xf32, #tpu.memory_space<hbm>> -> memref<1x8x1024xf32, #tpu.memory_space<hbm>>
        %dma_start3A_574 = tpu.memref_squeeze %dma_start3A_573 : memref<1x8x1024xf32, #tpu.memory_space<hbm>> -> memref<8x1024xf32, #tpu.memory_space<hbm>>
        %dma_start3A_575 = arith.constant 0 : i32
        %dma_start3A_576 = tpu.memref_slice %arg6[%add3A_481, %add3A_571, %dma_start3A_575] : memref<50x1000x1024xf32, #tpu.memory_space<hbm>> -> memref<1x8x1024xf32, #tpu.memory_space<hbm>>
        %dma_start3A_577 = tpu.memref_squeeze %dma_start3A_576 : memref<1x8x1024xf32, #tpu.memory_space<hbm>> -> memref<8x1024xf32, #tpu.memory_space<hbm>>
        tpu.enqueue_dma source(%arg20 : memref<8x1024xf32, #tpu.memory_space<vmem>>) target(%dma_start3A_577 : memref<8x1024xf32, #tpu.memory_space<hbm>>) target_semaphore(%arg27 : memref<!tpu.dma_semaphore, #tpu.memory_space<semaphore_mem>>)
      } else {
      }
      %add3A_564 = arith.constant 24 : i32
      %add3A_565 = arith.addi %mul3A_2, %add3A_564 : i32
      %lt3A_566 = arith.cmpi slt, %add3A_565, %min3A_5 : i32
      %convert_element_type3A_567 = arith.extui %lt3A_566 : i1 to i32
      %cond3A_568 = arith.constant 0 : i32
      %cond3A_569 = arith.cmpi ne, %convert_element_type3A_567, %cond3A_568 : i32
      scf.if %cond3A_569 {
        %add3A_570 = arith.constant 24 : i32
        %add3A_571 = arith.addi %mul3A_2, %add3A_570 : i32
        %dma_start3A_572 = arith.constant 0 : i32
        %dma_start3A_573 = tpu.memref_slice %arg6[%add3A_481, %add3A_571, %dma_start3A_572] : memref<50x1000x1024xf32, #tpu.memory_space<hbm>> -> memref<1x8x1024xf32, #tpu.memory_space<hbm>>
        %dma_start3A_574 = tpu.memref_squeeze %dma_start3A_573 : memref<1x8x1024xf32, #tpu.memory_space<hbm>> -> memref<8x1024xf32, #tpu.memory_space<hbm>>
        %dma_start3A_575 = arith.constant 0 : i32
        %dma_start3A_576 = tpu.memref_slice %arg6[%add3A_481, %add3A_571, %dma_start3A_575] : memref<50x1000x1024xf32, #tpu.memory_space<hbm>> -> memref<1x8x1024xf32, #tpu.memory_space<hbm>>
        %dma_start3A_577 = tpu.memref_squeeze %dma_start3A_576 : memref<1x8x1024xf32, #tpu.memory_space<hbm>> -> memref<8x1024xf32, #tpu.memory_space<hbm>>
        tpu.enqueue_dma source(%arg22 : memref<8x1024xf32, #tpu.memory_space<vmem>>) target(%dma_start3A_577 : memref<8x1024xf32, #tpu.memory_space<hbm>>) target_semaphore(%arg27 : memref<!tpu.dma_semaphore, #tpu.memory_space<semaphore_mem>>)
      } else {
      }
    }
    %scan3A_346 = arith.constant 25 : i32
    %add3A_347 = arith.constant 0 : i32
    %add3A_348 = arith.addi %mul3A_2, %add3A_347 : i32
    %lt3A = arith.cmpi slt, %add3A_348, %min3A_5 : i32
    %convert_element_type3A = arith.extui %lt3A : i1 to i32
    %cond3A = arith.constant 0 : i32
    %cond3A_349 = arith.cmpi ne, %convert_element_type3A, %cond3A : i32
    scf.if %cond3A_349 {
      %dma_wait3A = arith.constant 0 : i32
      %dma_wait3A_392 = arith.constant 0 : i32
      %dma_wait3A_393 = arith.constant 0 : i32
      %dma_wait3A_394 = tpu.memref_slice %arg6[%dma_wait3A, %dma_wait3A_392, %dma_wait3A_393] : memref<50x1000x1024xf32, #tpu.memory_space<hbm>> -> memref<1x8x1024xf32, #tpu.memory_space<hbm>>
      %dma_wait3A_395 = tpu.memref_squeeze %dma_wait3A_394 : memref<1x8x1024xf32, #tpu.memory_space<hbm>> -> memref<8x1024xf32, #tpu.memory_space<hbm>>
      %dma_wait3A_396 = arith.constant 0 : i32
      %dma_wait3A_397 = arith.constant 0 : i32
      %dma_wait3A_398 = tpu.memref_slice %arg6[%dma_wait3A, %dma_wait3A_396, %dma_wait3A_397] : memref<50x1000x1024xf32, #tpu.memory_space<hbm>> -> memref<1x8x1024xf32, #tpu.memory_space<hbm>>
      %dma_wait3A_399 = tpu.memref_squeeze %dma_wait3A_398 : memref<1x8x1024xf32, #tpu.memory_space<hbm>> -> memref<8x1024xf32, #tpu.memory_space<hbm>>
      tpu.wait_dma2 semaphore(%arg26 : memref<!tpu.dma_semaphore, #tpu.memory_space<semaphore_mem>>) src(%arg15 : memref<8x1024xf32, #tpu.memory_space<vmem>>) dst(%dma_wait3A_399 : memref<8x1024xf32, #tpu.memory_space<hbm>>)
    } else {
    }
    %add3A_350 = arith.constant 8 : i32
    %add3A_351 = arith.addi %mul3A_2, %add3A_350 : i32
    %lt3A_352 = arith.cmpi slt, %add3A_351, %min3A_5 : i32
    %convert_element_type3A_353 = arith.extui %lt3A_352 : i1 to i32
    %cond3A_354 = arith.constant 0 : i32
    %cond3A_355 = arith.cmpi ne, %convert_element_type3A_353, %cond3A_354 : i32
    scf.if %cond3A_355 {
      %dma_wait3A = arith.constant 0 : i32
      %dma_wait3A_392 = arith.constant 0 : i32
      %dma_wait3A_393 = arith.constant 0 : i32
      %dma_wait3A_394 = tpu.memref_slice %arg6[%dma_wait3A, %dma_wait3A_392, %dma_wait3A_393] : memref<50x1000x1024xf32, #tpu.memory_space<hbm>> -> memref<1x8x1024xf32, #tpu.memory_space<hbm>>
      %dma_wait3A_395 = tpu.memref_squeeze %dma_wait3A_394 : memref<1x8x1024xf32, #tpu.memory_space<hbm>> -> memref<8x1024xf32, #tpu.memory_space<hbm>>
      %dma_wait3A_396 = arith.constant 0 : i32
      %dma_wait3A_397 = arith.constant 0 : i32
      %dma_wait3A_398 = tpu.memref_slice %arg6[%dma_wait3A, %dma_wait3A_396, %dma_wait3A_397] : memref<50x1000x1024xf32, #tpu.memory_space<hbm>> -> memref<1x8x1024xf32, #tpu.memory_space<hbm>>
      %dma_wait3A_399 = tpu.memref_squeeze %dma_wait3A_398 : memref<1x8x1024xf32, #tpu.memory_space<hbm>> -> memref<8x1024xf32, #tpu.memory_space<hbm>>
      tpu.wait_dma2 semaphore(%arg26 : memref<!tpu.dma_semaphore, #tpu.memory_space<semaphore_mem>>) src(%arg17 : memref<8x1024xf32, #tpu.memory_space<vmem>>) dst(%dma_wait3A_399 : memref<8x1024xf32, #tpu.memory_space<hbm>>)
    } else {
    }
    %add3A_356 = arith.constant 16 : i32
    %add3A_357 = arith.addi %mul3A_2, %add3A_356 : i32
    %lt3A_358 = arith.cmpi slt, %add3A_357, %min3A_5 : i32
    %convert_element_type3A_359 = arith.extui %lt3A_358 : i1 to i32
    %cond3A_360 = arith.constant 0 : i32
    %cond3A_361 = arith.cmpi ne, %convert_element_type3A_359, %cond3A_360 : i32
    scf.if %cond3A_361 {
      %dma_wait3A = arith.constant 0 : i32
      %dma_wait3A_392 = arith.constant 0 : i32
      %dma_wait3A_393 = arith.constant 0 : i32
      %dma_wait3A_394 = tpu.memref_slice %arg6[%dma_wait3A, %dma_wait3A_392, %dma_wait3A_393] : memref<50x1000x1024xf32, #tpu.memory_space<hbm>> -> memref<1x8x1024xf32, #tpu.memory_space<hbm>>
      %dma_wait3A_395 = tpu.memref_squeeze %dma_wait3A_394 : memref<1x8x1024xf32, #tpu.memory_space<hbm>> -> memref<8x1024xf32, #tpu.memory_space<hbm>>
      %dma_wait3A_396 = arith.constant 0 : i32
      %dma_wait3A_397 = arith.constant 0 : i32
      %dma_wait3A_398 = tpu.memref_slice %arg6[%dma_wait3A, %dma_wait3A_396, %dma_wait3A_397] : memref<50x1000x1024xf32, #tpu.memory_space<hbm>> -> memref<1x8x1024xf32, #tpu.memory_space<hbm>>
      %dma_wait3A_399 = tpu.memref_squeeze %dma_wait3A_398 : memref<1x8x1024xf32, #tpu.memory_space<hbm>> -> memref<8x1024xf32, #tpu.memory_space<hbm>>
      tpu.wait_dma2 semaphore(%arg26 : memref<!tpu.dma_semaphore, #tpu.memory_space<semaphore_mem>>) src(%arg19 : memref<8x1024xf32, #tpu.memory_space<vmem>>) dst(%dma_wait3A_399 : memref<8x1024xf32, #tpu.memory_space<hbm>>)
    } else {
    }
    %add3A_362 = arith.constant 24 : i32
    %add3A_363 = arith.addi %mul3A_2, %add3A_362 : i32
    %lt3A_364 = arith.cmpi slt, %add3A_363, %min3A_5 : i32
    %convert_element_type3A_365 = arith.extui %lt3A_364 : i1 to i32
    %cond3A_366 = arith.constant 0 : i32
    %cond3A_367 = arith.cmpi ne, %convert_element_type3A_365, %cond3A_366 : i32
    scf.if %cond3A_367 {
      %dma_wait3A = arith.constant 0 : i32
      %dma_wait3A_392 = arith.constant 0 : i32
      %dma_wait3A_393 = arith.constant 0 : i32
      %dma_wait3A_394 = tpu.memref_slice %arg6[%dma_wait3A, %dma_wait3A_392, %dma_wait3A_393] : memref<50x1000x1024xf32, #tpu.memory_space<hbm>> -> memref<1x8x1024xf32, #tpu.memory_space<hbm>>
      %dma_wait3A_395 = tpu.memref_squeeze %dma_wait3A_394 : memref<1x8x1024xf32, #tpu.memory_space<hbm>> -> memref<8x1024xf32, #tpu.memory_space<hbm>>
      %dma_wait3A_396 = arith.constant 0 : i32
      %dma_wait3A_397 = arith.constant 0 : i32
      %dma_wait3A_398 = tpu.memref_slice %arg6[%dma_wait3A, %dma_wait3A_396, %dma_wait3A_397] : memref<50x1000x1024xf32, #tpu.memory_space<hbm>> -> memref<1x8x1024xf32, #tpu.memory_space<hbm>>
      %dma_wait3A_399 = tpu.memref_squeeze %dma_wait3A_398 : memref<1x8x1024xf32, #tpu.memory_space<hbm>> -> memref<8x1024xf32, #tpu.memory_space<hbm>>
      tpu.wait_dma2 semaphore(%arg26 : memref<!tpu.dma_semaphore, #tpu.memory_space<semaphore_mem>>) src(%arg21 : memref<8x1024xf32, #tpu.memory_space<vmem>>) dst(%dma_wait3A_399 : memref<8x1024xf32, #tpu.memory_space<hbm>>)
    } else {
    }
    %add3A_368 = arith.constant 0 : i32
    %add3A_369 = arith.addi %mul3A_2, %add3A_368 : i32
    %lt3A_370 = arith.cmpi slt, %add3A_369, %min3A_5 : i32
    %convert_element_type3A_371 = arith.extui %lt3A_370 : i1 to i32
    %cond3A_372 = arith.constant 0 : i32
    %cond3A_373 = arith.cmpi ne, %convert_element_type3A_371, %cond3A_372 : i32
    scf.if %cond3A_373 {
      %dma_wait3A = arith.constant 0 : i32
      %dma_wait3A_392 = arith.constant 0 : i32
      %dma_wait3A_393 = arith.constant 0 : i32
      %dma_wait3A_394 = tpu.memref_slice %arg6[%dma_wait3A, %dma_wait3A_392, %dma_wait3A_393] : memref<50x1000x1024xf32, #tpu.memory_space<hbm>> -> memref<1x8x1024xf32, #tpu.memory_space<hbm>>
      %dma_wait3A_395 = tpu.memref_squeeze %dma_wait3A_394 : memref<1x8x1024xf32, #tpu.memory_space<hbm>> -> memref<8x1024xf32, #tpu.memory_space<hbm>>
      %dma_wait3A_396 = arith.constant 0 : i32
      %dma_wait3A_397 = arith.constant 0 : i32
      %dma_wait3A_398 = tpu.memref_slice %arg6[%dma_wait3A, %dma_wait3A_396, %dma_wait3A_397] : memref<50x1000x1024xf32, #tpu.memory_space<hbm>> -> memref<1x8x1024xf32, #tpu.memory_space<hbm>>
      %dma_wait3A_399 = tpu.memref_squeeze %dma_wait3A_398 : memref<1x8x1024xf32, #tpu.memory_space<hbm>> -> memref<8x1024xf32, #tpu.memory_space<hbm>>
      tpu.wait_dma2 semaphore(%arg27 : memref<!tpu.dma_semaphore, #tpu.memory_space<semaphore_mem>>) src(%arg16 : memref<8x1024xf32, #tpu.memory_space<vmem>>) dst(%dma_wait3A_399 : memref<8x1024xf32, #tpu.memory_space<hbm>>)
    } else {
    }
    %add3A_374 = arith.constant 8 : i32
    %add3A_375 = arith.addi %mul3A_2, %add3A_374 : i32
    %lt3A_376 = arith.cmpi slt, %add3A_375, %min3A_5 : i32
    %convert_element_type3A_377 = arith.extui %lt3A_376 : i1 to i32
    %cond3A_378 = arith.constant 0 : i32
    %cond3A_379 = arith.cmpi ne, %convert_element_type3A_377, %cond3A_378 : i32
    scf.if %cond3A_379 {
      %dma_wait3A = arith.constant 0 : i32
      %dma_wait3A_392 = arith.constant 0 : i32
      %dma_wait3A_393 = arith.constant 0 : i32
      %dma_wait3A_394 = tpu.memref_slice %arg6[%dma_wait3A, %dma_wait3A_392, %dma_wait3A_393] : memref<50x1000x1024xf32, #tpu.memory_space<hbm>> -> memref<1x8x1024xf32, #tpu.memory_space<hbm>>
      %dma_wait3A_395 = tpu.memref_squeeze %dma_wait3A_394 : memref<1x8x1024xf32, #tpu.memory_space<hbm>> -> memref<8x1024xf32, #tpu.memory_space<hbm>>
      %dma_wait3A_396 = arith.constant 0 : i32
      %dma_wait3A_397 = arith.constant 0 : i32
      %dma_wait3A_398 = tpu.memref_slice %arg6[%dma_wait3A, %dma_wait3A_396, %dma_wait3A_397] : memref<50x1000x1024xf32, #tpu.memory_space<hbm>> -> memref<1x8x1024xf32, #tpu.memory_space<hbm>>
      %dma_wait3A_399 = tpu.memref_squeeze %dma_wait3A_398 : memref<1x8x1024xf32, #tpu.memory_space<hbm>> -> memref<8x1024xf32, #tpu.memory_space<hbm>>
      tpu.wait_dma2 semaphore(%arg27 : memref<!tpu.dma_semaphore, #tpu.memory_space<semaphore_mem>>) src(%arg18 : memref<8x1024xf32, #tpu.memory_space<vmem>>) dst(%dma_wait3A_399 : memref<8x1024xf32, #tpu.memory_space<hbm>>)
    } else {
    }
    %add3A_380 = arith.constant 16 : i32
    %add3A_381 = arith.addi %mul3A_2, %add3A_380 : i32
    %lt3A_382 = arith.cmpi slt, %add3A_381, %min3A_5 : i32
    %convert_element_type3A_383 = arith.extui %lt3A_382 : i1 to i32
    %cond3A_384 = arith.constant 0 : i32
    %cond3A_385 = arith.cmpi ne, %convert_element_type3A_383, %cond3A_384 : i32
    scf.if %cond3A_385 {
      %dma_wait3A = arith.constant 0 : i32
      %dma_wait3A_392 = arith.constant 0 : i32
      %dma_wait3A_393 = arith.constant 0 : i32
      %dma_wait3A_394 = tpu.memref_slice %arg6[%dma_wait3A, %dma_wait3A_392, %dma_wait3A_393] : memref<50x1000x1024xf32, #tpu.memory_space<hbm>> -> memref<1x8x1024xf32, #tpu.memory_space<hbm>>
      %dma_wait3A_395 = tpu.memref_squeeze %dma_wait3A_394 : memref<1x8x1024xf32, #tpu.memory_space<hbm>> -> memref<8x1024xf32, #tpu.memory_space<hbm>>
      %dma_wait3A_396 = arith.constant 0 : i32
      %dma_wait3A_397 = arith.constant 0 : i32
      %dma_wait3A_398 = tpu.memref_slice %arg6[%dma_wait3A, %dma_wait3A_396, %dma_wait3A_397] : memref<50x1000x1024xf32, #tpu.memory_space<hbm>> -> memref<1x8x1024xf32, #tpu.memory_space<hbm>>
      %dma_wait3A_399 = tpu.memref_squeeze %dma_wait3A_398 : memref<1x8x1024xf32, #tpu.memory_space<hbm>> -> memref<8x1024xf32, #tpu.memory_space<hbm>>
      tpu.wait_dma2 semaphore(%arg27 : memref<!tpu.dma_semaphore, #tpu.memory_space<semaphore_mem>>) src(%arg20 : memref<8x1024xf32, #tpu.memory_space<vmem>>) dst(%dma_wait3A_399 : memref<8x1024xf32, #tpu.memory_space<hbm>>)
    } else {
    }
    %add3A_386 = arith.constant 24 : i32
    %add3A_387 = arith.addi %mul3A_2, %add3A_386 : i32
    %lt3A_388 = arith.cmpi slt, %add3A_387, %min3A_5 : i32
    %convert_element_type3A_389 = arith.extui %lt3A_388 : i1 to i32
    %cond3A_390 = arith.constant 0 : i32
    %cond3A_391 = arith.cmpi ne, %convert_element_type3A_389, %cond3A_390 : i32
    scf.if %cond3A_391 {
      %dma_wait3A = arith.constant 0 : i32
      %dma_wait3A_392 = arith.constant 0 : i32
      %dma_wait3A_393 = arith.constant 0 : i32
      %dma_wait3A_394 = tpu.memref_slice %arg6[%dma_wait3A, %dma_wait3A_392, %dma_wait3A_393] : memref<50x1000x1024xf32, #tpu.memory_space<hbm>> -> memref<1x8x1024xf32, #tpu.memory_space<hbm>>
      %dma_wait3A_395 = tpu.memref_squeeze %dma_wait3A_394 : memref<1x8x1024xf32, #tpu.memory_space<hbm>> -> memref<8x1024xf32, #tpu.memory_space<hbm>>
      %dma_wait3A_396 = arith.constant 0 : i32
      %dma_wait3A_397 = arith.constant 0 : i32
      %dma_wait3A_398 = tpu.memref_slice %arg6[%dma_wait3A, %dma_wait3A_396, %dma_wait3A_397] : memref<50x1000x1024xf32, #tpu.memory_space<hbm>> -> memref<1x8x1024xf32, #tpu.memory_space<hbm>>
      %dma_wait3A_399 = tpu.memref_squeeze %dma_wait3A_398 : memref<1x8x1024xf32, #tpu.memory_space<hbm>> -> memref<8x1024xf32, #tpu.memory_space<hbm>>
      tpu.wait_dma2 semaphore(%arg27 : memref<!tpu.dma_semaphore, #tpu.memory_space<semaphore_mem>>) src(%arg22 : memref<8x1024xf32, #tpu.memory_space<vmem>>) dst(%dma_wait3A_399 : memref<8x1024xf32, #tpu.memory_space<hbm>>)
    } else {
    }
    "tpu.region"() ({
      %run_scoped3A = tpu.sem_alloc : memref<!tpu.dma_semaphore, #tpu.memory_space<semaphore_mem>>
      %dma_start3A_392 = arith.constant 0 : i32
      %dma_start3A_393 = tpu.memref_slice %arg7[%add3A, %dma_start3A_392] : memref<32x16xf32, #tpu.memory_space<hbm>> -> memref<1x16xf32, #tpu.memory_space<hbm>>
      %dma_start3A_394 = tpu.memref_squeeze %dma_start3A_393 : memref<1x16xf32, #tpu.memory_space<hbm>> -> memref<16xf32, #tpu.memory_space<hbm>>
      %dma_start3A_395 = arith.constant 0 : i32
      %dma_start3A_396 = tpu.memref_slice %arg7[%add3A, %dma_start3A_395] : memref<32x16xf32, #tpu.memory_space<hbm>> -> memref<1x16xf32, #tpu.memory_space<hbm>>
      %dma_start3A_397 = tpu.memref_squeeze %dma_start3A_396 : memref<1x16xf32, #tpu.memory_space<hbm>> -> memref<16xf32, #tpu.memory_space<hbm>>
      tpu.enqueue_dma source(%arg23 : memref<16xf32, #tpu.memory_space<vmem>>) target(%dma_start3A_397 : memref<16xf32, #tpu.memory_space<hbm>>) target_semaphore(%run_scoped3A : memref<!tpu.dma_semaphore, #tpu.memory_space<semaphore_mem>>)
      %dma_wait3A = arith.constant 0 : i32
      %dma_wait3A_398 = tpu.memref_slice %arg7[%add3A, %dma_wait3A] : memref<32x16xf32, #tpu.memory_space<hbm>> -> memref<1x16xf32, #tpu.memory_space<hbm>>
      %dma_wait3A_399 = tpu.memref_squeeze %dma_wait3A_398 : memref<1x16xf32, #tpu.memory_space<hbm>> -> memref<16xf32, #tpu.memory_space<hbm>>
      %dma_wait3A_400 = arith.constant 0 : i32
      %dma_wait3A_401 = tpu.memref_slice %arg7[%add3A, %dma_wait3A_400] : memref<32x16xf32, #tpu.memory_space<hbm>> -> memref<1x16xf32, #tpu.memory_space<hbm>>
      %dma_wait3A_402 = tpu.memref_squeeze %dma_wait3A_401 : memref<1x16xf32, #tpu.memory_space<hbm>> -> memref<16xf32, #tpu.memory_space<hbm>>
      tpu.wait_dma2 semaphore(%run_scoped3A : memref<!tpu.dma_semaphore, #tpu.memory_space<semaphore_mem>>) src(%arg23 : memref<16xf32, #tpu.memory_space<vmem>>) dst(%dma_wait3A_402 : memref<16xf32, #tpu.memory_space<hbm>>)
      tpu.yield
    }) : () -> ()
    return
  }
}

module attributes {stable_mosaic.version = 14 : i64} {
  func.func @_lse_body(%arg0: memref<1000x1000xf32, #tpu.memory_space<vmem>>, %arg1: memref<1000x1xf32, #tpu.memory_space<vmem>>, %arg2: memref<1000x1000xf32, #tpu.memory_space<vmem>>) attributes {dimension_semantics = [], scalar_prefetch = 0 : i64, scratch_operands = 0 : i64, tpu.core_type = #tpu.core_type<tc>} {
    %get3A = arith.constant 0 : index
    %get3A_0 = arith.constant 0 : index
    %get3A_1 = vector.load %arg0[%get3A, %get3A_0] : memref<1000x1000xf32, #tpu.memory_space<vmem>>, vector<1000x1000xf32>
    %reduce_max3A = arith.constant dense<0xFF800000> : vector<1000xf32>
    %reduce_max3A_2 = vector.multi_reduction <maximumf>, %get3A_1, %reduce_max3A [1] : vector<1000x1000xf32> to vector<1000xf32>
    %broadcast_in_dim3A = vector.shape_cast %reduce_max3A_2 : vector<1000xf32> to vector<1000x1xf32>
    %sub3A = vector.broadcast %broadcast_in_dim3A : vector<1000x1xf32> to vector<1000x1000xf32>
    %sub3A_3 = arith.subf %get3A_1, %sub3A : vector<1000x1000xf32>
    %exp3A = math.exp %sub3A_3 : vector<1000x1000xf32>
    %reduce_sum3A = arith.constant dense<0.000000e+00> : vector<1000xf32>
    %reduce_sum3A_4 = vector.multi_reduction <add>, %exp3A, %reduce_sum3A [1] : vector<1000x1000xf32> to vector<1000xf32>
    %broadcast_in_dim3A_5 = vector.shape_cast %reduce_sum3A_4 : vector<1000xf32> to vector<1000x1xf32>
    %log3A = math.log %broadcast_in_dim3A_5 : vector<1000x1xf32>
    %add3A = arith.addf %broadcast_in_dim3A, %log3A : vector<1000x1xf32>
    %swap3A = arith.constant 0 : index
    %swap3A_6 = arith.constant 0 : index
    %swap3A_7 = vector.load %arg1[%swap3A, %swap3A_6] : memref<1000x1xf32, #tpu.memory_space<vmem>>, vector<1000x1xf32>
    tpu.vector_store %arg1[%swap3A, %swap3A_6], %add3A {strides = array<i32>} : memref<1000x1xf32, #tpu.memory_space<vmem>>, vector<1000x1xf32>,
    %transpose3A = tpu.transpose %get3A_1, [1, 0] : vector<1000x1000xf32> -> vector<1000x1000xf32>
    %swap3A_8 = arith.constant 0 : index
    %swap3A_9 = arith.constant 0 : index
    %swap3A_10 = vector.load %arg2[%swap3A_8, %swap3A_9] : memref<1000x1000xf32, #tpu.memory_space<vmem>>, vector<1000x1000xf32>
    tpu.vector_store %arg2[%swap3A_8, %swap3A_9], %transpose3A {strides = array<i32>} : memref<1000x1000xf32, #tpu.memory_space<vmem>>, vector<1000x1000xf32>,
    return
  }
}

module attributes {stable_mosaic.version = 14 : i64} {
  func.func @_final_body(%arg0: memref<32x16xf32, #tpu.memory_space<vmem>>, %arg1: memref<1x1xf32, #tpu.memory_space<vmem>>) attributes {dimension_semantics = [], scalar_prefetch = 0 : i64, scratch_operands = 0 : i64, tpu.core_type = #tpu.core_type<tc>} {
    %get3A = arith.constant 0 : index
    %get3A_0 = arith.constant 0 : index
    %get3A_1 = vector.load %arg0[%get3A, %get3A_0] : memref<32x16xf32, #tpu.memory_space<vmem>>, vector<32x16xf32>
    %reduce_sum3A = vector.shape_cast %get3A_1 : vector<32x16xf32> to vector<1x32x16xf32>
    %reduce_sum3A_2 = arith.constant dense<0.000000e+00> : vector<1xf32>
    %reduce_sum3A_3 = vector.multi_reduction <add>, %reduce_sum3A, %reduce_sum3A_2 [1, 2] : vector<1x32x16xf32> to vector<1xf32>
    %reduce_sum3A_4 = vector.shape_cast %reduce_sum3A_3 : vector<1xf32> to vector<1x1x1xf32>
    %reduce_sum3A_5 = vector.extract %reduce_sum3A_4[0, 0, 0] : f32 from vector<1x1x1xf32>
    %reshape3A = vector.broadcast %reduce_sum3A_5 : f32 to vector<1x1xf32>
    %swap3A = arith.constant 0 : index
    %swap3A_6 = arith.constant 0 : index
    %swap3A_7 = vector.load %arg1[%swap3A, %swap3A_6] : memref<1x1xf32, #tpu.memory_space<vmem>>, vector<1x1xf32>
    tpu.vector_store %arg1[%swap3A, %swap3A_6], %reshape3A {strides = array<i32>} : memref<1x1xf32, #tpu.memory_space<vmem>>, vector<1x1xf32>,
    return
  }
}

</mosaic_0001>

<sc_bundles>
// kernel: kernel.5.cloned.1.call-start
scs
__scs_entry_jumppad:
0x0: {  	(pc) =	sbr.rel $0x88, $3  }
0x1: {  	(tag) =	ssettag $0x0;
	lr =	simm.s32 $0x1  }
0x2: {  	[smem:$0x3F9E] =	sst lr;
	_ =	strace $0xD0000000  }
0x3: {  	_ = 	snop  }
0x4: {  	_ = 	snop  }
0x5: {  	_ = 	snop  }
0x6: {  	_ = 	snop  }
0x7: {  	_ = 	snop  }
__scs_overlays_trampoline_lowered:
0x8: {  	[smem:$0x3FAD] =	sst s0  }
0x9: {  	[smem:$0x3FAE] =	sst s1  }
0xa: {  	[smem:$0x3FAF] =	sst s2  }
0xb: {  	[smem:$0x3FB0] =	sst s3  }
0xc: {  	[smem:$0x3FB1] =	sst s4  }
0xd: {  	[smem:$0x3FB2] =	sst s5  }
0xe: {  	[smem:$0x3FB3] =	sst s6  }
0xf: {  	[smem:$0x3FB4] =	sst s7  }
0x10: {  	[smem:$0x3FB5] =	sst s8  }
0x11: {  	[smem:$0x3FB6] =	sst s9;
	s0 =	simm.s32 @!p0 $0x0  }
0x12: {  	s1 =	sld [smem:$0x3F9C];
	s0 =	simm.s32 @p0 $0x1  }
0x13: {  	[smem:$0x3FB7] =	sst s0;
	s0 =	simm.s32 @!p1 $0x0  }
0x14: {  	s2 =	sld [smem:$0x3F9B];
	s0 =	simm.s32 @p1 $0x1  }
0x15: {  	[smem:$0x3FB8] =	sst s0;
	s0 =	simm.s32 @!p2 $0x0  }
0x16: {  	s3 =	sld [smem:$0x3FDB];
	s0 =	simm.s32 @p2 $0x1  }
0x17: {  	s4 =	simm.s32 $0x1BF5;
	[smem:$0x3FBA] =	sst s0  }
0x18: {  	s0 =	sld [smem:$0x3F9D];
	_ =	swait.ge [sflag:s4], $0x0  }
0x19: {  	s7 =	sld [smem:$0x3F9E]  }
0x1a: {  	s8 =	sadd.s32 $0xFFFFE003, lr  }
0x1b: {  	s9 =	sadd.s32 $0xFFFFFEF7, lr;
	s5 =	simm.s32 $0xFFFFFFFF;
	p2 =	slt.u32 s8, $0xFFFFF086  }
0x1c: {  	p1 =	slt.u32 s9, $0xF7A;
	s5 =	simm.s32 @!p2 $0x0  }
0x1d: {  	s5 =	simm.s32 @p1 $0x1;
	p0 =	seq.s32 s7, s2  }
0x1e: {  	s7 =	smul.u32 @!p0 $0xF7A, s2;
	p2 =	seq.s32 @!p0 s5, $0x0  }
0x1f: {  	s9 =	smul.u32 $0xF7A, s1;
	s8 =	simm.s32 @!p0 $0x1BF5;
	p2 =	por !p2, p0  }
0x20: {  	[sflag:s8] =	ssyncset.s32 @!p0 $0xFFFFF086;
	s6 =	sadd.s32 @!p0 s3, s7;
	s7 =	simm.s32 @!p0 $0x108  }
0x21: {  	s3 =	sadd.s32 s3, s9;
	s6 =	sadd.s32 @!p0 $0x88, s6;
	s7 =	simm.s32 @p2 $0x1082  }
0x22: {  	[simem:s7], [sflag:s8] =	dma.local @!p0 [hbm:s6], $0xF7A  }
0x23: {  	s9 =	sor.u32 $0xD0000000, s2;
	s6 =	simm.s32 $0x108;
	_ =	swait.ge @!p0 [sflag:s8], $0x0  }
0x24: {  	s3 =	sadd.s32 $0x88, s3;
	s6 =	simm.s32 @!p1 $0x1082;
	[sflag:s4] =	ssyncset.s32 $0xFFFFF086  }
0x25: {  	[simem:s6], [sflag:s4] =	dma.local [hbm:s3], $0xF7A  }
0x26: {  	[smem:$0x3F9E] =	sst s1;
	(tag) =	ssettag s2;
	_ =	strace s9  }
0x27: {  	s1 =	sld [smem:$0x3FAE]  }
0x28: {  	s2 =	sld [smem:$0x3FAF]  }
0x29: {  	s4 =	sld [smem:$0x3FB1]  }
0x2a: {  	p0 =	seq.s32 s5, $0x0;
	s5 =	sld [smem:$0x3FB2]  }
0x2b: {  	s6 =	sld [smem:$0x3FB3]  }
0x2c: {  	s7 =	sld [smem:$0x3FB4]  }
0x2d: {  	s3 =	simm.s32 $0x108;
	s8 =	sld [smem:$0x3FB5]  }
0x2e: {  	s3 =	simm.s32 @!p0 $0x1082;
	s9 =	sld [smem:$0x3FB6]  }
0x2f: {  	lr =	sadd.s32 s0, s3;
	s0 =	sld [smem:$0x3FAD]  }
0x30: {  	s3 =	sld [smem:$0x3FB0]  }
0x31: {  	[smem:$0x3FB9] =	sst s10  }
0x32: {  	s10 =	sld [smem:$0x3FB7];
	_ =	sdelay $0x3  }
0x33: {  	p0 =	seq.s32 s10, $0x1;
	s10 =	sld [smem:$0x3FB9];
	_ =	sdelay $0x3  }
0x34: {  	[smem:$0x3FB9] =	sst s10  }
0x35: {  	s10 =	sld [smem:$0x3FB8];
	_ =	sdelay $0x3  }
0x36: {  	p1 =	seq.s32 s10, $0x1;
	s10 =	sld [smem:$0x3FB9];
	_ =	sdelay $0x3  }
0x37: {  	[smem:$0x3FB9] =	sst s10  }
0x38: {  	s10 =	sld [smem:$0x3FBA]  }
0x39: {  	_ = 	snop;
	(pc) =	sbr.ind lr, $3  }
0x3a: {  	_ = 	snop  }
0x3b: {  	_ = 	snop  }
0x3c: {  	p2 =	seq.s32 s10, $0x1;
	s10 =	sld [smem:$0x3FB9]  }
0x3d: {  	_ =	shalt  }
0x3e: {  	_ =	shalt  }
0x3f: {  	_ =	shalt  }
0x40: {  	_ =	shalt  }
0x41: {  	_ =	shalt  }
0x42: {  	_ =	shalt  }
0x43: {  	_ =	shalt  }
0x44: {  	_ =	shalt  }
0x45: {  	_ =	shalt  }
0x46: {  	_ =	shalt  }
0x47: {  	_ =	shalt  }
0x48: {  	_ =	shalt  }
0x49: {  	_ =	shalt  }
0x4a: {  	_ =	shalt  }
0x4b: {  	_ =	shalt  }
0x4c: {  	_ =	shalt  }
0x4d: {  	_ =	shalt  }
0x4e: {  	_ =	shalt  }
0x4f: {  	_ =	shalt  }
0x50: {  	_ =	shalt  }
0x51: {  	_ =	shalt  }
0x52: {  	_ =	shalt  }
0x53: {  	_ =	shalt  }
0x54: {  	_ =	shalt  }
0x55: {  	_ =	shalt  }
0x56: {  	_ =	shalt  }
0x57: {  	_ =	shalt  }
0x58: {  	_ =	shalt  }
0x59: {  	_ =	shalt  }
0x5a: {  	_ =	shalt  }
0x5b: {  	_ =	shalt  }
0x5c: {  	_ =	shalt  }
0x5d: {  	_ =	shalt  }
0x5e: {  	_ =	shalt  }
0x5f: {  	_ =	shalt  }
0x60: {  	_ =	shalt  }
0x61: {  	_ =	shalt  }
0x62: {  	_ =	shalt  }
0x63: {  	_ =	shalt  }
0x64: {  	_ =	shalt  }
0x65: {  	_ =	shalt  }
0x66: {  	_ =	shalt  }
0x67: {  	_ =	shalt  }
0x68: {  	_ =	shalt  }
0x69: {  	_ =	shalt  }
0x6a: {  	_ =	shalt  }
0x6b: {  	_ =	shalt  }
0x6c: {  	_ =	shalt  }
0x6d: {  	_ =	shalt  }
0x6e: {  	_ =	shalt  }
0x6f: {  	_ =	shalt  }
0x70: {  	_ =	shalt  }
0x71: {  	_ =	shalt  }
0x72: {  	_ =	shalt  }
0x73: {  	_ =	shalt  }
0x74: {  	_ =	shalt  }
0x75: {  	_ =	shalt  }
0x76: {  	_ =	shalt  }
0x77: {  	_ =	shalt  }
0x78: {  	_ =	shalt  }
0x79: {  	_ =	shalt  }
0x7a: {  	_ =	shalt  }
0x7b: {  	_ =	shalt  }
0x7c: {  	_ =	shalt  }
0x7d: {  	_ =	shalt  }
0x7e: {  	_ =	shalt  }
0x7f: {  	_ =	shalt  }
0x80: {  	_ =	shalt  }
0x81: {  	_ =	shalt  }
0x82: {  	_ =	shalt  }
0x83: {  	_ =	shalt  }
0x84: {  	_ =	shalt  }
0x85: {  	_ =	shalt  }
0x86: {  	_ =	shalt  }
0x87: {  	_ =	shalt  }
.Lfunc_end0:
.L_simem_size_0:
called_computation_lowered:
.L_overlay_start_0:
0x88: {  	s2 =	sld [smem:$0x3FD9]  }
0x89: {  	s3 =	sld [smem:$0x3FFE];
	_ =	sdelay $0x1  }
0x8a: {  	s1 =	srdreg.scid  }
0x8b: {  	s0 =	sand.u32 $0x1, s1  }
0x8c: {  	s14 =	sshll.u32 s0, $0xA;
	s2 =	sadd.s32 s3, s2  }
0x8d: {  	s2 =	sadd.s32 s2, s14  }
0x8e: {  	[smem:$0x3FC5] =	sst s2  }
0x8f: {  	_ = 	snop  }
0x90: {  	s2 =	sld [smem:$0x3FD0];
	_ =	sdelay $0x1  }
0x91: {  	s15 =	sld [smem:$0x3FC9]  }
0x92: {  	s5 =	simm.s32 $0xA;
	s6 =	simm.s32 $0x10;
	s4 =	sld [smem:$0x3FC8]  }
0x93: {  	[smem:s6], [sflag:s5] =	dma.local [hbm:s2], $0x1  }
0x94: {  	_ =	swait.eq [sflag:s5], $0x1  }
0x95: {  	[sflag:s5] =	ssyncset.done $0x0  }
0x96: {  	[sflag:s5] =	ssyncadd.s32 $0xFFFFFFFF  }
0x97: {  	s16 =	sld [smem:$0x10];
	(tm) =	ssettm $0x1  }
0x98: {  	s17 =	sld [smem:$0x3FFB];
	_ =	sdelay $0x3  }
0x99: {  	_ =	strace s17  }
0x9a: {  	s5 =	sld [smem:$0x3FFC];
	_ =	sdelay $0x3  }
0x9b: {  	_ =	strace s5  }
0x9c: {  	s5 =	sld [smem:$0x3FFD];
	_ =	sdelay $0x3  }
0x9d: {  	_ =	strace s5  }
0x9e: {  	_ =	strace $0x8FFFFFFF  }
0x9f: {  	s18 =	sld [smem:$0x3FDB];
	_ =	sdelay $0x1  }
0xa0: {  	s19 =	simm.s32 $_scs_section_size  }
0xa1: {  	s7 =	simm.s32 $_size__tile_overlayer_lowered;
	s8 =	simm.s32 $_tile_overlayer_lowered  }
0xa2: {  	s22 =	simm.s32 $0x1BFF;
	s21 =	sshll.u32 s8, $0x1;
	s5 =	sadd.s32 s19, s18  }
0xa3: {  	s9 =	simm.s32 $0x0;
	s20 =	sshll.u32 s7, $0x1;
	s7 =	sadd.s32 s21, s5  }
0xa4: {  	[timem:s9], [sflag:s22] =	dma.local [hbm:s7], s20  }
0xa5: {  	_ =	swait.ge [sflag:s22], s20  }
0xa6: {  	s6 =	ssub.s32 $0x0, s20;
	[sflag:s22] =	ssyncset.done $0x0  }
0xa7: {  	[sflag:s22] =	ssyncadd.s32 s6;
	_ =	sdelay $0x1  }
0xa8: {  	s23 =	simm.s32 $0x1B8B  }
0xa9: {  	_ =	swait.ge [sflag:s23], $0x1  }
0xaa: {  	[sflag:s23] =	ssyncset.done $0x0  }
0xab: {  	s25 =	simm.s32 $0x1B8E;
	s24 =	sld [smem:$0x3FFE];
	[sflag:s23] =	ssyncadd.s32 $0xFFFFFFFF  }
0xac: {  	s26 =	simm.s32 $execute0_lowered;
	[smem:$0x3FD2] =	sst s25  }
0xad: {  	s7 =	sshll.u32 s26, $0x1;
	_ =	strace $0x80000046;
	[dreg:$0x1] =	wrdreg $0xFFFFFFFF  }
0xae: {  	s28 =	simm.s32 $_size_execute0_lowered;
	s5 =	sadd.s32 s5, s7;
	[dreg:$0x0] =	wrdreg $0x0  }
0xaf: {  	s7 =	sshll.u32 s28, $0x1;
	[dreg:$0x2] =	wrdreg s5  }
0xb0: {  	[dreg:$0x3] =	wrdreg s7  }
0xb1: {  	[dreg:$0x4] =	wrdreg $0xC0  }
0xb2: {  	_ =	task [dreg:s9], $0x5FFFF  }
0xb3: {  	[dreg:$0x1] =	wrdreg $0xFFFFFFFF  }
0xb4: {  	[dreg:$0x0] =	wrdreg $0x60  }
0xb5: {  	[dreg:$0x2] =	wrdreg s15  }
0xb6: {  	[dreg:$0x3] =	wrdreg s4  }
0xb7: {  	[dreg:$0x4] =	wrdreg s24  }
0xb8: {  	[dreg:$0x5] =	wrdreg s16  }
0xb9: {  	[dreg:$0x6] =	wrdreg $0x9  }
0xba: {  	_ =	task.clear_ibuf [dreg:s9], $0x7FFFF;
	_ =	strace $0x90000046  }
0xbb: {  	s29 =	simm.s32 $0x9;
	_ =	strace $0x80000048  }
0xbc: {  	_ =	swait.ge [sflag:s29], $0x1  }
0xbd: {  	[sflag:s29] =	ssyncadd.s32 $0xFFFFFFFF  }
0xbe: {  	_ =	strace $0x90000048  }
0xbf: {  	_ =	sfence  }
0xc0: {  	s30 =	sld [smem:$0x0];
	_ =	sdelay $0x2  }
0xc1: {  	s31 =	sshll.u32 s1, $0xD;
	s1 =	sshrl.u32 s1, $0x2  }
0xc2: {  	s3 =	sand.u32 $0x4000, s31;
	s1 =	sadd.s32 s1, s30  }
0xc3: {  	s0 =	sor.u32 s3, s0;
	s1 =	sshll.u32 s1, $0x11  }
0xc4: {  	s0 =	sor.u32 s1, s0  }
0xc5: {  	s0 =	sadd.s32 $0x8F2B, s0  }
0xc6: {  	[sflag:s0] =	ssyncadd.remote.s32 $0x1  }
0xc7: {  	_ =	sfence.sel $0xFFFF  }
0xc8: {  	[dreg:$0x0] =	wrdreg $0xFFFFFFFF;
	(pc) =	sbr.abs _section_cstart, $3  }
0xc9: {  	[dreg:$0x1] =	wrdreg $0xFFFFFFFF  }
0xca: {  	_ =	task.clear_ibuf [dreg:s9], $0x2FFFF;
	_ =	strace $0x9FFFFFFF  }
0xcb: {  	(tm) =	ssettm $0x7FFFFFFF  }
tec
execute0_lowered:
.L_overlay_start_1:
0x0: {  	(tag) =	ssettag $0x1  }
0x1: {  	s0 =	rddreg [dreg:$0x2]  }
0x2: {  	s4 =	rddreg [dreg:$0x3]  }
0x3: {  	s1 =	srdreg.scid;
	s3 =	stileid.u32;
	s5 =	simm.s32 $0x0  }
0x4: {  	s2 =	sand.u32 $0x1, s1;
	s22 =	sshll.u32 s3, $0x1;
	[smem:$0x7FF] =	sst s5  }
0x5: {  	s23 =	sadd.s32 $0x20000, s0;
	s16 =	sor.u32 s2, s22;
	_ =	strace $0x80000047  }
0x6: {  	[dreg:$0x5] =	wrdreg s23;
	s2 =	ssub.s32 $0x2, s2;
	s6 =	sshll.u32 s16, $0x5  }
0x7: {  	s8 =	sshll.u32 s16, $0x4;
	s9 =	sshrl.u32 s2, $0x1;
	s16 =	sshll.u32 s16, $0xF  }
0x8: {  	s10 =	smin.u32 s6, $0x3C8;
	s24 =	ssub.s32 s2, s9;
	[dreg:$0xc] =	wrdreg s16  }
0x9: {  	s7 =	sshll.u32 s10, $0x7;
	[dreg:$0x10] =	wrdreg s24  }
0xa: {  	s29 =	ssub.s32 s6, s10;
	s7 =	sadd.s32 s7, s0;
	s0 =	sadd.s32 s8, s0  }
0xb: {  	p0 =	slt.s32 s29, $0x1F;
	[dreg:$0x11] =	wrdreg s0;
	s25 =	sadd.s32 $0xC00, s7  }
0xc: {  	s9 =	sor.u32 $0x2, s29;
	s26 =	sadd.s32 $0x1000, s7;
	[dreg:$0x6] =	wrdreg s25  }
0xd: {  	s11 =	sor.u32 $0x4, s29;
	s31 =	sadd.s32 $0x1400, s7;
	[dreg:$0x7] =	wrdreg s26  }
0xe: {  	s12 =	sor.u32 $0x5, s29;
	s2 =	sadd.s32 $0x1800, s7;
	[dreg:$0x8] =	wrdreg s31  }
0xf: {  	s7 =	smov.u32 s29;
	s0 =	sor.u32 $0x7, s29;
	[dreg:$0x9] =	wrdreg s2  }
0x10: {  	s2 =	sor.u32 $0x1, s29;
	s7 =	simm.s32 @!p0 $0x1F;
	p0 =	slt.s32 s9, $0x1F  }
0x11: {  	p1 =	slt.s32 s2, $0x1F;
	s3 =	sshll.u32 s7, $0xA;
	s9 =	simm.s32 @!p0 $0x1F  }
0x12: {  	s2 =	simm.s32 @!p1 $0x1F;
	[dreg:$0x12] =	wrdreg s3;
	s8 =	sshll.u32 s9, $0xA  }
0x13: {  	p1 =	slt.s32 s11, $0x1F;
	s7 =	sshll.u32 s2, $0xA;
	[dreg:$0x14] =	wrdreg s8  }
0x14: {  	s2 =	sor.u32 $0x3, s29;
	s11 =	simm.s32 @!p1 $0x1F;
	p1 =	slt.s32 s0, $0x1F  }
0x15: {  	s8 =	sor.u32 $0x8, s6;
	[dreg:$0x13] =	wrdreg s7;
	p0 =	slt.s32 s2, $0x1F  }
0x16: {  	s11 =	sshll.u32 s11, $0xA;
	s0 =	simm.s32 @!p1 $0x1F;
	[dreg:$0xa] =	wrdreg s8  }
0x17: {  	s7 =	sor.u32 $0x18, s6;
	s2 =	simm.s32 @!p0 $0x1F;
	[dreg:$0x16] =	wrdreg s11  }
0x18: {  	p0 =	slt.s32 s12, $0x1F;
	s0 =	sshll.u32 s0, $0xA;
	[dreg:$0xb] =	wrdreg s7  }
0x19: {  	s9 =	sshll.u32 s2, $0xA;
	s12 =	simm.s32 @!p0 $0x1F;
	s2 =	sor.u32 $0x6, s29  }
0x1a: {  	[dreg:$0x19] =	wrdreg s0;
	s13 =	sshll.u32 s12, $0xA;
	p0 =	slt.s32 s2, $0x1F  }
0x1b: {  	[dreg:$0x17] =	wrdreg s13;
	s2 =	simm.s32 @!p0 $0x1F;
	s13 =	ssub.s32 s8, s10  }
0x1c: {  	[dreg:$0x15] =	wrdreg s9;
	s14 =	sshll.u32 s2, $0xA;
	s0 =	sor.u32 $0x1, s13  }
0x1d: {  	p0 =	slt.s32 s13, $0x1F;
	s2 =	smov.u32 s13;
	s17 =	sor.u32 $0x2, s13  }
0x1e: {  	p1 =	slt.s32 s0, $0x1F;
	s2 =	simm.s32 @!p0 $0x1F;
	p0 =	slt.s32 s17, $0x1F  }
0x1f: {  	[dreg:$0x18] =	wrdreg s14;
	s0 =	simm.s32 @!p1 $0x1F;
	s17 =	simm.s32 @!p0 $0x1F  }
0x20: {  	s0 =	sshll.u32 s0, $0xA;
	s15 =	sshll.u32 s17, $0xA;
	s17 =	rddreg [dreg:$0x12]  }
0x21: {  	s18 =	sshll.u32 s2, $0xA;
	s2 =	sor.u32 $0x4, s13;
	[dreg:$0x1a] =	wrdreg s0  }
0x22: {  	s20 =	sor.u32 $0x5, s13;
	p1 =	slt.s32 s2, $0x1F;
	[dreg:$0x1b] =	wrdreg s15  }
0x23: {  	s0 =	sor.u32 $0x3, s13;
	s2 =	simm.s32 @!p1 $0x1F;
	v12 =	vmov s17;
	s17 =	rddreg [dreg:$0x13]  }
0x24: {  	p0 =	slt.s32 s0, $0x1F;
	s19 =	sshll.u32 s2, $0xA;
	v13 =	vmov s17;
	s17 =	rddreg [dreg:$0x14]  }
0x25: {  	v17 =	vmov s18;
	s2 =	sor.u32 $0x7, s13;
	s18 =	rddreg [dreg:$0x1a];
	s0 =	simm.s32 @!p0 $0x1F  }
0x26: {  	p0 =	slt.s32 s20, $0x1F;
	p1 =	slt.s32 s2, $0x1F;
	v14 =	vmov s17;
	s17 =	rddreg [dreg:$0x15]  }
0x27: {  	v18 =	vmov s18;
	s18 =	rddreg [dreg:$0x1b];
	v21 =	vmov s19;
	s19 =	sshll.u32 s8, $0xA;
	s21 =	sshll.u32 s0, $0xA  }
0x28: {  	s20 =	simm.s32 @!p0 $0x1F;
	s0 =	sor.u32 $0x6, s13;
	s13 =	sor.u32 $0x10, s6  }
0x29: {  	s2 =	simm.s32 @!p1 $0x1F;
	v15 =	vmov s17;
	s17 =	rddreg [dreg:$0x16];
	s20 =	sshll.u32 s20, $0xA  }
0x2a: {  	p0 =	slt.s32 s0, $0x1F;
	s31 =	ssub.s32 s13, s10;
	s22 =	sshll.u32 s2, $0xA  }
0x2b: {  	v16 =	vmov s17;
	s17 =	rddreg [dreg:$0x17];
	v20 =	vmov s21;
	s21 =	sshll.u32 s7, $0xA;
	s0 =	simm.s32 @!p0 $0x1F  }
0x2c: {  	p0 =	slt.s32 s31, $0x1F;
	s2 =	sor.u32 $0x1, s31;
	s26 =	sor.u32 $0x2, s31  }
0x2d: {  	s30 =	sor.u32 $0x5, s31;
	v62 =	vmov s17;
	s17 =	rddreg [dreg:$0x18];
	v22 =	vmov s20;
	s20 =	sshll.u32 s13, $0xA  }
0x2e: {  	s23 =	sshll.u32 s0, $0xA;
	s0 =	smov.u32 s31;
	p1 =	slt.s32 s26, $0x1F  }
0x2f: {  	v63 =	vmov s17;
	s17 =	rddreg [dreg:$0x19];
	s0 =	simm.s32 @!p0 $0x1F;
	p0 =	slt.s32 s2, $0x1F  }
0x30: {  	s26 =	simm.s32 @!p1 $0x1F;
	p1 =	slt.s32 s30, $0x1F;
	v23 =	vmov s23;
	s23 =	rddreg [dreg:$0x11]  }
0x31: {  	v25 =	vmov s10;
	v53 =	vmov s17;
	s17 =	sadd.s32 $0x20, s10;
	s24 =	sshll.u32 s0, $0xA;
	s2 =	simm.s32 @!p0 $0x1F  }
0x32: {  	[tilespmem:$0x1FFA0] =	vst v25;
	s0 =	sor.u32 $0x3, s31;
	s26 =	sshll.u32 s26, $0xA;
	s30 =	simm.s32 @!p1 $0x1F  }
0x33: {  	[tilespmem:$0x1FF30] =	vst v17;
	s16 =	sadd.s32 $0x20200, s23;
	s25 =	sshll.u32 s2, $0xA;
	p0 =	slt.s32 s0, $0x1F  }
0x34: {  	[tilespmem:$0x1FEB0] =	vst v12;
	s2 =	sor.u32 $0x4, s31;
	s30 =	sshll.u32 s30, $0xA;
	[dreg:$0xd] =	wrdreg s16  }
0x35: {  	[tilespmem:$0x1FEC0] =	vst v13;
	v26 =	vmov s24;
	s24 =	rddreg [dreg:$0x10];
	s0 =	simm.s32 @!p0 $0x1F;
	p0 =	slt.s32 s2, $0x1F  }
0x36: {  	[tilespmem:$0x1FED0] =	vst v14;
	s28 =	sshll.u32 s0, $0xA;
	s2 =	simm.s32 @!p0 $0x1F;
	s0 =	sor.u32 $0x6, s31  }
0x37: {  	[tilespmem:$0x1FF60] =	vst v21;
	v5 =	vmov s30;
	s30 =	simm.s32 $0x1;
	s29 =	sshll.u32 s2, $0xA;
	p0 =	slt.s32 s0, $0x1F  }
0x38: {  	[tilespmem:$0x1FFF0] =	vst v18;
	s2 =	sor.u32 $0x7, s31;
	v58 =	vmov s28;
	s28 =	simm.s32 $0x0;
	s0 =	simm.s32 @!p0 $0x1F  }
0x39: {  	v19 =	vmov s18;
	[tilespmem:$0x1FEE0] =	vst v15;
	p0 =	slt.s32 s2, $0x1F;
	s31 =	sshll.u32 s0, $0xA;
	s0 =	ssub.s32 s7, s10  }
0x3a: {  	[tilespmem:$0x1FF40] =	vst v19;
	s2 =	simm.s32 @!p0 $0x1F;
	s10 =	smax.u32 s24, $0x1;
	s24 =	simm.s32 $0xB000  }
0x3b: {  	[tilespmem:$0x1FEF0] =	vst v16;
	p0 =	slt.s32 s0, $0x1F;
	s3 =	smov.u32 s0;
	s1 =	sor.u32 $0x1, s0  }
0x3c: {  	[tilespmem:$0x1FF50] =	vst v20;
	s15 =	sshll.u32 s2, $0xA;
	s2 =	sor.u32 $0x4, s0;
	s3 =	simm.s32 @!p0 $0x1F  }
0x3d: {  	[tilespmem:$0x1FF00] =	vst v62;
	p0 =	slt.s32 s1, $0x1F;
	s14 =	sshll.u32 s3, $0xA;
	s3 =	sor.u32 $0x2, s0  }
0x3e: {  	v24 =	vmov s22;
	[tilespmem:$0x1FF70] =	vst v22;
	[dreg:$0xe] =	wrdreg s10;
	s1 =	simm.s32 @!p0 $0x1F;
	p0 =	slt.s32 s3, $0x1F  }
0x3f: {  	[tilespmem:$0x1FF90] =	vst v24;
	s12 =	sshll.u32 s1, $0xA;
	s1 =	sor.u32 $0x3, s0;
	s3 =	simm.s32 @!p0 $0x1F  }
0x40: {  	[tilespmem:$0x1FF10] =	vst v63;
	p0 =	slt.s32 s1, $0x1F;
	v61 =	vmov s12;
	s12 =	simm.s32 $0x5;
	s11 =	sshll.u32 s3, $0xA  }
0x41: {  	[tilespmem:$0x1FF20] =	vst v53;
	s1 =	simm.s32 @!p0 $0x1F;
	p0 =	slt.s32 s2, $0x1F;
	s3 =	sor.u32 $0x5, s0  }
0x42: {  	[tilespmem:$0x1FF80] =	vst v23;
	v57 =	vmov s26;
	s9 =	sshll.u32 s1, $0xA;
	s2 =	simm.s32 @!p0 $0x1F;
	p0 =	slt.s32 s3, $0x1F  }
0x43: {  	[tilespmem:$0x1FE60] =	vst v57;
	s1 =	sor.u32 $0x6, s0;
	s0 =	sor.u32 $0x7, s0;
	s3 =	simm.s32 @!p0 $0x1F  }
0x44: {  	v0 =	vmov s25;
	[tilespmem:$0x1FFB0] =	vst v26;
	p0 =	slt.s32 s1, $0x1F;
	p1 =	slt.s32 s0, $0x1F;
	s2 =	sshll.u32 s2, $0xA  }
0x45: {  	[tilespmem:$0x1FE50] =	vst v0;
	s1 =	simm.s32 @!p0 $0x1F;
	s0 =	simm.s32 @!p1 $0x1F;
	p0 =	sge.u32 s8, s17  }
0x46: {  	[tilespmem:$0x1FFC0] =	vst v5;
	s3 =	sshll.u32 s3, $0xA;
	p1 =	sge.u32 s6, s17;
	s10 =	simm.s32 @!p0 $0x0  }
0x47: {  	[tilespmem:$0x1FE70] =	vst v58;
	v59 =	vmov s29;
	s1 =	sshll.u32 s1, $0xA;
	s10 =	simm.s32 @p0 $0x1;
	p0 =	sge.u32 s13, s17  }
0x48: {  	[tilespmem:$0x1FE80] =	vst v59;
	v6 =	vmov s31;
	s0 =	sshll.u32 s0, $0xA;
	[smem:$0x7FA] =	sst s10;
	s10 =	simm.s32 @!p0 $0x0  }
0x49: {  	v7 =	vmov s15;
	[tilespmem:$0x1FFD0] =	vst v6;
	v32 =	vmov s0;
	s0 =	simm.s32 @!p1 $0x0;
	s10 =	simm.s32 @p0 $0x1;
	p0 =	sge.u32 s7, s17  }
0x4a: {  	v33 =	vmov s6;
	[tilespmem:$0x1FFE0] =	vst v7;
	v60 =	vmov s14;
	s0 =	simm.s32 @p1 $0x1;
	[smem:$0x7FB] =	sst s10;
	s10 =	simm.s32 @!p0 $0x0  }
0x4b: {  	v34 =	vmov s17;
	[tilespmem:$0x1FE90] =	vst v60;
	v27 =	vmov s11;
	v30 =	vmov s3;
	s3 =	simm.s32 $0x2;
	[smem:$0x7FD] =	sst s0;
	s10 =	simm.s32 @p0 $0x1  }
0x4c: {  	[tilespmem:$0x1FEA0] =	vst v61;
	v28 =	vmov s9;
	v29 =	vmov s2;
	v31 =	vmov s1;
	s1 =	simm.s32 $0x0;
	[smem:$0x7FC] =	sst s10;
	s10 =	simm.s32 $0x8000  }
.LBB2_1:
0x4d: {  	[dreg:$0xf] =	wrdreg s1  }
0x4e: {  	s0 =	rddreg [dreg:$0x6]  }
0x4f: {  	[tilespmem:s10], [sflag:$0x5] =	stream.linear.gather [hbm4b:s0+s5], $0x2000, $0x38;
	[tilespmem:$0x1B480] =	vst v63  }
0x50: {  	_ =	swait.ge [sflag:s12], $0x2000  }
0x51: {  	s29 =	sand.u32 $0x78, s5;
	s31 =	sand.u32 $0x1C00, s5;
	[sflag:s12] =	ssyncset.done $0x0  }
0x52: {  	s2 =	sor.u32 s29, s31;
	[sflag:s12] =	ssyncadd.s32 $0xFFFFE000  }
0x53: {  	v0 =	vld [tilespmem:s2+$0x8000];
	_ =	sdelay $0x4  }
0x54: {  	[tilespmem:s5+$0x0] =	vst v0  }
0x55: {  	v0 =	vld [tilespmem:s2+$0x8080];
	_ =	sdelay $0x3  }
0x56: {  	s1 =	sand.u32 $0x3F8, s5  }
0x57: {  	[tilespmem:s1+$0x400] =	vst v0  }
0x58: {  	v0 =	vld [tilespmem:s2+$0x8100];
	_ =	sdelay $0x4  }
0x59: {  	[tilespmem:s1+$0x800] =	vst v0  }
0x5a: {  	v0 =	vld [tilespmem:s2+$0x8180];
	_ =	sdelay $0x4  }
0x5b: {  	[tilespmem:s1+$0xC00] =	vst v0  }
0x5c: {  	v0 =	vld [tilespmem:s2+$0x8200];
	_ =	sdelay $0x4  }
0x5d: {  	[tilespmem:s1+$0x1000] =	vst v0  }
0x5e: {  	v0 =	vld [tilespmem:s2+$0x8280];
	_ =	sdelay $0x4  }
0x5f: {  	[tilespmem:s1+$0x1400] =	vst v0  }
0x60: {  	v0 =	vld [tilespmem:s2+$0x8300];
	_ =	sdelay $0x4  }
0x61: {  	[tilespmem:s1+$0x1800] =	vst v0  }
0x62: {  	v0 =	vld [tilespmem:s2+$0x8380];
	_ =	sdelay $0x1  }
0x63: {  	s7 =	simm.s32 $0x80  }
0x64: {  	s0 =	simm.s32 $0x10;
	s9 =	sand.u32 $0x1C00, s7  }
0x65: {  	s7 =	simm.s32 $0x100;
	s8 =	sand.u32 $0x78, s0;
	s2 =	simm.s32 $0x0  }
.LBB2_2:
0x66: {  	p0 =	sne.s32 s7, $0x1E80;
	s8 =	sor.u32 s8, s9;
	[tilespmem:s1+$0x1C00] =	vst v0  }
0x67: {  	v0 =	vld [tilespmem:s8+$0x8000];
	_ =	sdelay $0x3  }
0x68: {  	s2 =	sadd.s32 $0x10, s2  }
0x69: {  	[tilespmem:s2+$0x0] =	vst v0  }
0x6a: {  	v0 =	vld [tilespmem:s8+$0x8080];
	_ =	sdelay $0x3  }
0x6b: {  	s1 =	sand.u32 $0x3F8, s0  }
0x6c: {  	[tilespmem:s1+$0x400] =	vst v0  }
0x6d: {  	v0 =	vld [tilespmem:s8+$0x8100];
	_ =	sdelay $0x4  }
0x6e: {  	[tilespmem:s1+$0x800] =	vst v0  }
0x6f: {  	v0 =	vld [tilespmem:s8+$0x8180];
	_ =	sdelay $0x4  }
0x70: {  	[tilespmem:s1+$0xC00] =	vst v0  }
0x71: {  	v0 =	vld [tilespmem:s8+$0x8200];
	_ =	sdelay $0x4  }
0x72: {  	[tilespmem:s1+$0x1000] =	vst v0  }
0x73: {  	v0 =	vld [tilespmem:s8+$0x8280];
	_ =	sdelay $0x4  }
0x74: {  	[tilespmem:s1+$0x1400] =	vst v0  }
0x75: {  	v0 =	vld [tilespmem:s8+$0x8300];
	_ =	sdelay $0x4  }
0x76: {  	[tilespmem:s1+$0x1800] =	vst v0  }
.Ltmp0:
0x77: {  	v0 =	vld [tilespmem:s8+$0x8380];
	(pc) =	sbr.rel @p0 .LBB2_2-.Ltmp0, $3  }
0x78: {  	_ =	sdelay $0x1  }
0x79: {  	s0 =	sadd.s32 $0x10, s0  }
0x7a: {  	s9 =	sand.u32 $0x1C00, s7;
	s7 =	sadd.s32 $0x80, s7;
	s8 =	sand.u32 $0x78, s0  }
0x7b: {  	s7 =	sor.u32 s8, s9;
	[tilespmem:s1+$0x1C00] =	vst v0  }
0x7c: {  	v0 =	vld [tilespmem:s7+$0x8000];
	_ =	sdelay $0x3  }
0x7d: {  	s22 =	sadd.s32 $0x10, s2  }
0x7e: {  	[tilespmem:s22+$0x0] =	vst v0  }
0x7f: {  	v0 =	vld [tilespmem:s7+$0x8080];
	_ =	sdelay $0x3  }
0x80: {  	s0 =	sand.u32 $0x3F8, s0  }
0x81: {  	[tilespmem:s0+$0x400] =	vst v0  }
0x82: {  	v0 =	vld [tilespmem:s7+$0x8100];
	_ =	sdelay $0x4  }
0x83: {  	[tilespmem:s0+$0x800] =	vst v0  }
0x84: {  	v0 =	vld [tilespmem:s7+$0x8180];
	_ =	sdelay $0x4  }
0x85: {  	[tilespmem:s0+$0xC00] =	vst v0  }
0x86: {  	v0 =	vld [tilespmem:s7+$0x8200];
	_ =	sdelay $0x4  }
0x87: {  	[tilespmem:s0+$0x1000] =	vst v0  }
0x88: {  	v0 =	vld [tilespmem:s7+$0x8280];
	_ =	sdelay $0x4  }
0x89: {  	[tilespmem:s0+$0x1400] =	vst v0  }
0x8a: {  	v0 =	vld [tilespmem:s7+$0x8300];
	_ =	sdelay $0x4  }
0x8b: {  	[tilespmem:s0+$0x1800] =	vst v0  }
0x8c: {  	v0 =	vld [tilespmem:s7+$0x8380];
	_ =	sdelay $0x4  }
0x8d: {  	[tilespmem:s0+$0x1C00] =	vst v0  }
0x8e: {  	v0 =	vld [tilespmem:$0x9C58]  }
0x8f: {  	v1 =	vld [tilespmem:$0x9CD8]  }
0x90: {  	v2 =	vld [tilespmem:$0x9D58]  }
0x91: {  	v3 =	vld [tilespmem:$0x9DD8]  }
0x92: {  	v4 =	vld [tilespmem:$0x9E58]  }
0x93: {  	[tilespmem:$0x3D8] =	vst v0;
	v0 =	vld [tilespmem:$0x9ED8]  }
0x94: {  	[tilespmem:$0x7D8] =	vst v1;
	v1 =	vld [tilespmem:$0x9F58]  }
0x95: {  	[tilespmem:$0xBD8] =	vst v2;
	v2 =	vld [tilespmem:$0x9FD8]  }
0x96: {  	[tilespmem:$0xFD8] =	vst v3  }
0x97: {  	[tilespmem:$0x13D8] =	vst v4  }
0x98: {  	[tilespmem:$0x17D8] =	vst v0  }
0x99: {  	[tilespmem:$0x1BD8] =	vst v1  }
0x9a: {  	s23 =	simm.s32 $0x0;
	s25 =	rddreg [dreg:$0x7];
	[tilespmem:$0x1FD8] =	vst v2  }
0x9b: {  	[tilespmem:s10], [sflag:$0x5] =	stream.linear.gather [hbm4b:s25+s23], $0x2000, $0x38;
	[tilespmem:$0x1B480] =	vst v63  }
0x9c: {  	_ =	swait.ge [sflag:s12], $0x2000  }
0x9d: {  	s26 =	sand.u32 $0x78, s23;
	s29 =	sand.u32 $0x1C00, s23;
	[sflag:s12] =	ssyncset.done $0x0  }
0x9e: {  	s2 =	sor.u32 s26, s29;
	[sflag:s12] =	ssyncadd.s32 $0xFFFFE000  }
0x9f: {  	v0 =	vld [tilespmem:s2+$0x8000];
	_ =	sdelay $0x3  }
0xa0: {  	s0 =	sand.u32 $0x3F8, s23  }
0xa1: {  	[tilespmem:s0+$0x2000] =	vst v0  }
0xa2: {  	v0 =	vld [tilespmem:s2+$0x8080];
	_ =	sdelay $0x4  }
0xa3: {  	[tilespmem:s0+$0x2400] =	vst v0  }
0xa4: {  	v0 =	vld [tilespmem:s2+$0x8100];
	_ =	sdelay $0x4  }
0xa5: {  	[tilespmem:s0+$0x2800] =	vst v0  }
0xa6: {  	v0 =	vld [tilespmem:s2+$0x8180];
	_ =	sdelay $0x4  }
0xa7: {  	[tilespmem:s0+$0x2C00] =	vst v0  }
0xa8: {  	v0 =	vld [tilespmem:s2+$0x8200];
	_ =	sdelay $0x4  }
0xa9: {  	[tilespmem:s0+$0x3000] =	vst v0  }
0xaa: {  	v0 =	vld [tilespmem:s2+$0x8280];
	_ =	sdelay $0x4  }
0xab: {  	[tilespmem:s0+$0x3400] =	vst v0  }
0xac: {  	v0 =	vld [tilespmem:s2+$0x8300];
	_ =	sdelay $0x4  }
0xad: {  	[tilespmem:s0+$0x3800] =	vst v0  }
0xae: {  	v0 =	vld [tilespmem:s2+$0x8380];
	_ =	sdelay $0x2  }
0xaf: {  	s31 =	simm.s32 $0x80;
	s1 =	simm.s32 $0x10  }
0xb0: {  	s8 =	sand.u32 $0x1C00, s31;
	s7 =	sand.u32 $0x78, s1;
	s2 =	simm.s32 $0x100  }
.LBB2_4:
0xb1: {  	p0 =	sne.s32 s2, $0x1E80;
	s7 =	sor.u32 s7, s8;
	[tilespmem:s0+$0x3C00] =	vst v0  }
0xb2: {  	v0 =	vld [tilespmem:s7+$0x8000];
	_ =	sdelay $0x3  }
0xb3: {  	s0 =	sand.u32 $0x3F8, s1  }
0xb4: {  	[tilespmem:s0+$0x2000] =	vst v0  }
0xb5: {  	v0 =	vld [tilespmem:s7+$0x8080];
	_ =	sdelay $0x4  }
0xb6: {  	[tilespmem:s0+$0x2400] =	vst v0  }
0xb7: {  	v0 =	vld [tilespmem:s7+$0x8100];
	_ =	sdelay $0x4  }
0xb8: {  	[tilespmem:s0+$0x2800] =	vst v0  }
0xb9: {  	v0 =	vld [tilespmem:s7+$0x8180];
	_ =	sdelay $0x4  }
0xba: {  	[tilespmem:s0+$0x2C00] =	vst v0  }
0xbb: {  	v0 =	vld [tilespmem:s7+$0x8200];
	_ =	sdelay $0x4  }
0xbc: {  	[tilespmem:s0+$0x3000] =	vst v0  }
0xbd: {  	v0 =	vld [tilespmem:s7+$0x8280];
	_ =	sdelay $0x4  }
0xbe: {  	[tilespmem:s0+$0x3400] =	vst v0  }
0xbf: {  	v0 =	vld [tilespmem:s7+$0x8300];
	_ =	sdelay $0x4  }
0xc0: {  	[tilespmem:s0+$0x3800] =	vst v0  }
.Ltmp1:
0xc1: {  	v0 =	vld [tilespmem:s7+$0x8380];
	(pc) =	sbr.rel @p0 .LBB2_4-.Ltmp1, $3  }
0xc2: {  	_ =	sdelay $0x1  }
0xc3: {  	s1 =	sadd.s32 $0x10, s1  }
0xc4: {  	s8 =	sand.u32 $0x1C00, s2;
	s2 =	sadd.s32 $0x80, s2;
	s7 =	sand.u32 $0x78, s1  }
0xc5: {  	s2 =	sor.u32 s7, s8;
	[tilespmem:s0+$0x3C00] =	vst v0  }
0xc6: {  	v0 =	vld [tilespmem:s2+$0x8000];
	_ =	sdelay $0x3  }
0xc7: {  	s22 =	sand.u32 $0x3F8, s1  }
0xc8: {  	[tilespmem:s22+$0x2000] =	vst v0  }
0xc9: {  	v0 =	vld [tilespmem:s2+$0x8080];
	_ =	sdelay $0x4  }
0xca: {  	[tilespmem:s22+$0x2400] =	vst v0  }
0xcb: {  	v0 =	vld [tilespmem:s2+$0x8100];
	_ =	sdelay $0x4  }
0xcc: {  	[tilespmem:s22+$0x2800] =	vst v0  }
0xcd: {  	v0 =	vld [tilespmem:s2+$0x8180];
	_ =	sdelay $0x4  }
0xce: {  	[tilespmem:s22+$0x2C00] =	vst v0  }
0xcf: {  	v0 =	vld [tilespmem:s2+$0x8200];
	_ =	sdelay $0x4  }
0xd0: {  	[tilespmem:s22+$0x3000] =	vst v0  }
0xd1: {  	v0 =	vld [tilespmem:s2+$0x8280];
	_ =	sdelay $0x4  }
0xd2: {  	[tilespmem:s22+$0x3400] =	vst v0  }
0xd3: {  	v0 =	vld [tilespmem:s2+$0x8300];
	_ =	sdelay $0x4  }
0xd4: {  	[tilespmem:s22+$0x3800] =	vst v0  }
0xd5: {  	v0 =	vld [tilespmem:s2+$0x8380];
	_ =	sdelay $0x4  }
0xd6: {  	[tilespmem:s22+$0x3C00] =	vst v0  }
0xd7: {  	v0 =	vld [tilespmem:$0x9C58]  }
0xd8: {  	v1 =	vld [tilespmem:$0x9CD8]  }
0xd9: {  	v2 =	vld [tilespmem:$0x9D58]  }
0xda: {  	v3 =	vld [tilespmem:$0x9DD8]  }
0xdb: {  	v4 =	vld [tilespmem:$0x9E58]  }
0xdc: {  	[tilespmem:$0x23D8] =	vst v0;
	v0 =	vld [tilespmem:$0x9ED8]  }
0xdd: {  	[tilespmem:$0x27D8] =	vst v1;
	v1 =	vld [tilespmem:$0x9F58]  }
0xde: {  	[tilespmem:$0x2BD8] =	vst v2;
	v2 =	vld [tilespmem:$0x9FD8]  }
0xdf: {  	[tilespmem:$0x2FD8] =	vst v3  }
0xe0: {  	[tilespmem:$0x33D8] =	vst v4  }
0xe1: {  	[tilespmem:$0x37D8] =	vst v0  }
0xe2: {  	[tilespmem:$0x3BD8] =	vst v1  }
0xe3: {  	s23 =	simm.s32 $0x0;
	s25 =	rddreg [dreg:$0x8];
	[tilespmem:$0x3FD8] =	vst v2  }
0xe4: {  	[tilespmem:s10], [sflag:$0x5] =	stream.linear.gather [hbm4b:s25+s23], $0x2000, $0x38;
	[tilespmem:$0x1B480] =	vst v63  }
0xe5: {  	_ =	swait.ge [sflag:s12], $0x2000  }
0xe6: {  	s26 =	sand.u32 $0x78, s23;
	s29 =	sand.u32 $0x1C00, s23;
	[sflag:s12] =	ssyncset.done $0x0  }
0xe7: {  	s2 =	sor.u32 s26, s29;
	[sflag:s12] =	ssyncadd.s32 $0xFFFFE000  }
0xe8: {  	v0 =	vld [tilespmem:s2+$0x8000];
	_ =	sdelay $0x3  }
0xe9: {  	s0 =	sand.u32 $0x3F8, s23  }
0xea: {  	[tilespmem:s0+$0x4000] =	vst v0  }
0xeb: {  	v0 =	vld [tilespmem:s2+$0x8080];
	_ =	sdelay $0x4  }
0xec: {  	[tilespmem:s0+$0x4400] =	vst v0  }
0xed: {  	v0 =	vld [tilespmem:s2+$0x8100];
	_ =	sdelay $0x4  }
0xee: {  	[tilespmem:s0+$0x4800] =	vst v0  }
0xef: {  	v0 =	vld [tilespmem:s2+$0x8180];
	_ =	sdelay $0x4  }
0xf0: {  	[tilespmem:s0+$0x4C00] =	vst v0  }
0xf1: {  	v0 =	vld [tilespmem:s2+$0x8200];
	_ =	sdelay $0x4  }
0xf2: {  	[tilespmem:s0+$0x5000] =	vst v0  }
0xf3: {  	v0 =	vld [tilespmem:s2+$0x8280];
	_ =	sdelay $0x4  }
0xf4: {  	[tilespmem:s0+$0x5400] =	vst v0  }
0xf5: {  	v0 =	vld [tilespmem:s2+$0x8300];
	_ =	sdelay $0x4  }
0xf6: {  	[tilespmem:s0+$0x5800] =	vst v0  }
0xf7: {  	v0 =	vld [tilespmem:s2+$0x8380];
	_ =	sdelay $0x2  }
0xf8: {  	s31 =	simm.s32 $0x80;
	s1 =	simm.s32 $0x10  }
0xf9: {  	s7 =	sand.u32 $0x78, s1;
	s8 =	sand.u32 $0x1C00, s31;
	s2 =	simm.s32 $0x100  }
.LBB2_6:
0xfa: {  	p0 =	sne.s32 s2, $0x1E80;
	s7 =	sor.u32 s7, s8;
	[tilespmem:s0+$0x5C00] =	vst v0  }
0xfb: {  	v0 =	vld [tilespmem:s7+$0x8000];
	_ =	sdelay $0x3  }
0xfc: {  	s0 =	sand.u32 $0x3F8, s1  }
0xfd: {  	[tilespmem:s0+$0x4000] =	vst v0  }
0xfe: {  	v0 =	vld [tilespmem:s7+$0x8080];
	_ =	sdelay $0x4  }
0xff: {  	[tilespmem:s0+$0x4400] =	vst v0  }
0x100: {  	v0 =	vld [tilespmem:s7+$0x8100];
	_ =	sdelay $0x4  }
0x101: {  	[tilespmem:s0+$0x4800] =	vst v0  }
0x102: {  	v0 =	vld [tilespmem:s7+$0x8180];
	_ =	sdelay $0x4  }
0x103: {  	[tilespmem:s0+$0x4C00] =	vst v0  }
0x104: {  	v0 =	vld [tilespmem:s7+$0x8200];
	_ =	sdelay $0x4  }
0x105: {  	[tilespmem:s0+$0x5000] =	vst v0  }
0x106: {  	v0 =	vld [tilespmem:s7+$0x8280];
	_ =	sdelay $0x4  }
0x107: {  	[tilespmem:s0+$0x5400] =	vst v0  }
0x108: {  	v0 =	vld [tilespmem:s7+$0x8300];
	_ =	sdelay $0x4  }
0x109: {  	[tilespmem:s0+$0x5800] =	vst v0  }
.Ltmp2:
0x10a: {  	v0 =	vld [tilespmem:s7+$0x8380];
	(pc) =	sbr.rel @p0 .LBB2_6-.Ltmp2, $3  }
0x10b: {  	_ =	sdelay $0x1  }
0x10c: {  	s1 =	sadd.s32 $0x10, s1  }
0x10d: {  	s8 =	sand.u32 $0x1C00, s2;
	s2 =	sadd.s32 $0x80, s2;
	s7 =	sand.u32 $0x78, s1  }
0x10e: {  	s2 =	sor.u32 s7, s8;
	[tilespmem:s0+$0x5C00] =	vst v0  }
0x10f: {  	v0 =	vld [tilespmem:s2+$0x8000];
	_ =	sdelay $0x3  }
0x110: {  	s22 =	sand.u32 $0x3F8, s1  }
0x111: {  	[tilespmem:s22+$0x4000] =	vst v0  }
0x112: {  	v0 =	vld [tilespmem:s2+$0x8080];
	_ =	sdelay $0x4  }
0x113: {  	[tilespmem:s22+$0x4400] =	vst v0  }
0x114: {  	v0 =	vld [tilespmem:s2+$0x8100];
	_ =	sdelay $0x4  }
0x115: {  	[tilespmem:s22+$0x4800] =	vst v0  }
0x116: {  	v0 =	vld [tilespmem:s2+$0x8180];
	_ =	sdelay $0x4  }
0x117: {  	[tilespmem:s22+$0x4C00] =	vst v0  }
0x118: {  	v0 =	vld [tilespmem:s2+$0x8200];
	_ =	sdelay $0x4  }
0x119: {  	[tilespmem:s22+$0x5000] =	vst v0  }
0x11a: {  	v0 =	vld [tilespmem:s2+$0x8280];
	_ =	sdelay $0x4  }
0x11b: {  	[tilespmem:s22+$0x5400] =	vst v0  }
0x11c: {  	v0 =	vld [tilespmem:s2+$0x8300];
	_ =	sdelay $0x4  }
0x11d: {  	[tilespmem:s22+$0x5800] =	vst v0  }
0x11e: {  	v0 =	vld [tilespmem:s2+$0x8380];
	_ =	sdelay $0x4  }
0x11f: {  	[tilespmem:s22+$0x5C00] =	vst v0  }
0x120: {  	v0 =	vld [tilespmem:$0x9C58]  }
0x121: {  	v1 =	vld [tilespmem:$0x9CD8]  }
0x122: {  	v2 =	vld [tilespmem:$0x9D58]  }
0x123: {  	v3 =	vld [tilespmem:$0x9DD8]  }
0x124: {  	v4 =	vld [tilespmem:$0x9E58]  }
0x125: {  	[tilespmem:$0x43D8] =	vst v0;
	v0 =	vld [tilespmem:$0x9ED8]  }
0x126: {  	[tilespmem:$0x47D8] =	vst v1;
	v1 =	vld [tilespmem:$0x9F58]  }
0x127: {  	[tilespmem:$0x4BD8] =	vst v2;
	v2 =	vld [tilespmem:$0x9FD8]  }
0x128: {  	[tilespmem:$0x4FD8] =	vst v3  }
0x129: {  	[tilespmem:$0x53D8] =	vst v4  }
0x12a: {  	[tilespmem:$0x57D8] =	vst v0  }
0x12b: {  	[tilespmem:$0x5BD8] =	vst v1  }
0x12c: {  	s23 =	simm.s32 $0x0;
	s25 =	rddreg [dreg:$0x9];
	[tilespmem:$0x5FD8] =	vst v2  }
0x12d: {  	[tilespmem:s10], [sflag:$0x5] =	stream.linear.gather [hbm4b:s25+s23], $0x2000, $0x38;
	[tilespmem:$0x1B480] =	vst v63  }
0x12e: {  	_ =	swait.ge [sflag:s12], $0x2000  }
0x12f: {  	s26 =	sand.u32 $0x78, s23;
	s29 =	sand.u32 $0x1C00, s23;
	[sflag:s12] =	ssyncset.done $0x0  }
0x130: {  	s2 =	sor.u32 s26, s29;
	[sflag:s12] =	ssyncadd.s32 $0xFFFFE000  }
0x131: {  	v0 =	vld [tilespmem:s2+$0x8000];
	_ =	sdelay $0x3  }
0x132: {  	s0 =	sand.u32 $0x3F8, s23  }
0x133: {  	[tilespmem:s0+$0x6000] =	vst v0  }
0x134: {  	v0 =	vld [tilespmem:s2+$0x8080];
	_ =	sdelay $0x4  }
0x135: {  	[tilespmem:s0+$0x6400] =	vst v0  }
0x136: {  	v0 =	vld [tilespmem:s2+$0x8100];
	_ =	sdelay $0x4  }
0x137: {  	[tilespmem:s0+$0x6800] =	vst v0  }
0x138: {  	v0 =	vld [tilespmem:s2+$0x8180];
	_ =	sdelay $0x4  }
0x139: {  	[tilespmem:s0+$0x6C00] =	vst v0  }
0x13a: {  	v0 =	vld [tilespmem:s2+$0x8200];
	_ =	sdelay $0x4  }
0x13b: {  	[tilespmem:s0+$0x7000] =	vst v0  }
0x13c: {  	v0 =	vld [tilespmem:s2+$0x8280];
	_ =	sdelay $0x4  }
0x13d: {  	[tilespmem:s0+$0x7400] =	vst v0  }
0x13e: {  	v0 =	vld [tilespmem:s2+$0x8300];
	_ =	sdelay $0x4  }
0x13f: {  	[tilespmem:s0+$0x7800] =	vst v0  }
0x140: {  	v0 =	vld [tilespmem:s2+$0x8380];
	_ =	sdelay $0x2  }
0x141: {  	s31 =	simm.s32 $0x80;
	s1 =	simm.s32 $0x10  }
0x142: {  	s7 =	sand.u32 $0x78, s1;
	s8 =	sand.u32 $0x1C00, s31;
	s2 =	simm.s32 $0x100  }
.LBB2_8:
0x143: {  	p0 =	sne.s32 s2, $0x1E80;
	s7 =	sor.u32 s7, s8;
	[tilespmem:s0+$0x7C00] =	vst v0  }
0x144: {  	v0 =	vld [tilespmem:s7+$0x8000];
	_ =	sdelay $0x3  }
0x145: {  	s0 =	sand.u32 $0x3F8, s1  }
0x146: {  	[tilespmem:s0+$0x6000] =	vst v0  }
0x147: {  	v0 =	vld [tilespmem:s7+$0x8080];
	_ =	sdelay $0x4  }
0x148: {  	[tilespmem:s0+$0x6400] =	vst v0  }
0x149: {  	v0 =	vld [tilespmem:s7+$0x8100];
	_ =	sdelay $0x4  }
0x14a: {  	[tilespmem:s0+$0x6800] =	vst v0  }
0x14b: {  	v0 =	vld [tilespmem:s7+$0x8180];
	_ =	sdelay $0x4  }
0x14c: {  	[tilespmem:s0+$0x6C00] =	vst v0  }
0x14d: {  	v0 =	vld [tilespmem:s7+$0x8200];
	_ =	sdelay $0x4  }
0x14e: {  	[tilespmem:s0+$0x7000] =	vst v0  }
0x14f: {  	v0 =	vld [tilespmem:s7+$0x8280];
	_ =	sdelay $0x4  }
0x150: {  	[tilespmem:s0+$0x7400] =	vst v0  }
0x151: {  	v0 =	vld [tilespmem:s7+$0x8300];
	_ =	sdelay $0x4  }
0x152: {  	[tilespmem:s0+$0x7800] =	vst v0  }
.Ltmp3:
0x153: {  	v0 =	vld [tilespmem:s7+$0x8380];
	(pc) =	sbr.rel @p0 .LBB2_8-.Ltmp3, $3  }
0x154: {  	_ =	sdelay $0x1  }
0x155: {  	s1 =	sadd.s32 $0x10, s1  }
0x156: {  	s8 =	sand.u32 $0x1C00, s2;
	s2 =	sadd.s32 $0x80, s2;
	s7 =	sand.u32 $0x78, s1  }
0x157: {  	s2 =	sor.u32 s7, s8;
	[tilespmem:s0+$0x7C00] =	vst v0  }
0x158: {  	v0 =	vld [tilespmem:s2+$0x8000];
	_ =	sdelay $0x3  }
0x159: {  	s16 =	sand.u32 $0x3F8, s1  }
0x15a: {  	[tilespmem:s16+$0x6000] =	vst v0  }
0x15b: {  	v0 =	vld [tilespmem:s2+$0x8080];
	_ =	sdelay $0x4  }
0x15c: {  	[tilespmem:s16+$0x6400] =	vst v0  }
0x15d: {  	v0 =	vld [tilespmem:s2+$0x8100];
	_ =	sdelay $0x4  }
0x15e: {  	[tilespmem:s16+$0x6800] =	vst v0  }
0x15f: {  	v0 =	vld [tilespmem:s2+$0x8180];
	_ =	sdelay $0x4  }
0x160: {  	[tilespmem:s16+$0x6C00] =	vst v0  }
0x161: {  	v0 =	vld [tilespmem:s2+$0x8200];
	_ =	sdelay $0x4  }
0x162: {  	[tilespmem:s16+$0x7000] =	vst v0  }
0x163: {  	v0 =	vld [tilespmem:s2+$0x8280];
	_ =	sdelay $0x4  }
0x164: {  	[tilespmem:s16+$0x7400] =	vst v0  }
0x165: {  	v0 =	vld [tilespmem:s2+$0x8300];
	_ =	sdelay $0x4  }
0x166: {  	[tilespmem:s16+$0x7800] =	vst v0  }
0x167: {  	v0 =	vld [tilespmem:s2+$0x8380];
	_ =	sdelay $0x4  }
0x168: {  	[tilespmem:s16+$0x7C00] =	vst v0  }
0x169: {  	v0 =	vld [tilespmem:$0x9C58]  }
0x16a: {  	v1 =	vld [tilespmem:$0x9CD8]  }
0x16b: {  	v2 =	vld [tilespmem:$0x9D58]  }
0x16c: {  	v3 =	vld [tilespmem:$0x9DD8]  }
0x16d: {  	v4 =	vld [tilespmem:$0x9E58]  }
0x16e: {  	v58 =	vld [tilespmem:$0x9ED8];
	[tilespmem:$0x63D8] =	vst v0  }
0x16f: {  	v59 =	vld [tilespmem:$0x9F58];
	[tilespmem:$0x67D8] =	vst v1  }
0x170: {  	v60 =	vld [tilespmem:$0x9FD8];
	[tilespmem:$0x6BD8] =	vst v2  }
0x171: {  	[tilespmem:$0x6FD8] =	vst v3  }
0x172: {  	[tilespmem:$0x73D8] =	vst v4  }
0x173: {  	[tilespmem:$0x77D8] =	vst v58  }
0x174: {  	[tilespmem:$0x7BD8] =	vst v59  }
0x175: {  	s18 =	rddreg [dreg:$0x5];
	[tilespmem:$0x7FD8] =	vst v60  }
0x176: {  	[tilespmem:s24], [sflag:$0x5] =	stream.linear.gather [hbm4b:s18+s28], $0x400, $0x38;
	[tilespmem:$0x1B480] =	vst v63  }
0x177: {  	_ =	swait.ge [sflag:s12], $0x400  }
0x178: {  	[sflag:s12] =	ssyncset.done $0x0  }
0x179: {  	v61 =	vimm.f32 $0.0e+00;
	s23 =	simm.s32 $0x80;
	[sflag:s12] =	ssyncadd.s32 $0xFFFFFC00  }
0x17a: {  	s25 =	simm.s32 $0x400;
	s26 =	simm.s32 $0xA000;
	[tilespmem:$0x1B400] =	vst v61;
	s22 =	rddreg [dreg:$0x0]  }
0x17b: {  	[tilespmem:s26], [sflag:$0x1] =	stream.strided.gather [hbm4b:s22+s23], $0x400, s25, s23, $0x38;
	[tilespmem:$0x1B480] =	vst v63  }
0x17c: {  	s31 =	simm.s32 $0xA800;
	s7 =	simm.s32 $0x0;
	s29 =	rddreg [dreg:$0x1]  }
0x17d: {  	[tilespmem:s31], [sflag:$0x1] =	stream.strided.gather [hbm4b:s29+s23], $0x400, s25, s23, $0x38;
	[tilespmem:$0x1B480] =	vst v63  }
.LBB2_10:
0x17e: {  	p0 =	seq.s32 s7, $0x0  }
0x17f: {  	p1 =	sge.u32 @!p0 s6, s17  }
0x180: {  	p4 =	por p1, p0  }
0x181: {  	s0 =	simm.s32 @!p4 $0x3  }
0x182: {  	_ =	swait.ge @!p4 [sflag:s0], $0x2000  }
0x183: {  	s1 =	rddreg [dreg:$0xa]  }
0x184: {  	p1 =	sge.u32 @!p0 s1, s17  }
0x185: {  	[sflag:s0] =	ssyncset.done @!p4 $0x0;
	p5 =	por p1, p0  }
0x186: {  	[sflag:s0] =	ssyncadd.s32 @!p4 $0xFFFFE000;
	s0 =	simm.s32 @!p5 $0x3  }
0x187: {  	p1 =	sge.u32 @!p0 s13, s17;
	_ =	swait.ge @!p5 [sflag:s0], $0x2000  }
0x188: {  	p6 =	por p1, p0;
	[sflag:s0] =	ssyncset.done @!p5 $0x0  }
0x189: {  	[sflag:s0] =	ssyncadd.s32 @!p5 $0xFFFFE000;
	s0 =	simm.s32 @!p6 $0x3  }
0x18a: {  	_ =	swait.ge @!p6 [sflag:s0], $0x2000  }
0x18b: {  	s1 =	rddreg [dreg:$0xb]  }
0x18c: {  	p1 =	sge.u32 @!p0 s1, s17  }
0x18d: {  	[sflag:s0] =	ssyncset.done @!p6 $0x0;
	p0 =	por p1, p0  }
0x18e: {  	[sflag:s0] =	ssyncadd.s32 @!p6 $0xFFFFE000;
	s0 =	simm.s32 @!p0 $0x3  }
0x18f: {  	_ =	swait.ge @!p0 [sflag:s0], $0x2000  }
0x190: {  	[sflag:s0] =	ssyncset.done @!p0 $0x0  }
0x191: {  	[sflag:s0] =	ssyncadd.s32 @!p0 $0xFFFFE000  }
0x192: {  	_ =	swait.ge [sflag:s30], $0x400  }
0x193: {  	[sflag:s30] =	ssyncset.done $0x0  }
0x194: {  	s9 =	sshll.u32 s7, $0x1;
	[sflag:s30] =	ssyncadd.s32 $0xFFFFFC00  }
0x195: {  	s11 =	sshll.u32 s7, $0x8;
	s8 =	sor.u32 $0x1, s9;
	_ =	swait.ge [sflag:s30], $0x400  }
0x196: {  	s2 =	simm.s32 $0x80;
	s12 =	sshll.u32 s8, $0x4;
	[sflag:s30] =	ssyncset.done $0x0  }
0x197: {  	s1 =	sand.u32 $0x70, s12;
	s0 =	sand.u32 $0x1C00, s11;
	[sflag:s30] =	ssyncadd.s32 $0xFFFFFC00  }
0x198: {  	s10 =	simm.s32 $0x400;
	s0 =	sor.u32 s0, s1;
	s14 =	rddreg [dreg:$0x0]  }
0x199: {  	s11 =	simm.s32 $0xA400;
	s15 =	rddreg [dreg:$0x1];
	s1 =	sadd.s32 s14, s0  }
0x19a: {  	[tilespmem:s11], [sflag:$0x2] =	stream.strided.gather [hbm4b:s1+s2], $0x400, s10, s2, $0x38;
	[tilespmem:$0x1B480] =	vst v63  }
0x19b: {  	s16 =	simm.s32 $0xAC00;
	s18 =	simm.s32 $0xA000;
	s0 =	sadd.s32 s15, s0  }
0x19c: {  	[tilespmem:s16], [sflag:$0x2] =	stream.strided.gather [hbm4b:s0+s2], $0x400, s10, s2, $0x38;
	[tilespmem:$0x1B480] =	vst v63  }
0x19d: {  	v0 =	vld [tilespmem:s18+$0x0];
	_ =	sdelay $0x3  }
0x19e: {  	s23 =	simm.s32 $0xA010  }
0x19f: {  	v7 =	vld [tilespmem:s23+$0x0];
	v1 =	vadd.s32 v24, v0  }
0x1a0: {  	s22 =	simm.s32 $0xA800;
	v2 =	vadd.s32 v23, v0  }
0x1a1: {  	s25 =	simm.s32 $0xA810;
	v4 =	vld [tilespmem:s22+$0x0];
	v3 =	vadd.s32 v22, v0  }
0x1a2: {  	s11 =	simm.s32 $0xA020;
	v9 =	vld [tilespmem:s25+$0x0];
	v5 =	vadd.s32 v20, v0  }
0x1a3: {  	v39 =	vld [tilespmem:s11+$0x0];
	v6 =	vadd.s32 v19, v0  }
0x1a4: {  	v8 =	vadd.s32 v23, v7;
	v41 =	vld.idx.msk [tilespmem:v1+s5+$0x0], $0xffff  }
0x1a5: {  	v10 =	vadd.s32 v53, v0;
	v40 =	vld.idx.msk [tilespmem:v2+s5+$0x0], $0xffff  }
0x1a6: {  	v35 =	vadd.s32 v15, v0;
	v42 =	vld.idx.msk [tilespmem:v3+s5+$0x0], $0xffff  }
0x1a7: {  	v45 =	vadd.s32 v19, v7;
	v43 =	vld.idx.msk [tilespmem:v5+s5+$0x0], $0xffff  }
0x1a8: {  	v49 =	vadd.s32 v17, v7;
	v46 =	vld.idx.msk [tilespmem:v6+s5+$0x0], $0xffff  }
0x1a9: {  	v1 =	vadd.s32 v21, v0;
	v36 =	vld.idx.msk [tilespmem:v8+s5+$0x0], $0xffff  }
0x1aa: {  	v3 =	vsub.s32 v4, v25;
	v5 =	vadd.s32 v18, v0;
	v8 =	vld.idx.msk [tilespmem:v10+s5+$0x0], $0xffff  }
0x1ab: {  	v2 =	vadd.s32 v17, v0;
	v50 =	vld.idx.msk [tilespmem:v35+s5+$0x0], $0xffff;
	vm0 =	vgt.s32 v3, $0x0  }
0x1ac: {  	v6 =	vadd.s32 v24, v7;
	v35 =	vld.idx.msk [tilespmem:v45+s5+$0x0], $0xffff;
	v3 =	vnsel vm0, $0x0, v3  }
0x1ad: {  	v10 =	vadd.s32 v13, v0;
	v49 =	vld.idx.msk [tilespmem:v49+s5+$0x0], $0xffff;
	v3 =	vmin.u32 v3, $0x1F  }
0x1ae: {  	v47 =	vld.idx.msk [tilespmem:v1+s5+$0x0], $0xffff;
	v1 =	vshll.u32 v3, $0xA;
	v3 =	vadd.s32 v62, v0  }
0x1af: {  	v55 =	vld.idx.msk [tilespmem:v5+s5+$0x0], $0xffff;
	v5 =	vadd.s32 v12, v0  }
0x1b0: {  	v11 =	vld.idx.msk [tilespmem:v2+s5+$0x0], $0xffff;
	v2 =	vadd.s32 v63, v0  }
0x1b1: {  	v37 =	vld.idx.msk [tilespmem:v6+s5+$0x0], $0xffff;
	v6 =	vadd.s32 v14, v0  }
0x1b2: {  	v10 =	vld.idx.msk [tilespmem:v10+s5+$0x0], $0xffff;
	v1 =	vadd.s32 v0, v1  }
0x1b3: {  	v0 =	vadd.s32 v16, v0;
	v3 =	vld.idx.msk [tilespmem:v3+s5+$0x0], $0xffff  }
0x1b4: {  	v51 =	vld.idx.msk [tilespmem:v5+s5+$0x0], $0xffff;
	v5 =	vadd.s32 v20, v7  }
0x1b5: {  	v45 =	vadd.s32 v24, v39;
	v2 =	vld.idx.msk [tilespmem:v2+s5+$0x0], $0xffff  }
0x1b6: {  	v52 =	vadd.s32 v18, v7;
	v6 =	vld.idx.msk [tilespmem:v6+s5+$0x0], $0xffff  }
0x1b7: {  	s26 =	sand.u32 $0x1C00, s28;
	s29 =	sand.u32 $0x70, s28;
	v44 =	vld.idx.msk [tilespmem:v1+s5+$0x0], $0xffff;
	v1 =	vadd.s32 v22, v7  }
0x1b8: {  	s18 =	sor.u32 s29, s26;
	v54 =	vld.idx.msk [tilespmem:v0+s5+$0x0], $0xffff  }
0x1b9: {  	v60 =	vadd.s32 v63, v7;
	[tilespmem:s18+$0xB580] =	vst v50;
	v48 =	vld.idx.msk [tilespmem:v5+s5+$0x0], $0xffff;
	v5 =	vsub.s32 v9, v25  }
0x1ba: {  	v56 =	vadd.s32 v23, v39;
	v57 =	vadd.s32 v62, v7;
	v45 =	vld.idx.msk [tilespmem:v45+s5+$0x0], $0xffff;
	[tilespmem:s18+$0xB480] =	vst v10;
	vm0 =	vgt.s32 v5, $0x0  }
0x1bb: {  	vm1 =	vlt.s32 v4, v34;
	v50 =	vld.idx.msk [tilespmem:v52+s5+$0x0], $0xffff;
	[tilespmem:s18+$0xB680] =	vst v3;
	v3 =	vadd.s32 v53, v7;
	v0 =	vnsel vm0, $0x0, v5  }
0x1bc: {  	s0 =	simm.s32 $0xA820;
	vm2 =	vlt.s32 v9, v34;
	[tilespmem:s18+$0xB700] =	vst v2;
	v38 =	vld.idx.msk [tilespmem:v1+s5+$0x0], $0xffff;
	v1 =	vadd.s32 v21, v7;
	v0 =	vmin.u32 v0, $0x1F  }
0x1bd: {  	v26 =	vmovc v18;
	v18 =	vmovc v17;
	v17 =	vmov v53;
	[tilespmem:s18+$0xB500] =	vst v6;
	v53 =	vadd.s32 v12, v7;
	v5 =	vld [tilespmem:s0+$0x0];
	v0 =	vshll.u32 v0, $0xA  }
0x1be: {  	v58 =	vimm.f32 $0.0e+00;
	s31 =	sor.u32 s28, s28;
	[tilespmem:s18+$0xB600] =	vst v54;
	v54 =	vld.idx.msk [tilespmem:v60+s5+$0x0], $0xffff;
	vm0 =	vge.s32 v4, v33;
	v59 =	vadd.s32 v7, v0  }
0x1bf: {  	s14 =	sor.u32 $0x380, s31;
	v2 =	vadd.s32 v15, v7;
	[tilespmem:s18+$0xB400] =	vst v51;
	v4 =	vadd.s32 v13, v7;
	vm0 =	vmand vm0, vm1;
	v0 =	vld.idx.msk [tilespmem:v56+s5+$0x0], $0xffff  }
0x1c0: {  	[tilespmem:s14+$0xB400] =	vst v8;
	v8 =	vadd.s32 v14, v7;
	vm1 =	vge.s32 v9, v33;
	vm0 =	vmmov vm0;
	v52 =	vld.idx.msk [tilespmem:v3+s5+$0x0], $0xffff  }
0x1c1: {  	[tilespmem:s18+$0xF400] =	vst v11;
	v6 =	vnsel vm0, $0x0, v44;
	vm0 =	vmand vm1, vm2;
	v3 =	vadd.s32 v16, v7;
	v1 =	vld.idx.msk [tilespmem:v1+s5+$0x0], $0xffff  }
0x1c2: {  	s2 =	simm.s32 $0x10;
	s10 =	simm.s32 $0x20;
	s16 =	simm.s32 $0x80;
	v44 =	vadd.f32 v6, v58;
	v6 =	vld.idx.msk [tilespmem:v57+s5+$0x0], $0xffff;
	vm1 =	vge.s32 v5, v33;
	vm2 =	vlt.s32 v5, v34  }
0x1c3: {  	s22 =	simm.s32 $0x30;
	s12 =	sand.u32 $0x1C00, s16;
	s1 =	sor.u32 s16, s2;
	[tilespmem:s18+$0xF480] =	vst v55;
	v7 =	vadd.s32 v22, v39;
	vm0 =	vmmov vm0;
	vm1 =	vmand vm1, vm2;
	v51 =	vld.idx.msk [tilespmem:v59+s5+$0x0], $0xffff  }
.LBB2_11:
0x1c4: {  	p1 =	sne.s32 s22, $0x3F0  }
0x1c5: {  	s11 =	sadd.s32 $0x10, s11;
	v9 =	vld.idx.msk [tilespmem:v53+s5+$0x0], $0xffff;
	s16 =	sadd.s32 $0x80, s16;
	[tilespmem:s18+$0xF500] =	vst v46;
	v46 =	vmov v35;
	s29 =	smov.u32 s22  }
0x1c6: {  	s22 =	sadd.s32 $0x10, s22;
	v11 =	vadd.s32 v20, v39;
	v10 =	vld [tilespmem:s11+$0x0];
	s31 =	sand.u32 $0x1C00, s16;
	s23 =	sor.u32 s16, s10;
	[tilespmem:s18+$0xF580] =	vst v43;
	v43 =	vmov v48  }
0x1c7: {  	v35 =	vadd.s32 v19, v39;
	v5 =	vsub.s32 v5, v25;
	v8 =	vld.idx.msk [tilespmem:v8+s5+$0x0], $0xffff;
	[tilespmem:s18+$0xF600] =	vst v47;
	v47 =	vmov v1  }
0x1c8: {  	vm2 =	vgt.s32 v5, $0x0;
	v56 =	vmov v52;
	v55 =	vld.idx.msk [tilespmem:v4+s5+$0x0], $0xffff;
	[tilespmem:s18+$0xF680] =	vst v42;
	v42 =	vmov v38  }
0x1c9: {  	v1 =	vnsel vm2, $0x0, v5;
	v38 =	vld.idx.msk [tilespmem:v7+s5+$0x0], $0xffff;
	[tilespmem:s18+$0xF700] =	vst v40;
	v40 =	vmov v36;
	v36 =	vmov v0  }
0x1ca: {  	v53 =	vadd.s32 v12, v39;
	v4 =	vadd.s32 v13, v39;
	v0 =	vadd.s32 v21, v39;
	v7 =	vld.idx.msk [tilespmem:v2+s5+$0x0], $0xffff  }
0x1cb: {  	v52 =	vadd.s32 v18, v39;
	v1 =	vmin.u32 v1, $0x1F;
	v2 =	vadd.s32 v15, v39;
	v48 =	vld.idx.msk [tilespmem:v11+s5+$0x0], $0xffff;
	[tilespmem:s14+$0xF400] =	vst v41  }
0x1cc: {  	v57 =	vadd.s32 v26, v39;
	v1 =	vshll.u32 v1, $0xA;
	v11 =	vadd.s32 v63, v39;
	s14 =	sand.u32 $0x70, s2;
	v41 =	vmovc v37;
	s2 =	smov.u32 s10;
	s10 =	smov.u32 s29;
	v35 =	vld.idx.msk [tilespmem:v35+s5+$0x0], $0xffff  }
0x1cd: {  	s0 =	sadd.s32 $0x10, s0;
	v60 =	vadd.s32 v39, v1;
	v58 =	vadd.s32 v23, v10;
	v59 =	vadd.s32 v24, v10;
	s18 =	sor.u32 s14, s12;
	s12 =	smov.u32 s31;
	v61 =	vld.idx.msk [tilespmem:v3+s5+$0x0], $0xffff  }
0x1ce: {  	v37 =	vmovc v45;
	v3 =	vadd.s32 v16, v39;
	v5 =	vld [tilespmem:s0+$0x0];
	[tilespmem:s18+$0xB680] =	vst v6;
	v6 =	vnsel vm0, $0x0, v51;
	vm0 =	vmmov vm1  }
0x1cf: {  	v51 =	vadd.s32 v17, v39;
	v1 =	vld.idx.msk [tilespmem:v0+s5+$0x0], $0xffff;
	[tilespmem:s18+$0xB700] =	vst v54;
	v44 =	vadd.f32 v6, v44  }
0x1d0: {  	v6 =	vadd.s32 v62, v39;
	v54 =	vld.idx.msk [tilespmem:v52+s5+$0x0], $0xffff;
	[tilespmem:s18+$0xB580] =	vst v7  }
0x1d1: {  	v57 =	vld.idx.msk [tilespmem:v57+s5+$0x0], $0xffff;
	[tilespmem:s18+$0xB500] =	vst v8  }
0x1d2: {  	v45 =	vld.idx.msk [tilespmem:v59+s5+$0x0], $0xffff;
	[tilespmem:s18+$0xB480] =	vst v55  }
.Ltmp4:
0x1d3: {  	v0 =	vld.idx.msk [tilespmem:v58+s5+$0x0], $0xffff;
	vm1 =	vge.s32 v5, v33;
	vm2 =	vlt.s32 v5, v34;
	[tilespmem:s18+$0xB600] =	vst v61;
	(pc) =	sbr.rel @p1 .LBB2_11-.Ltmp4, $4  }
0x1d4: {  	s14 =	sor.u32 $0x380, s1;
	s1 =	smov.u32 s23;
	vm1 =	vmand vm1, vm2;
	v52 =	vld.idx.msk [tilespmem:v51+s5+$0x0], $0xffff;
	[tilespmem:s18+$0xB400] =	vst v9  }
0x1d5: {  	v8 =	vadd.s32 v14, v39;
	v39 =	vmov v10;
	v6 =	vld.idx.msk [tilespmem:v6+s5+$0x0], $0xffff;
	[tilespmem:s14+$0xB400] =	vst v56  }
0x1d6: {  	v51 =	vld.idx.msk [tilespmem:v60+s5+$0x0], $0xffff;
	[tilespmem:s18+$0xF400] =	vst v49;
	v49 =	vmov v54  }
0x1d7: {  	v7 =	vadd.s32 v22, v39;
	v54 =	vld.idx.msk [tilespmem:v11+s5+$0x0], $0xffff;
	[tilespmem:s18+$0xF480] =	vst v50;
	v50 =	vmov v57  }
0x1d8: {  	_ =	sdelay $0x1  }
0x1d9: {  	[tilespmem:s18+$0xF500] =	vst v46  }
0x1da: {  	[tilespmem:s18+$0xF580] =	vst v43  }
0x1db: {  	v9 =	vld.idx.msk [tilespmem:v53+s5+$0x0], $0xffff;
	[tilespmem:s18+$0xF600] =	vst v47  }
0x1dc: {  	[tilespmem:s18+$0xF680] =	vst v42;
	v2 =	vld.idx.msk [tilespmem:v2+s5+$0x0], $0xffff  }
0x1dd: {  	v8 =	vld.idx.msk [tilespmem:v8+s5+$0x0], $0xffff;
	v10 =	vadd.s32 v20, v39;
	[tilespmem:s18+$0xF700] =	vst v40;
	s0 =	sand.u32 $0x70, s2  }
0x1de: {  	v11 =	vadd.s32 v19, v39;
	v4 =	vld.idx.msk [tilespmem:v4+s5+$0x0], $0xffff;
	[tilespmem:s14+$0xF400] =	vst v41;
	s0 =	sor.u32 s0, s12  }
0x1df: {  	v59 =	vadd.s32 v21, v39;
	v3 =	vld.idx.msk [tilespmem:v3+s5+$0x0], $0xffff;
	[tilespmem:s0+$0xB680] =	vst v6  }
0x1e0: {  	v60 =	vadd.s32 v18, v39;
	[tilespmem:s0+$0xB700] =	vst v54  }
0x1e1: {  	v5 =	vsub.s32 v5, v25;
	v61 =	vadd.s32 v17, v39;
	v6 =	vld.idx.msk [tilespmem:v7+s5+$0x0], $0xffff;
	[tilespmem:s0+$0xB580] =	vst v2  }
0x1e2: {  	v46 =	vadd.s32 v14, v39;
	vm2 =	vgt.s32 v5, $0x0;
	v10 =	vld.idx.msk [tilespmem:v10+s5+$0x0], $0xffff;
	[tilespmem:s0+$0xB500] =	vst v8  }
0x1e3: {  	v5 =	vnsel vm2, $0x0, v5;
	v7 =	vadd.s32 v26, v39;
	v2 =	vld.idx.msk [tilespmem:v11+s5+$0x0], $0xffff;
	[tilespmem:s0+$0xB480] =	vst v4  }
0x1e4: {  	v47 =	vadd.s32 v15, v39;
	v5 =	vmin.u32 v5, $0x1F;
	v8 =	vld.idx.msk [tilespmem:v59+s5+$0x0], $0xffff;
	[tilespmem:s0+$0xB600] =	vst v3  }
0x1e5: {  	s1 =	sor.u32 $0x380, s1;
	v5 =	vshll.u32 v5, $0xA;
	v11 =	vadd.s32 v62, v39;
	v4 =	vadd.s32 v63, v39;
	v63 =	vld.idx.msk [tilespmem:v60+s5+$0x0], $0xffff;
	[tilespmem:s0+$0xB400] =	vst v9  }
0x1e6: {  	v5 =	vadd.s32 v39, v5;
	v9 =	vld.idx.msk [tilespmem:v61+s5+$0x0], $0xffff;
	[tilespmem:s1+$0xB400] =	vst v52  }
0x1e7: {  	v52 =	vld.idx.msk [tilespmem:v46+s5+$0x0], $0xffff;
	[tilespmem:s0+$0xF400] =	vst v49  }
0x1e8: {  	v3 =	vadd.s32 v12, v39;
	v7 =	vld.idx.msk [tilespmem:v7+s5+$0x0], $0xffff;
	[tilespmem:s0+$0xF480] =	vst v50  }
0x1e9: {  	v49 =	vadd.s32 v13, v39;
	[tilespmem:s0+$0xF600] =	vst v1;
	v1 =	vld.idx.msk [tilespmem:v47+s5+$0x0], $0xffff  }
0x1ea: {  	v50 =	vadd.s32 v16, v39;
	[tilespmem:s0+$0xF500] =	vst v35;
	v11 =	vld.idx.msk [tilespmem:v11+s5+$0x0], $0xffff  }
0x1eb: {  	[tilespmem:s0+$0xF580] =	vst v48;
	v5 =	vld.idx.msk [tilespmem:v5+s5+$0x0], $0xffff  }
0x1ec: {  	s23 =	sadd.s32 $0x80, s16;
	[tilespmem:s0+$0xF680] =	vst v38;
	v4 =	vld.idx.msk [tilespmem:v4+s5+$0x0], $0xffff  }
0x1ed: {  	s25 =	sand.u32 $0x70, s10;
	s11 =	sand.u32 $0x1C00, s23;
	[tilespmem:s0+$0xF700] =	vst v36;
	v3 =	vld.idx.msk [tilespmem:v3+s5+$0x0], $0xffff  }
0x1ee: {  	s0 =	sor.u32 s25, s11;
	[tilespmem:s1+$0xF400] =	vst v37;
	v53 =	vld.idx.msk [tilespmem:v49+s5+$0x0], $0xffff  }
0x1ef: {  	v54 =	vld.idx.msk [tilespmem:v50+s5+$0x0], $0xffff;
	[tilespmem:s0+$0xB580] =	vst v1  }
0x1f0: {  	[tilespmem:s0+$0xB500] =	vst v52  }
0x1f1: {  	[tilespmem:s0+$0xB680] =	vst v11  }
0x1f2: {  	[tilespmem:s0+$0xB700] =	vst v4  }
0x1f3: {  	[tilespmem:s0+$0xB400] =	vst v3  }
0x1f4: {  	s26 =	sor.u32 s23, s10;
	[tilespmem:s0+$0xB480] =	vst v53  }
0x1f5: {  	s1 =	sor.u32 $0x380, s26;
	[tilespmem:s0+$0xB600] =	vst v54  }
0x1f6: {  	[tilespmem:s1+$0xB400] =	vst v9  }
0x1f7: {  	[tilespmem:s0+$0xF400] =	vst v63  }
0x1f8: {  	[tilespmem:s0+$0xF480] =	vst v7  }
0x1f9: {  	[tilespmem:s0+$0xF500] =	vst v2  }
0x1fa: {  	[tilespmem:s0+$0xF580] =	vst v10  }
0x1fb: {  	[tilespmem:s0+$0xF600] =	vst v8  }
0x1fc: {  	[tilespmem:s0+$0xF680] =	vst v6  }
0x1fd: {  	[tilespmem:s0+$0xF700] =	vst v0  }
0x1fe: {  	[tilespmem:s1+$0xF400] =	vst v45  }
0x1ff: {  	v0 =	vnsel vm0, $0x0, v51;
	v1 =	vld [tilespmem:$0x1B400]  }
0x200: {  	vm15 =	vmmov vm1;
	v0 =	vadd.f32 v0, v44  }
0x201: {  	v2 =	vnsel vm15, $0x0, v5  }
0x202: {  	v0 =	vadd.f32 v2, v0;
	_ =	sdelay $0x1  }
0x203: {  	v26 =	vld [tilespmem:$0x1FFB0];
	v0 =	vadd.f32 v1, v0  }
0x204: {  	v17 =	vld [tilespmem:$0x1FE50]  }
0x205: {  	s1 =	simm.s32 $0xA000;
	v19 =	vld [tilespmem:$0x1FE60];
	[tilespmem:$0x1B400] =	vst v0  }
0x206: {  	v0 =	vld [tilespmem:s1+$0x0]  }
0x207: {  	v18 =	vld [tilespmem:$0x1FE70]  }
0x208: {  	v20 =	vld [tilespmem:$0x1FE80]  }
0x209: {  	v23 =	vld [tilespmem:$0x1FFE0]  }
0x20a: {  	v22 =	vld [tilespmem:$0x1FFD0]  }
0x20b: {  	v25 =	vld [tilespmem:$0x1FEA0];
	v1 =	vadd.s32 v26, v0  }
0x20c: {  	v24 =	vld [tilespmem:$0x1FE90];
	v2 =	vadd.s32 v17, v0  }
0x20d: {  	s2 =	simm.s32 $0xA010;
	v21 =	vld [tilespmem:$0x1FFC0];
	v3 =	vadd.s32 v19, v0  }
0x20e: {  	s10 =	simm.s32 $0xA020;
	v6 =	vld [tilespmem:s2+$0x0];
	v4 =	vadd.s32 v18, v0  }
0x20f: {  	v56 =	vld [tilespmem:s10+$0x0];
	v5 =	vadd.s32 v20, v0  }
0x210: {  	v7 =	vadd.s32 v28, v0;
	v1 =	vld.idx.msk [tilespmem:v1+s5+$0x0], $0xffff  }
0x211: {  	v8 =	vadd.s32 v23, v0;
	v47 =	vld.idx.msk [tilespmem:v2+s5+$0x0], $0xffff  }
0x212: {  	v9 =	vadd.s32 v22, v0;
	v14 =	vld.idx.msk [tilespmem:v3+s5+$0x0], $0xffff  }
0x213: {  	v10 =	vadd.s32 v30, v0;
	v4 =	vld.idx.msk [tilespmem:v4+s5+$0x0], $0xffff  }
0x214: {  	v11 =	vadd.s32 v29, v0;
	v5 =	vld.idx.msk [tilespmem:v5+s5+$0x0], $0xffff  }
0x215: {  	v55 =	vadd.s32 v26, v6;
	v13 =	vld.idx.msk [tilespmem:v7+s5+$0x0], $0xffff  }
0x216: {  	v60 =	vadd.s32 v17, v6;
	v58 =	vld.idx.msk [tilespmem:v8+s5+$0x0], $0xffff  }
0x217: {  	v61 =	vadd.s32 v19, v6;
	v9 =	vld.idx.msk [tilespmem:v9+s5+$0x0], $0xffff  }
0x218: {  	v62 =	vadd.s32 v18, v6;
	v3 =	vld.idx.msk [tilespmem:v10+s5+$0x0], $0xffff  }
0x219: {  	v63 =	vadd.s32 v20, v6;
	v10 =	vld.idx.msk [tilespmem:v11+s5+$0x0], $0xffff  }
0x21a: {  	v12 =	vadd.s32 v32, v0;
	v35 =	vld.idx.msk [tilespmem:v55+s5+$0x0], $0xffff  }
0x21b: {  	v46 =	vadd.s32 v27, v0;
	v45 =	vld.idx.msk [tilespmem:v60+s5+$0x0], $0xffff  }
0x21c: {  	v39 =	vld.idx.msk [tilespmem:v61+s5+$0x0], $0xffff;
	v61 =	vadd.s32 v28, v6  }
0x21d: {  	v51 =	vadd.s32 v31, v0;
	v50 =	vld.idx.msk [tilespmem:v62+s5+$0x0], $0xffff  }
0x21e: {  	v52 =	vadd.s32 v25, v0;
	v55 =	vld.idx.msk [tilespmem:v63+s5+$0x0], $0xffff  }
0x21f: {  	v53 =	vadd.s32 v24, v0;
	v37 =	vld.idx.msk [tilespmem:v12+s5+$0x0], $0xffff  }
0x220: {  	v0 =	vadd.s32 v21, v0;
	v63 =	vld.idx.msk [tilespmem:v46+s5+$0x0], $0xffff  }
0x221: {  	v43 =	vld.idx.msk [tilespmem:v61+s5+$0x0], $0xffff;
	v61 =	vadd.s32 v17, v56  }
0x222: {  	v62 =	vadd.s32 v23, v6;
	v41 =	vld.idx.msk [tilespmem:v51+s5+$0x0], $0xffff  }
0x223: {  	v12 =	vadd.s32 v22, v6;
	v16 =	vld.idx.msk [tilespmem:v52+s5+$0x0], $0xffff  }
0x224: {  	v46 =	vadd.s32 v30, v6;
	v2 =	vld.idx.msk [tilespmem:v53+s5+$0x0], $0xffff  }
0x225: {  	v42 =	vadd.s32 v29, v6;
	v0 =	vld.idx.msk [tilespmem:v0+s5+$0x0], $0xffff  }
0x226: {  	v60 =	vadd.s32 v26, v56;
	v7 =	vld.idx.msk [tilespmem:v61+s5+$0x0], $0xffff  }
0x227: {  	v48 =	vld.idx.msk [tilespmem:v62+s5+$0x0], $0xffff  }
0x228: {  	v62 =	vadd.s32 v19, v56;
	v59 =	vld.idx.msk [tilespmem:v12+s5+$0x0], $0xffff  }
0x229: {  	v12 =	vadd.s32 v18, v56;
	v44 =	vld.idx.msk [tilespmem:v46+s5+$0x0], $0xffff  }
0x22a: {  	s12 =	simm.s32 $0x0;
	v57 =	vadd.s32 v20, v56;
	v46 =	vld.idx.msk [tilespmem:v42+s5+$0x0], $0xffff  }
0x22b: {  	s14 =	sand.u32 $0x1C00, s12;
	s15 =	sand.u32 $0x70, s12;
	s11 =	simm.s32 $0xA030;
	v11 =	vld.idx.msk [tilespmem:v60+s5+$0x0], $0xffff;
	v60 =	vadd.s32 v32, v6;
	[tilespmem:$0x1FE40] =	vst v7  }
0x22c: {  	v61 =	vadd.s32 v27, v6;
	v54 =	vld [tilespmem:s11+$0x0];
	s11 =	sor.u32 s15, s14  }
0x22d: {  	v52 =	vadd.s32 v25, v6;
	v38 =	vld.idx.msk [tilespmem:v62+s5+$0x0], $0xffff;
	[tilespmem:s11+$0x13400] =	vst v1  }
0x22e: {  	v42 =	vadd.s32 v28, v56;
	v8 =	vld.idx.msk [tilespmem:v12+s5+$0x0], $0xffff;
	[tilespmem:s11+$0x13580] =	vst v4  }
0x22f: {  	v15 =	vld.idx.msk [tilespmem:v57+s5+$0x0], $0xffff;
	[tilespmem:s11+$0x13700] =	vst v9  }
0x230: {  	v62 =	vadd.s32 v31, v6;
	v36 =	vld.idx.msk [tilespmem:v60+s5+$0x0], $0xffff;
	[tilespmem:s11+$0x13480] =	vst v47  }
0x231: {  	v57 =	vadd.s32 v24, v6;
	v53 =	vld.idx.msk [tilespmem:v61+s5+$0x0], $0xffff;
	[tilespmem:s11+$0x13600] =	vst v5  }
0x232: {  	s25 =	sor.u32 s12, s12;
	v6 =	vadd.s32 v21, v6;
	v52 =	vld.idx.msk [tilespmem:v52+s5+$0x0], $0xffff;
	[tilespmem:s11+$0x13680] =	vst v0  }
0x233: {  	s0 =	sor.u32 $0x380, s25;
	s1 =	simm.s32 $0xA040;
	v12 =	vadd.s32 v23, v56;
	v42 =	vld.idx.msk [tilespmem:v42+s5+$0x0], $0xffff;
	[tilespmem:s11+$0x13500] =	vst v14  }
0x234: {  	v60 =	vadd.s32 v22, v56;
	[tilespmem:s0+$0x13400] =	vst v58;
	v58 =	vld [tilespmem:s1+$0x0]  }
0x235: {  	v1 =	vadd.s32 v30, v56;
	v40 =	vld.idx.msk [tilespmem:v62+s5+$0x0], $0xffff  }
0x236: {  	v4 =	vadd.s32 v29, v56;
	v57 =	vld.idx.msk [tilespmem:v57+s5+$0x0], $0xffff  }
0x237: {  	v6 =	vld.idx.msk [tilespmem:v6+s5+$0x0], $0xffff;
	v9 =	vadd.s32 v26, v54  }
0x238: {  	v61 =	vadd.s32 v17, v54;
	v51 =	vld.idx.msk [tilespmem:v12+s5+$0x0], $0xffff  }
0x239: {  	v7 =	vld.idx.msk [tilespmem:v60+s5+$0x0], $0xffff;
	v0 =	vadd.s32 v18, v54  }
0x23a: {  	s16 =	simm.s32 $0x10;
	s18 =	simm.s32 $0x80;
	v47 =	vld.idx.msk [tilespmem:v1+s5+$0x0], $0xffff;
	v1 =	vadd.s32 v20, v54  }
0x23b: {  	s22 =	sand.u32 $0x1C00, s18;
	s23 =	sand.u32 $0x70, s16;
	[tilespmem:s11+$0x17400] =	vst v2;
	v5 =	vadd.s32 v19, v54;
	v49 =	vld.idx.msk [tilespmem:v4+s5+$0x0], $0xffff  }
0x23c: {  	s10 =	sor.u32 s23, s22;
	[tilespmem:s11+$0x17500] =	vst v63;
	v2 =	vadd.s32 v28, v54;
	v60 =	vld.idx.msk [tilespmem:v9+s5+$0x0], $0xffff  }
0x23d: {  	[tilespmem:s10+$0x13700] =	vst v59;
	v4 =	vadd.s32 v32, v56;
	v59 =	vld.idx.msk [tilespmem:v61+s5+$0x0], $0xffff  }
0x23e: {  	[tilespmem:s11+$0x17580] =	vst v13;
	v62 =	vld.idx.msk [tilespmem:v0+s5+$0x0], $0xffff;
	v0 =	vadd.s32 v31, v56  }
0x23f: {  	[tilespmem:s10+$0x13400] =	vst v35;
	v61 =	vld.idx.msk [tilespmem:v1+s5+$0x0], $0xffff;
	v1 =	vadd.s32 v25, v56  }
0x240: {  	[tilespmem:s10+$0x13480] =	vst v45;
	v9 =	vadd.s32 v27, v56;
	v45 =	vld.idx.msk [tilespmem:v5+s5+$0x0], $0xffff  }
0x241: {  	[tilespmem:s10+$0x13580] =	vst v50;
	v5 =	vadd.s32 v24, v56;
	v35 =	vld.idx.msk [tilespmem:v2+s5+$0x0], $0xffff  }
0x242: {  	[tilespmem:s10+$0x13680] =	vst v6;
	v6 =	vadd.s32 v21, v56;
	v50 =	vld.idx.msk [tilespmem:v4+s5+$0x0], $0xffff  }
0x243: {  	[tilespmem:s10+$0x13600] =	vst v55;
	v55 =	vld.idx.msk [tilespmem:v0+s5+$0x0], $0xffff;
	v0 =	vadd.s32 v22, v54  }
0x244: {  	s26 =	simm.s32 $0x20;
	s15 =	simm.s32 $0x100;
	[tilespmem:s11+$0x17600] =	vst v10;
	v63 =	vld.idx.msk [tilespmem:v1+s5+$0x0], $0xffff;
	v1 =	vadd.s32 v30, v54  }
0x245: {  	s22 =	sand.u32 $0x70, s26;
	s23 =	sand.u32 $0x1C00, s15;
	[tilespmem:s11+$0x17680] =	vst v3;
	v56 =	vld.idx.msk [tilespmem:v9+s5+$0x0], $0xffff  }
0x246: {  	s31 =	sor.u32 s22, s23;
	[tilespmem:s11+$0x17480] =	vst v16;
	v4 =	vld.idx.msk [tilespmem:v5+s5+$0x0], $0xffff  }
0x247: {  	v3 =	vadd.s32 v26, v58;
	v13 =	vld.idx.msk [tilespmem:v6+s5+$0x0], $0xffff;
	[tilespmem:s31+$0x13400] =	vst v11  }
0x248: {  	v9 =	vadd.s32 v23, v54;
	[tilespmem:s31+$0x13580] =	vst v8;
	v2 =	vld.idx.msk [tilespmem:v0+s5+$0x0], $0xffff  }
0x249: {  	v5 =	vadd.s32 v29, v54;
	[tilespmem:s31+$0x13700] =	vst v7;
	v0 =	vld.idx.msk [tilespmem:v1+s5+$0x0], $0xffff  }
0x24a: {  	v10 =	vadd.s32 v17, v58;
	v1 =	vld [tilespmem:$0x1FE40];
	_ =	sdelay $0x1  }
0x24b: {  	s12 =	sor.u32 s18, s16;
	s18 =	simm.s32 $0x40;
	v3 =	vld.idx.msk [tilespmem:v3+s5+$0x0], $0xffff;
	v8 =	vadd.s32 v19, v58  }
0x24c: {  	s29 =	sor.u32 $0x380, s12;
	s2 =	simm.s32 $0x30;
	s23 =	simm.s32 $0x180;
	v6 =	vld.idx.msk [tilespmem:v9+s5+$0x0], $0xffff;
	v9 =	vadd.s32 v18, v58;
	[tilespmem:s31+$0x13600] =	vst v15  }
0x24d: {  	s14 =	simm.s32 $0x50;
	s25 =	sor.u32 s15, s26;
	s26 =	sor.u32 s23, s2;
	v7 =	vadd.s32 v20, v58;
	v5 =	vld.idx.msk [tilespmem:v5+s5+$0x0], $0xffff;
	[tilespmem:s31+$0x13680] =	vst v13  }
0x24e: {  	s22 =	sor.u32 $0x380, s25;
	s12 =	sand.u32 $0x1C00, s23;
	s16 =	sor.u32 $0x380, s26;
	v11 =	vadd.s32 v32, v54;
	[tilespmem:s31+$0x13480] =	vst v1;
	v1 =	vld.idx.msk [tilespmem:v10+s5+$0x0], $0xffff;
	v10 =	vadd.s32 v27, v54  }
.LBB2_13:
0x24f: {  	p1 =	sne.s32 s14, $0x3F0  }
0x250: {  	s1 =	sadd.s32 $0x10, s1;
	s23 =	sadd.s32 $0x80, s23;
	[tilespmem:s10+$0x13500] =	vst v39;
	v39 =	vmov v38;
	v38 =	vmov v45;
	v45 =	vld.idx.msk [tilespmem:v8+s5+$0x0], $0xffff;
	s25 =	smov.u32 s14  }
0x251: {  	s14 =	sadd.s32 $0x10, s14;
	v8 =	vld.idx.msk [tilespmem:v9+s5+$0x0], $0xffff;
	s26 =	sand.u32 $0x1C00, s23;
	s15 =	sor.u32 s23, s18;
	v9 =	vadd.s32 v31, v54;
	[tilespmem:s29+$0x13400] =	vst v48;
	v48 =	vmov v51;
	v51 =	vmov v6  }
0x252: {  	v6 =	vadd.s32 v25, v54;
	v12 =	vld.idx.msk [tilespmem:v7+s5+$0x0], $0xffff;
	s15 =	sor.u32 $0x380, s15;
	[tilespmem:s10+$0x17400] =	vst v57;
	v57 =	vmov v4  }
0x253: {  	v4 =	vadd.s32 v24, v54;
	v7 =	vld.idx.msk [tilespmem:v11+s5+$0x0], $0xffff;
	[tilespmem:s11+$0x17700] =	vst v41;
	v41 =	vmov v40;
	v40 =	vmov v55;
	s11 =	smov.u32 s10;
	s10 =	smov.u32 s31  }
0x254: {  	v11 =	vadd.s32 v21, v54;
	v54 =	vmov v58;
	[tilespmem:s11+$0x17500] =	vst v53;
	v53 =	vmov v56;
	v56 =	vld.idx.msk [tilespmem:v10+s5+$0x0], $0xffff  }
0x255: {  	v10 =	vadd.s32 v28, v54;
	v58 =	vld [tilespmem:s1+$0x0];
	[tilespmem:s11+$0x17580] =	vst v43;
	v43 =	vmov v42;
	v42 =	vmov v35  }
0x256: {  	v13 =	vadd.s32 v23, v54;
	v55 =	vld.idx.msk [tilespmem:v9+s5+$0x0], $0xffff;
	[tilespmem:s11+$0x17600] =	vst v46;
	v46 =	vmov v49;
	v49 =	vmov v5  }
0x257: {  	v5 =	vadd.s32 v22, v54;
	v14 =	vld.idx.msk [tilespmem:v6+s5+$0x0], $0xffff;
	[tilespmem:s11+$0x17680] =	vst v44;
	v44 =	vmov v47;
	v47 =	vmov v0  }
0x258: {  	s31 =	sand.u32 $0x70, s2;
	s2 =	smov.u32 s18;
	s18 =	smov.u32 s25;
	v0 =	vadd.s32 v30, v54;
	v4 =	vld.idx.msk [tilespmem:v4+s5+$0x0], $0xffff;
	[tilespmem:s0+$0x17400] =	vst v37;
	v37 =	vmov v36;
	v36 =	vmov v50  }
0x259: {  	v15 =	vadd.s32 v29, v54;
	s31 =	sor.u32 s31, s12;
	s12 =	smov.u32 s26;
	v50 =	vmov v7;
	s0 =	smov.u32 s29;
	v16 =	vld.idx.msk [tilespmem:v11+s5+$0x0], $0xffff;
	[tilespmem:s11+$0x17480] =	vst v52;
	v52 =	vmov v63  }
0x25a: {  	s29 =	smov.u32 s22;
	s22 =	smov.u32 s16;
	s16 =	smov.u32 s15;
	v11 =	vadd.s32 v26, v58;
	v35 =	vld.idx.msk [tilespmem:v10+s5+$0x0], $0xffff;
	[tilespmem:s31+$0x13400] =	vst v60;
	v60 =	vmov v3  }
0x25b: {  	v10 =	vadd.s32 v17, v58;
	v6 =	vld.idx.msk [tilespmem:v13+s5+$0x0], $0xffff;
	[tilespmem:s31+$0x13580] =	vst v62;
	v62 =	vmov v8  }
.Ltmp5:
0x25c: {  	v8 =	vadd.s32 v19, v58;
	[tilespmem:s31+$0x13700] =	vst v2;
	v2 =	vld.idx.msk [tilespmem:v5+s5+$0x0], $0xffff;
	(pc) =	sbr.rel @p1 .LBB2_13-.Ltmp5, $4  }
0x25d: {  	v9 =	vadd.s32 v18, v58;
	v63 =	vmov v14;
	v0 =	vld.idx.msk [tilespmem:v0+s5+$0x0], $0xffff;
	[tilespmem:s31+$0x13480] =	vst v59;
	v59 =	vmov v1  }
0x25e: {  	v7 =	vadd.s32 v20, v58;
	v5 =	vld.idx.msk [tilespmem:v15+s5+$0x0], $0xffff;
	[tilespmem:s31+$0x13600] =	vst v61;
	v61 =	vmov v12  }
0x25f: {  	v3 =	vld.idx.msk [tilespmem:v11+s5+$0x0], $0xffff;
	v11 =	vadd.s32 v32, v54;
	[tilespmem:s31+$0x13680] =	vst v16  }
0x260: {  	v1 =	vld.idx.msk [tilespmem:v10+s5+$0x0], $0xffff;
	v10 =	vadd.s32 v27, v54  }
0x261: {  	[tilespmem:s10+$0x13500] =	vst v39  }
0x262: {  	[tilespmem:s11+$0x17700] =	vst v41  }
0x263: {  	[tilespmem:s31+$0x13500] =	vst v38  }
0x264: {  	[tilespmem:s29+$0x13400] =	vst v48  }
0x265: {  	[tilespmem:s0+$0x17400] =	vst v37  }
0x266: {  	[tilespmem:s22+$0x13400] =	vst v51  }
0x267: {  	[tilespmem:s10+$0x17400] =	vst v57  }
0x268: {  	[tilespmem:s10+$0x17500] =	vst v53  }
0x269: {  	[tilespmem:s10+$0x17580] =	vst v43  }
0x26a: {  	[tilespmem:s10+$0x17600] =	vst v46  }
0x26b: {  	[tilespmem:s10+$0x17680] =	vst v44  }
0x26c: {  	[tilespmem:s10+$0x17480] =	vst v52  }
0x26d: {  	[tilespmem:s31+$0x17400] =	vst v4  }
0x26e: {  	[tilespmem:s10+$0x17700] =	vst v40  }
0x26f: {  	v12 =	vadd.s32 v31, v54;
	[tilespmem:s31+$0x17500] =	vst v56  }
0x270: {  	v13 =	vadd.s32 v25, v54;
	[tilespmem:s31+$0x17580] =	vst v42  }
0x271: {  	v14 =	vadd.s32 v24, v54;
	[tilespmem:s31+$0x17600] =	vst v49  }
0x272: {  	v11 =	vld.idx.msk [tilespmem:v11+s5+$0x0], $0xffff;
	v15 =	vadd.s32 v21, v54;
	[tilespmem:s31+$0x17680] =	vst v47  }
0x273: {  	v10 =	vld.idx.msk [tilespmem:v10+s5+$0x0], $0xffff;
	[tilespmem:s31+$0x17480] =	vst v63  }
0x274: {  	[tilespmem:s31+$0x17700] =	vst v55;
	v12 =	vld.idx.msk [tilespmem:v12+s5+$0x0], $0xffff  }
0x275: {  	s2 =	sand.u32 $0x70, s2;
	[tilespmem:s29+$0x17400] =	vst v36;
	v13 =	vld.idx.msk [tilespmem:v13+s5+$0x0], $0xffff  }
0x276: {  	s0 =	sor.u32 s2, s12;
	[tilespmem:s22+$0x17400] =	vst v50;
	v14 =	vld.idx.msk [tilespmem:v14+s5+$0x0], $0xffff  }
0x277: {  	v15 =	vld.idx.msk [tilespmem:v15+s5+$0x0], $0xffff;
	[tilespmem:s0+$0x13400] =	vst v60  }
0x278: {  	v16 =	vadd.s32 v28, v58;
	[tilespmem:s0+$0x13580] =	vst v62  }
0x279: {  	v48 =	vadd.s32 v24, v58;
	[tilespmem:s0+$0x13700] =	vst v2  }
0x27a: {  	v8 =	vld.idx.msk [tilespmem:v8+s5+$0x0], $0xffff;
	v51 =	vadd.s32 v21, v58;
	[tilespmem:s0+$0x13480] =	vst v59  }
0x27b: {  	v9 =	vld.idx.msk [tilespmem:v9+s5+$0x0], $0xffff;
	v57 =	vadd.s32 v23, v58;
	[tilespmem:s0+$0x13600] =	vst v61  }
0x27c: {  	v7 =	vld.idx.msk [tilespmem:v7+s5+$0x0], $0xffff;
	v4 =	vadd.s32 v25, v58;
	[tilespmem:s0+$0x13500] =	vst v45  }
0x27d: {  	v2 =	vadd.s32 v22, v58;
	v16 =	vld.idx.msk [tilespmem:v16+s5+$0x0], $0xffff;
	[tilespmem:s0+$0x13680] =	vst v15  }
0x27e: {  	v59 =	vadd.s32 v30, v58;
	v40 =	vld.idx.msk [tilespmem:v48+s5+$0x0], $0xffff;
	[tilespmem:s16+$0x13400] =	vst v6  }
0x27f: {  	v60 =	vadd.s32 v29, v58;
	v53 =	vld.idx.msk [tilespmem:v51+s5+$0x0], $0xffff;
	[tilespmem:s0+$0x17400] =	vst v14  }
0x280: {  	v61 =	vadd.s32 v27, v58;
	v37 =	vld.idx.msk [tilespmem:v57+s5+$0x0], $0xffff;
	[tilespmem:s0+$0x17500] =	vst v10  }
0x281: {  	v62 =	vadd.s32 v31, v58;
	v4 =	vld.idx.msk [tilespmem:v4+s5+$0x0], $0xffff;
	[tilespmem:s0+$0x17580] =	vst v35  }
0x282: {  	v15 =	vadd.s32 v32, v58;
	v2 =	vld.idx.msk [tilespmem:v2+s5+$0x0], $0xffff;
	[tilespmem:s0+$0x17600] =	vst v5  }
0x283: {  	v39 =	vld.idx.msk [tilespmem:v59+s5+$0x0], $0xffff;
	[tilespmem:s0+$0x17680] =	vst v0  }
0x284: {  	s1 =	sadd.s32 $0x80, s23;
	v41 =	vld.idx.msk [tilespmem:v60+s5+$0x0], $0xffff;
	[tilespmem:s0+$0x17480] =	vst v13  }
0x285: {  	s11 =	sand.u32 $0x1C00, s1;
	s12 =	sand.u32 $0x70, s18;
	v38 =	vld.idx.msk [tilespmem:v61+s5+$0x0], $0xffff;
	[tilespmem:s0+$0x17700] =	vst v12  }
0x286: {  	s2 =	sor.u32 s12, s11;
	v52 =	vld.idx.msk [tilespmem:v62+s5+$0x0], $0xffff;
	[tilespmem:s16+$0x17400] =	vst v11  }
0x287: {  	v15 =	vld.idx.msk [tilespmem:v15+s5+$0x0], $0xffff;
	[tilespmem:s2+$0x13400] =	vst v3  }
0x288: {  	[tilespmem:s2+$0x13580] =	vst v9  }
0x289: {  	[tilespmem:s2+$0x13700] =	vst v2  }
0x28a: {  	[tilespmem:s2+$0x13480] =	vst v1  }
0x28b: {  	[tilespmem:s2+$0x13600] =	vst v7  }
0x28c: {  	s1 =	sor.u32 s1, s18;
	[tilespmem:s2+$0x13680] =	vst v53  }
0x28d: {  	s1 =	sor.u32 $0x380, s1;
	[tilespmem:s2+$0x13500] =	vst v8  }
0x28e: {  	[tilespmem:s1+$0x13400] =	vst v37  }
0x28f: {  	[tilespmem:s2+$0x17400] =	vst v40  }
0x290: {  	[tilespmem:s2+$0x17500] =	vst v38  }
0x291: {  	[tilespmem:s2+$0x17580] =	vst v16  }
0x292: {  	[tilespmem:s2+$0x17600] =	vst v41  }
0x293: {  	[tilespmem:s2+$0x17680] =	vst v39  }
0x294: {  	[tilespmem:s2+$0x17480] =	vst v4  }
0x295: {  	[tilespmem:s2+$0x17700] =	vst v52  }
0x296: {  	[tilespmem:s1+$0x17400] =	vst v15  }
0x297: {  	v0 =	vld [tilespmem:s6+$0xA000];
	_ =	sdelay $0x6  }
0x298: {  	v1 =	vld [tilespmem:$0x1B400]  }
0x299: {  	v0 =	vld.idx.msk [tilespmem:v0+s24+$0x0], $0xffff;
	_ =	sdelay $0x4  }
0x29a: {  	v0 =	vadd.f32 v0, v1;
	_ =	sdelay $0x1  }
0x29b: {  	[tilespmem:$0x1B400] =	vst v0  }
0x29c: {  	v1 =	vld [tilespmem:s13+$0xA000];
	_ =	sdelay $0x6  }
0x29d: {  	s0 =	sld [smem:$0x7FD]  }
0x29e: {  	v1 =	vld.idx.msk [tilespmem:v1+s24+$0x0], $0xffff;
	_ =	sdelay $0x1  }
0x29f: {  	p1 =	seq.s32 s0, $0x1  }
0x2a0: {  	s14 =	sld [smem:$0x7FA];
	s0 =	smul.u32 @!p1 $0x1F4000, s7  }
0x2a1: {  	s1 =	rddreg [dreg:$0xc]  }
0x2a2: {  	s15 =	sld [smem:$0x7FB];
	s0 =	sadd.s32 @!p1 s1, s0;
	v0 =	vadd.f32 v1, v0  }
0x2a3: {  	p2 =	seq.s32 s14, $0x1;
	s2 =	simm.s32 @!p1 $0xB400;
	s0 =	sshrl.u32 @!p1 s0, $0x3  }
0x2a4: {  	s10 =	smul.u32 @!p2 $0x1F4000, s7;
	s1 =	simm.s32 @!p1 $0x0;
	s0 =	sadd.s32 @!p1 s4, s0;
	[tilespmem:$0x1B400] =	vst v0  }
0x2a5: {  	[hbm4b:s0+s1] =	stream.linear.scatter @!p1 [tilespmem:s2], [sflag:$0x3], $0x2000, $0x38;
	[tilespmem:$0x1B480] =	vst v63  }
0x2a6: {  	s16 =	sld [smem:$0x7FC];
	s0 =	sadd.s32 @!p2 s19, s10  }
0x2a7: {  	p3 =	seq.s32 s15, $0x1;
	s1 =	simm.s32 @!p2 $0x0;
	s0 =	sshrl.u32 @!p2 s0, $0x3  }
0x2a8: {  	s2 =	simm.s32 @!p2 $0xF400;
	s10 =	smul.u32 @!p3 $0x1F4000, s7;
	s0 =	sadd.s32 @!p2 s4, s0  }
0x2a9: {  	[hbm4b:s0+s1] =	stream.linear.scatter @!p2 [tilespmem:s2], [sflag:$0x3], $0x2000, $0x38;
	[tilespmem:$0x1B480] =	vst v63  }
0x2aa: {  	s0 =	sadd.s32 @!p3 s20, s10  }
0x2ab: {  	s1 =	simm.s32 @!p3 $0x0;
	p2 =	seq.s32 s16, $0x1;
	s0 =	sshrl.u32 @!p3 s0, $0x3  }
0x2ac: {  	s2 =	simm.s32 @!p3 $0x13400;
	s10 =	smul.u32 @!p2 $0x1F4000, s7;
	s0 =	sadd.s32 @!p3 s4, s0  }
0x2ad: {  	[hbm4b:s0+s1] =	stream.linear.scatter @!p3 [tilespmem:s2], [sflag:$0x3], $0x2000, $0x38;
	[tilespmem:$0x1B480] =	vst v63  }
0x2ae: {  	s0 =	sadd.s32 @!p2 s21, s10  }
0x2af: {  	s0 =	sshrl.u32 @!p2 s0, $0x3  }
0x2b0: {  	s1 =	simm.s32 @!p2 $0x0;
	s2 =	simm.s32 @!p2 $0x17400;
	s0 =	sadd.s32 @!p2 s4, s0  }
0x2b1: {  	[hbm4b:s0+s1] =	stream.linear.scatter @!p2 [tilespmem:s2], [sflag:$0x3], $0x2000, $0x38;
	[tilespmem:$0x1B480] =	vst v63  }
0x2b2: {  	s0 =	simm.s32 @!p4 $0x4  }
0x2b3: {  	_ =	swait.ge @!p4 [sflag:s0], $0x2000  }
0x2b4: {  	[sflag:s0] =	ssyncset.done @!p4 $0x0  }
0x2b5: {  	[sflag:s0] =	ssyncadd.s32 @!p4 $0xFFFFE000;
	s0 =	simm.s32 @!p5 $0x4  }
0x2b6: {  	_ =	swait.ge @!p5 [sflag:s0], $0x2000  }
0x2b7: {  	[sflag:s0] =	ssyncset.done @!p5 $0x0  }
0x2b8: {  	[sflag:s0] =	ssyncadd.s32 @!p5 $0xFFFFE000;
	s0 =	simm.s32 @!p6 $0x4  }
0x2b9: {  	_ =	swait.ge @!p6 [sflag:s0], $0x2000  }
0x2ba: {  	[sflag:s0] =	ssyncset.done @!p6 $0x0  }
0x2bb: {  	[sflag:s0] =	ssyncadd.s32 @!p6 $0xFFFFE000;
	s0 =	simm.s32 @!p0 $0x4  }
0x2bc: {  	_ =	swait.ge @!p0 [sflag:s0], $0x2000  }
0x2bd: {  	[sflag:s0] =	ssyncset.done @!p0 $0x0  }
0x2be: {  	[sflag:s0] =	ssyncadd.s32 @!p0 $0xFFFFE000  }
0x2bf: {  	_ =	swait.ge [sflag:s3], $0x400  }
0x2c0: {  	[sflag:s3] =	ssyncset.done $0x0  }
0x2c1: {  	[sflag:s3] =	ssyncadd.s32 $0xFFFFFC00  }
0x2c2: {  	_ =	swait.ge [sflag:s3], $0x400  }
0x2c3: {  	v23 =	vld [tilespmem:$0x1FF90]  }
0x2c4: {  	v19 =	vld [tilespmem:$0x1FF80]  }
0x2c5: {  	p0 =	seq.s32 s7, $0x18;
	v22 =	vld [tilespmem:$0x1FF70]  }
0x2c6: {  	s0 =	sadd.s32 @!p0 $0x2, s9;
	v20 =	vld [tilespmem:$0x1FF50]  }
0x2c7: {  	s1 =	sshll.u32 @!p0 s0, $0x7;
	s0 =	sshll.u32 @!p0 s0, $0x4;
	[sflag:s3] =	ssyncset.done $0x0;
	v21 =	vld [tilespmem:$0x1FF40]  }
0x2c8: {  	s1 =	sand.u32 @!p0 $0x3C00, s1;
	s0 =	sand.u32 @!p0 $0x60, s0;
	v24 =	vld [tilespmem:$0x1FF60];
	[sflag:s3] =	ssyncadd.s32 $0xFFFFFC00  }
0x2c9: {  	s2 =	simm.s32 @!p0 $0x80;
	s0 =	sor.u32 @!p0 s0, s1;
	v56 =	vld [tilespmem:$0x1FF30];
	s1 =	rddreg [dreg:$0x0]  }
0x2ca: {  	s9 =	simm.s32 @!p0 $0x400;
	s10 =	simm.s32 @!p0 $0xA000;
	v25 =	vld [tilespmem:$0x1FFA0];
	s1 =	sadd.s32 @!p0 s1, s0  }
0x2cb: {  	v18 =	vld [tilespmem:$0x1FFF0];
	[tilespmem:s10], [sflag:$0x1] =	stream.strided.gather @!p0 [hbm4b:s1+s2], $0x400, s9, s2, $0x38  }
0x2cc: {  	v17 =	vld [tilespmem:$0x1FF20];
	s1 =	rddreg [dreg:$0x1]  }
0x2cd: {  	s18 =	simm.s32 $0xA400;
	v62 =	vld [tilespmem:$0x1FF00];
	s0 =	sadd.s32 @!p0 s1, s0;
	s1 =	simm.s32 @!p0 $0xA800  }
0x2ce: {  	v63 =	vld [tilespmem:$0x1FF10];
	[tilespmem:s1], [sflag:$0x1] =	stream.strided.gather @!p0 [hbm4b:s0+s2], $0x400, s9, s2, $0x38  }
0x2cf: {  	v0 =	vld [tilespmem:s18+$0x0]  }
0x2d0: {  	v57 =	vld [tilespmem:$0x1FEB0]  }
0x2d1: {  	v59 =	vld [tilespmem:$0x1FED0]  }
0x2d2: {  	v58 =	vld [tilespmem:$0x1FEC0]  }
0x2d3: {  	s23 =	simm.s32 $0xA410;
	v60 =	vld [tilespmem:$0x1FEE0]  }
0x2d4: {  	v7 =	vld [tilespmem:s23+$0x0];
	v1 =	vadd.s32 v23, v0  }
0x2d5: {  	s22 =	simm.s32 $0xAC00;
	v61 =	vld [tilespmem:$0x1FEF0];
	v2 =	vadd.s32 v19, v0  }
0x2d6: {  	s25 =	simm.s32 $0xAC10;
	v4 =	vld [tilespmem:s22+$0x0];
	v3 =	vadd.s32 v22, v0  }
0x2d7: {  	s10 =	simm.s32 $0xA420;
	v9 =	vld [tilespmem:s25+$0x0];
	v5 =	vadd.s32 v20, v0  }
0x2d8: {  	v39 =	vld [tilespmem:s10+$0x0];
	v6 =	vadd.s32 v21, v0  }
0x2d9: {  	v8 =	vadd.s32 v19, v7;
	v41 =	vld.idx.msk [tilespmem:v1+s5+$0x0], $0xffff  }
0x2da: {  	v10 =	vadd.s32 v17, v0;
	v40 =	vld.idx.msk [tilespmem:v2+s5+$0x0], $0xffff  }
0x2db: {  	v54 =	vadd.s32 v22, v7;
	v42 =	vld.idx.msk [tilespmem:v3+s5+$0x0], $0xffff  }
0x2dc: {  	v55 =	vadd.s32 v60, v0;
	v44 =	vld.idx.msk [tilespmem:v5+s5+$0x0], $0xffff  }
0x2dd: {  	v16 =	vadd.s32 v21, v7;
	v45 =	vld.idx.msk [tilespmem:v6+s5+$0x0], $0xffff  }
0x2de: {  	v1 =	vadd.s32 v24, v0;
	v36 =	vld.idx.msk [tilespmem:v8+s5+$0x0], $0xffff  }
0x2df: {  	v3 =	vsub.s32 v4, v25;
	v5 =	vadd.s32 v18, v0;
	v8 =	vld.idx.msk [tilespmem:v10+s5+$0x0], $0xffff  }
0x2e0: {  	v2 =	vadd.s32 v56, v0;
	v38 =	vld.idx.msk [tilespmem:v54+s5+$0x0], $0xffff;
	vm0 =	vgt.s32 v3, $0x0  }
0x2e1: {  	v6 =	vadd.s32 v23, v7;
	v14 =	vld.idx.msk [tilespmem:v55+s5+$0x0], $0xffff;
	v3 =	vnsel vm0, $0x0, v3  }
0x2e2: {  	v10 =	vadd.s32 v58, v0;
	v35 =	vld.idx.msk [tilespmem:v16+s5+$0x0], $0xffff;
	v3 =	vmin.u32 v3, $0x1F  }
0x2e3: {  	v47 =	vld.idx.msk [tilespmem:v1+s5+$0x0], $0xffff;
	v1 =	vshll.u32 v3, $0xA;
	v3 =	vadd.s32 v62, v0  }
0x2e4: {  	v12 =	vld.idx.msk [tilespmem:v5+s5+$0x0], $0xffff;
	v5 =	vadd.s32 v57, v0  }
0x2e5: {  	v11 =	vld.idx.msk [tilespmem:v2+s5+$0x0], $0xffff;
	v2 =	vadd.s32 v63, v0  }
0x2e6: {  	v37 =	vld.idx.msk [tilespmem:v6+s5+$0x0], $0xffff;
	v6 =	vadd.s32 v59, v0  }
0x2e7: {  	v10 =	vld.idx.msk [tilespmem:v10+s5+$0x0], $0xffff;
	v1 =	vadd.s32 v0, v1  }
0x2e8: {  	v0 =	vadd.s32 v61, v0;
	v3 =	vld.idx.msk [tilespmem:v3+s5+$0x0], $0xffff  }
0x2e9: {  	v15 =	vld.idx.msk [tilespmem:v5+s5+$0x0], $0xffff;
	v5 =	vadd.s32 v20, v7  }
0x2ea: {  	v13 =	vadd.s32 v24, v7;
	v2 =	vld.idx.msk [tilespmem:v2+s5+$0x0], $0xffff  }
0x2eb: {  	s26 =	simm.s32 $0x0;
	v46 =	vadd.s32 v18, v7;
	v6 =	vld.idx.msk [tilespmem:v6+s5+$0x0], $0xffff  }
0x2ec: {  	s31 =	sand.u32 $0x70, s26;
	s29 =	sand.u32 $0x1C00, s26;
	v16 =	vadd.s32 v23, v39;
	v1 =	vld.idx.msk [tilespmem:v1+s5+$0x0], $0xffff  }
0x2ed: {  	s16 =	sor.u32 s31, s29;
	v43 =	vadd.s32 v56, v7;
	v0 =	vld.idx.msk [tilespmem:v0+s5+$0x0], $0xffff  }
0x2ee: {  	v52 =	vadd.s32 v19, v39;
	[tilespmem:s16+$0xD580] =	vst v14;
	v48 =	vld.idx.msk [tilespmem:v5+s5+$0x0], $0xffff;
	v5 =	vsub.s32 v9, v25  }
0x2ef: {  	vm1 =	vlt.s32 v4, v34;
	vm2 =	vlt.s32 v9, v34;
	v51 =	vld.idx.msk [tilespmem:v13+s5+$0x0], $0xffff;
	[tilespmem:s16+$0xD480] =	vst v10;
	vm0 =	vgt.s32 v5, $0x0  }
0x2f0: {  	v50 =	vld.idx.msk [tilespmem:v46+s5+$0x0], $0xffff;
	[tilespmem:s16+$0xD700] =	vst v2;
	v2 =	vadd.s32 v17, v7;
	v49 =	vnsel vm0, $0x0, v5;
	vm0 =	vge.s32 v4, v33  }
0x2f1: {  	s0 =	simm.s32 $0xAC20;
	v13 =	vadd.s32 v62, v7;
	v46 =	vld.idx.msk [tilespmem:v16+s5+$0x0], $0xffff;
	[tilespmem:s16+$0xD680] =	vst v3;
	v3 =	vmin.u32 v49, $0x1F;
	vm0 =	vmand vm0, vm1  }
0x2f2: {  	[tilespmem:s16+$0xD500] =	vst v6;
	v5 =	vld [tilespmem:s0+$0x0];
	vm1 =	vge.s32 v9, v33;
	v9 =	vadd.s32 v63, v7;
	v3 =	vshll.u32 v3, $0xA  }
0x2f3: {  	s1 =	sor.u32 s26, s26;
	[tilespmem:s16+$0xD400] =	vst v15;
	v49 =	vld.idx.msk [tilespmem:v43+s5+$0x0], $0xffff;
	vm0 =	vmmov vm0;
	v14 =	vadd.s32 v7, v3  }
0x2f4: {  	s14 =	sor.u32 $0x380, s1;
	v53 =	vadd.s32 v57, v7;
	[tilespmem:s16+$0xD600] =	vst v0;
	v0 =	vnsel vm0, $0x0, v1;
	v1 =	vld.idx.msk [tilespmem:v52+s5+$0x0], $0xffff  }
0x2f5: {  	v4 =	vadd.s32 v58, v7;
	[tilespmem:s14+$0xD400] =	vst v8;
	v8 =	vadd.s32 v59, v7;
	v3 =	vimm.f32 $0.0e+00;
	v6 =	vld.idx.msk [tilespmem:v2+s5+$0x0], $0xffff  }
0x2f6: {  	s11 =	simm.s32 $0x80;
	[tilespmem:s16+$0x11400] =	vst v11;
	vm0 =	vmand vm1, vm2;
	v2 =	vadd.s32 v61, v7;
	v52 =	vld.idx.msk [tilespmem:v13+s5+$0x0], $0xffff;
	v43 =	vadd.f32 v0, v3  }
0x2f7: {  	s12 =	sand.u32 $0x1C00, s11;
	s2 =	simm.s32 $0x10;
	v3 =	vadd.s32 v60, v7;
	vm1 =	vge.s32 v5, v33;
	vm2 =	vlt.s32 v5, v34;
	v54 =	vld.idx.msk [tilespmem:v9+s5+$0x0], $0xffff  }
0x2f8: {  	s9 =	simm.s32 $0x20;
	s18 =	simm.s32 $0x30;
	s1 =	sor.u32 s11, s2;
	[tilespmem:s16+$0x11480] =	vst v12;
	vm0 =	vmmov vm0;
	v7 =	vadd.s32 v22, v39;
	vm1 =	vmand vm1, vm2;
	v0 =	vld.idx.msk [tilespmem:v14+s5+$0x0], $0xffff  }
.LBB2_15:
0x2f9: {  	_ = 	snop  }
0x2fa: {  	s10 =	sadd.s32 $0x10, s10;
	v9 =	vld.idx.msk [tilespmem:v53+s5+$0x0], $0xffff;
	[tilespmem:s16+$0x11500] =	vst v45  }
0x2fb: {  	v11 =	vadd.s32 v20, v39;
	v10 =	vld [tilespmem:s10+$0x0];
	[tilespmem:s16+$0x11580] =	vst v44  }
0x2fc: {  	v12 =	vadd.s32 v21, v39;
	v8 =	vld.idx.msk [tilespmem:v8+s5+$0x0], $0xffff;
	[tilespmem:s16+$0x11600] =	vst v47  }
0x2fd: {  	v13 =	vld.idx.msk [tilespmem:v4+s5+$0x0], $0xffff;
	[tilespmem:s16+$0x11680] =	vst v42  }
0x2fe: {  	v5 =	vsub.s32 v5, v25;
	v42 =	vmov v38;
	v38 =	vld.idx.msk [tilespmem:v7+s5+$0x0], $0xffff;
	[tilespmem:s16+$0x11700] =	vst v40  }
0x2ff: {  	vm2 =	vgt.s32 v5, $0x0;
	v14 =	vmovc v6;
	v40 =	vmovc v36;
	v36 =	vmov v1;
	v1 =	vadd.s32 v24, v39;
	v6 =	vld.idx.msk [tilespmem:v3+s5+$0x0], $0xffff  }
0x300: {  	v44 =	vmov v48;
	v5 =	vnsel vm2, $0x0, v5;
	v7 =	vadd.s32 v56, v39;
	v48 =	vld.idx.msk [tilespmem:v11+s5+$0x0], $0xffff;
	[tilespmem:s14+$0x11400] =	vst v41  }
0x301: {  	v45 =	vmov v35;
	v15 =	vadd.s32 v18, v39;
	s31 =	sand.u32 $0x70, s2;
	v5 =	vmin.u32 v5, $0x1F;
	v35 =	vld.idx.msk [tilespmem:v12+s5+$0x0], $0xffff  }
0x302: {  	s0 =	sadd.s32 $0x10, s0;
	v5 =	vshll.u32 v5, $0xA;
	s16 =	sor.u32 s31, s12;
	v16 =	vadd.s32 v23, v10;
	v56 =	vld.idx.msk [tilespmem:v2+s5+$0x0], $0xffff  }
0x303: {  	v55 =	vadd.s32 v39, v5;
	v12 =	vadd.s32 v19, v10;
	v5 =	vld [tilespmem:s0+$0x0];
	[tilespmem:s16+$0xD680] =	vst v52  }
0x304: {  	v47 =	vmov v51;
	v51 =	vld.idx.msk [tilespmem:v1+s5+$0x0], $0xffff;
	[tilespmem:s16+$0xD700] =	vst v54  }
0x305: {  	v0 =	vnsel vm0, $0x0, v0;
	v52 =	vadd.s32 v17, v39;
	v7 =	vld.idx.msk [tilespmem:v7+s5+$0x0], $0xffff;
	[tilespmem:s16+$0xD580] =	vst v6  }
0x306: {  	v43 =	vadd.f32 v0, v43;
	v0 =	vadd.s32 v62, v39;
	v15 =	vld.idx.msk [tilespmem:v15+s5+$0x0], $0xffff;
	[tilespmem:s16+$0xD500] =	vst v8  }
0x307: {  	v41 =	vmov v37;
	v37 =	vmov v46;
	v46 =	vld.idx.msk [tilespmem:v16+s5+$0x0], $0xffff;
	[tilespmem:s16+$0xD480] =	vst v13  }
0x308: {  	p0 =	sne.s32 s18, $0x3F0;
	v11 =	vadd.s32 v63, v39;
	v1 =	vld.idx.msk [tilespmem:v12+s5+$0x0], $0xffff  }
.Ltmp6:
0x309: {  	v53 =	vadd.s32 v57, v39;
	[tilespmem:s16+$0xD600] =	vst v56;
	v56 =	vld [tilespmem:$0x1FF30];
	(pc) =	sbr.rel @p0 .LBB2_15-.Ltmp6, $4  }
0x30a: {  	v4 =	vadd.s32 v58, v39;
	v3 =	vadd.s32 v60, v39;
	s14 =	sor.u32 $0x380, s1;
	v6 =	vld.idx.msk [tilespmem:v52+s5+$0x0], $0xffff;
	[tilespmem:s16+$0xD400] =	vst v9  }
0x30b: {  	s11 =	sadd.s32 $0x80, s11;
	s15 =	smov.u32 s18;
	s18 =	sadd.s32 $0x10, s18;
	vm0 =	vmmov vm1;
	v2 =	vadd.s32 v61, v39;
	vm1 =	vge.s32 v5, v33;
	v52 =	vld.idx.msk [tilespmem:v0+s5+$0x0], $0xffff;
	[tilespmem:s14+$0xD400] =	vst v14  }
0x30c: {  	s2 =	smov.u32 s9;
	s23 =	sand.u32 $0x1C00, s11;
	s22 =	sor.u32 s11, s9;
	vm2 =	vlt.s32 v5, v34;
	v8 =	vadd.s32 v59, v39;
	v39 =	vmov v10;
	v0 =	vld.idx.msk [tilespmem:v55+s5+$0x0], $0xffff;
	[tilespmem:s16+$0x11400] =	vst v49  }
0x30d: {  	s9 =	smov.u32 s15;
	s12 =	smov.u32 s23;
	s1 =	smov.u32 s22;
	vm1 =	vmand vm1, vm2;
	v49 =	vmovc v7;
	v7 =	vadd.s32 v22, v39;
	v54 =	vld.idx.msk [tilespmem:v11+s5+$0x0], $0xffff;
	[tilespmem:s16+$0x11480] =	vst v50;
	v50 =	vmov v15  }
0x30e: {  	_ =	sdelay $0x1  }
0x30f: {  	[tilespmem:s16+$0x11500] =	vst v45  }
0x310: {  	[tilespmem:s16+$0x11580] =	vst v44  }
0x311: {  	v9 =	vld.idx.msk [tilespmem:v53+s5+$0x0], $0xffff;
	[tilespmem:s16+$0x11600] =	vst v47  }
0x312: {  	[tilespmem:s16+$0x11680] =	vst v42;
	v3 =	vld.idx.msk [tilespmem:v3+s5+$0x0], $0xffff  }
0x313: {  	v8 =	vld.idx.msk [tilespmem:v8+s5+$0x0], $0xffff;
	v10 =	vadd.s32 v20, v39;
	[tilespmem:s16+$0x11700] =	vst v40;
	s0 =	sand.u32 $0x70, s2  }
0x314: {  	v11 =	vadd.s32 v21, v39;
	v4 =	vld.idx.msk [tilespmem:v4+s5+$0x0], $0xffff;
	[tilespmem:s14+$0x11400] =	vst v41;
	s0 =	sor.u32 s0, s12  }
0x315: {  	v12 =	vadd.s32 v24, v39;
	v2 =	vld.idx.msk [tilespmem:v2+s5+$0x0], $0xffff;
	[tilespmem:s0+$0xD680] =	vst v52  }
0x316: {  	v13 =	vadd.s32 v56, v39;
	[tilespmem:s0+$0xD700] =	vst v54  }
0x317: {  	v5 =	vsub.s32 v5, v25;
	v7 =	vld.idx.msk [tilespmem:v7+s5+$0x0], $0xffff;
	v14 =	vadd.s32 v18, v39;
	[tilespmem:s0+$0xD580] =	vst v3  }
0x318: {  	v15 =	vadd.s32 v17, v39;
	vm2 =	vgt.s32 v5, $0x0;
	v10 =	vld.idx.msk [tilespmem:v10+s5+$0x0], $0xffff;
	[tilespmem:s0+$0xD500] =	vst v8  }
0x319: {  	v42 =	vadd.s32 v59, v39;
	v5 =	vnsel vm2, $0x0, v5;
	v3 =	vld.idx.msk [tilespmem:v11+s5+$0x0], $0xffff;
	[tilespmem:s0+$0xD480] =	vst v4  }
0x31a: {  	v16 =	vadd.s32 v61, v39;
	v5 =	vmin.u32 v5, $0x1F;
	v8 =	vld.idx.msk [tilespmem:v12+s5+$0x0], $0xffff;
	[tilespmem:s0+$0xD600] =	vst v2  }
0x31b: {  	s1 =	sor.u32 $0x380, s1;
	v5 =	vshll.u32 v5, $0xA;
	v11 =	vadd.s32 v62, v39;
	v40 =	vld.idx.msk [tilespmem:v13+s5+$0x0], $0xffff;
	[tilespmem:s0+$0xD400] =	vst v9  }
0x31c: {  	v5 =	vadd.s32 v39, v5;
	v41 =	vld.idx.msk [tilespmem:v14+s5+$0x0], $0xffff;
	[tilespmem:s1+$0xD400] =	vst v6  }
0x31d: {  	v4 =	vadd.s32 v63, v39;
	v9 =	vld.idx.msk [tilespmem:v15+s5+$0x0], $0xffff;
	[tilespmem:s0+$0x11400] =	vst v49  }
0x31e: {  	v2 =	vadd.s32 v57, v39;
	v14 =	vld.idx.msk [tilespmem:v42+s5+$0x0], $0xffff;
	[tilespmem:s0+$0x11480] =	vst v50  }
0x31f: {  	v15 =	vadd.s32 v58, v39;
	v16 =	vld.idx.msk [tilespmem:v16+s5+$0x0], $0xffff;
	[tilespmem:s0+$0x11500] =	vst v35  }
0x320: {  	v6 =	vadd.s32 v60, v39;
	[tilespmem:s0+$0x11580] =	vst v48;
	v11 =	vld.idx.msk [tilespmem:v11+s5+$0x0], $0xffff  }
0x321: {  	[tilespmem:s0+$0x11600] =	vst v51;
	v5 =	vld.idx.msk [tilespmem:v5+s5+$0x0], $0xffff  }
0x322: {  	s25 =	sadd.s32 $0x80, s11;
	[tilespmem:s0+$0x11680] =	vst v38;
	v4 =	vld.idx.msk [tilespmem:v4+s5+$0x0], $0xffff  }
0x323: {  	s26 =	sand.u32 $0x70, s9;
	s10 =	sand.u32 $0x1C00, s25;
	[tilespmem:s0+$0x11700] =	vst v36;
	v2 =	vld.idx.msk [tilespmem:v2+s5+$0x0], $0xffff  }
0x324: {  	s0 =	sor.u32 s26, s10;
	[tilespmem:s1+$0x11400] =	vst v37;
	v15 =	vld.idx.msk [tilespmem:v15+s5+$0x0], $0xffff  }
0x325: {  	v6 =	vld.idx.msk [tilespmem:v6+s5+$0x0], $0xffff;
	[tilespmem:s0+$0xD500] =	vst v14  }
0x326: {  	[tilespmem:s0+$0xD600] =	vst v16  }
0x327: {  	[tilespmem:s0+$0xD680] =	vst v11  }
0x328: {  	[tilespmem:s0+$0xD700] =	vst v4  }
0x329: {  	[tilespmem:s0+$0xD480] =	vst v15  }
0x32a: {  	s11 =	sor.u32 s25, s9;
	[tilespmem:s0+$0xD400] =	vst v2  }
0x32b: {  	s1 =	sor.u32 $0x380, s11;
	[tilespmem:s0+$0xD580] =	vst v6  }
0x32c: {  	[tilespmem:s1+$0xD400] =	vst v9  }
0x32d: {  	[tilespmem:s0+$0x11400] =	vst v40  }
0x32e: {  	[tilespmem:s0+$0x11480] =	vst v41  }
0x32f: {  	[tilespmem:s0+$0x11500] =	vst v3  }
0x330: {  	[tilespmem:s0+$0x11580] =	vst v10  }
0x331: {  	[tilespmem:s0+$0x11600] =	vst v8  }
0x332: {  	[tilespmem:s0+$0x11680] =	vst v7  }
0x333: {  	[tilespmem:s0+$0x11700] =	vst v1  }
0x334: {  	[tilespmem:s1+$0x11400] =	vst v46  }
0x335: {  	v0 =	vnsel vm0, $0x0, v0;
	v1 =	vld [tilespmem:$0x1B400]  }
0x336: {  	vm15 =	vmmov vm1;
	v0 =	vadd.f32 v0, v43  }
0x337: {  	v2 =	vnsel vm15, $0x0, v5  }
0x338: {  	v0 =	vadd.f32 v2, v0;
	_ =	sdelay $0x1  }
0x339: {  	v0 =	vadd.f32 v1, v0;
	_ =	sdelay $0x1  }
0x33a: {  	s12 =	simm.s32 $0xA400;
	[tilespmem:$0x1B400] =	vst v0  }
0x33b: {  	v0 =	vld [tilespmem:s12+$0x0]  }
0x33c: {  	v17 =	vld [tilespmem:$0x1FE50]  }
0x33d: {  	v18 =	vld [tilespmem:$0x1FE60];
	_ =	sdelay $0x1  }
0x33e: {  	v23 =	vld [tilespmem:$0x1FE70]  }
0x33f: {  	v20 =	vld [tilespmem:$0x1FE80];
	v1 =	vadd.s32 v26, v0  }
0x340: {  	v2 =	vadd.s32 v17, v0  }
0x341: {  	v24 =	vld [tilespmem:$0x1FFE0];
	v3 =	vadd.s32 v18, v0  }
0x342: {  	s14 =	simm.s32 $0xA410;
	v22 =	vld [tilespmem:$0x1FFD0];
	v10 =	vadd.s32 v30, v0  }
0x343: {  	v6 =	vld [tilespmem:s14+$0x0];
	v4 =	vadd.s32 v23, v0  }
0x344: {  	v5 =	vadd.s32 v20, v0;
	v1 =	vld.idx.msk [tilespmem:v1+s5+$0x0], $0xffff  }
0x345: {  	v7 =	vadd.s32 v28, v0;
	v2 =	vld.idx.msk [tilespmem:v2+s5+$0x0], $0xffff  }
0x346: {  	v8 =	vadd.s32 v24, v0;
	v51 =	vld.idx.msk [tilespmem:v3+s5+$0x0], $0xffff  }
0x347: {  	v9 =	vadd.s32 v22, v0;
	v3 =	vld.idx.msk [tilespmem:v10+s5+$0x0], $0xffff  }
0x348: {  	v11 =	vadd.s32 v29, v0;
	v4 =	vld.idx.msk [tilespmem:v4+s5+$0x0], $0xffff  }
0x349: {  	v5 =	vld.idx.msk [tilespmem:v5+s5+$0x0], $0xffff  }
0x34a: {  	v63 =	vld.idx.msk [tilespmem:v7+s5+$0x0], $0xffff  }
0x34b: {  	v56 =	vld.idx.msk [tilespmem:v8+s5+$0x0], $0xffff  }
0x34c: {  	v9 =	vld.idx.msk [tilespmem:v9+s5+$0x0], $0xffff;
	[tilespmem:$0x1FE20] =	vst v3  }
0x34d: {  	v3 =	vld.idx.msk [tilespmem:v11+s5+$0x0], $0xffff  }
0x34e: {  	v44 =	vadd.s32 v26, v6  }
0x34f: {  	v45 =	vadd.s32 v17, v6  }
0x350: {  	v25 =	vld [tilespmem:$0x1FEA0];
	v46 =	vadd.s32 v18, v6  }
0x351: {  	v21 =	vld [tilespmem:$0x1FE90];
	v15 =	vadd.s32 v23, v6  }
0x352: {  	v19 =	vld [tilespmem:$0x1FFC0];
	v16 =	vadd.s32 v20, v6;
	[tilespmem:$0x1FE10] =	vst v3  }
0x353: {  	v47 =	vadd.s32 v32, v0;
	v12 =	vld.idx.msk [tilespmem:v44+s5+$0x0], $0xffff  }
0x354: {  	v13 =	vld.idx.msk [tilespmem:v45+s5+$0x0], $0xffff  }
0x355: {  	v48 =	vadd.s32 v27, v0;
	v39 =	vld.idx.msk [tilespmem:v46+s5+$0x0], $0xffff  }
0x356: {  	v49 =	vadd.s32 v25, v0;
	v14 =	vld.idx.msk [tilespmem:v15+s5+$0x0], $0xffff  }
0x357: {  	v50 =	vadd.s32 v21, v0;
	v16 =	vld.idx.msk [tilespmem:v16+s5+$0x0], $0xffff  }
0x358: {  	s15 =	simm.s32 $0xA420;
	v52 =	vadd.s32 v28, v6;
	v37 =	vld.idx.msk [tilespmem:v47+s5+$0x0], $0xffff  }
0x359: {  	v53 =	vadd.s32 v24, v6;
	v55 =	vld [tilespmem:s15+$0x0]  }
0x35a: {  	v15 =	vadd.s32 v31, v0;
	v35 =	vld.idx.msk [tilespmem:v48+s5+$0x0], $0xffff  }
0x35b: {  	v54 =	vadd.s32 v30, v6;
	v11 =	vld.idx.msk [tilespmem:v49+s5+$0x0], $0xffff  }
0x35c: {  	v58 =	vadd.s32 v29, v6;
	v59 =	vld.idx.msk [tilespmem:v50+s5+$0x0], $0xffff  }
0x35d: {  	v0 =	vadd.s32 v19, v0;
	v43 =	vld.idx.msk [tilespmem:v52+s5+$0x0], $0xffff  }
0x35e: {  	v48 =	vld.idx.msk [tilespmem:v53+s5+$0x0], $0xffff;
	v53 =	vadd.s32 v20, v55  }
0x35f: {  	v41 =	vld.idx.msk [tilespmem:v15+s5+$0x0], $0xffff;
	v15 =	vadd.s32 v22, v6  }
0x360: {  	v44 =	vld.idx.msk [tilespmem:v54+s5+$0x0], $0xffff;
	v60 =	vadd.s32 v26, v55  }
0x361: {  	v46 =	vld.idx.msk [tilespmem:v58+s5+$0x0], $0xffff;
	v61 =	vadd.s32 v17, v55  }
0x362: {  	v0 =	vld.idx.msk [tilespmem:v0+s5+$0x0], $0xffff;
	v62 =	vadd.s32 v18, v55  }
0x363: {  	v52 =	vadd.s32 v23, v55;
	v3 =	vld.idx.msk [tilespmem:v53+s5+$0x0], $0xffff  }
0x364: {  	v54 =	vadd.s32 v32, v6;
	v15 =	vld.idx.msk [tilespmem:v15+s5+$0x0], $0xffff  }
0x365: {  	v57 =	vadd.s32 v27, v6;
	v8 =	vld.idx.msk [tilespmem:v60+s5+$0x0], $0xffff  }
0x366: {  	v10 =	vld.idx.msk [tilespmem:v61+s5+$0x0], $0xffff  }
0x367: {  	s18 =	simm.s32 $0x0;
	v58 =	vadd.s32 v31, v6;
	v38 =	vld.idx.msk [tilespmem:v62+s5+$0x0], $0xffff  }
0x368: {  	s22 =	sand.u32 $0x1C00, s18;
	s23 =	sand.u32 $0x70, s18;
	v47 =	vadd.s32 v25, v6;
	v7 =	vld.idx.msk [tilespmem:v52+s5+$0x0], $0xffff;
	[tilespmem:$0x1FE30] =	vst v3  }
0x369: {  	s10 =	sor.u32 s23, s22;
	v49 =	vadd.s32 v21, v6;
	v36 =	vld.idx.msk [tilespmem:v54+s5+$0x0], $0xffff  }
0x36a: {  	s16 =	simm.s32 $0xA430;
	v6 =	vadd.s32 v19, v6;
	v53 =	vld.idx.msk [tilespmem:v57+s5+$0x0], $0xffff;
	[tilespmem:s10+$0x15400] =	vst v1  }
0x36b: {  	v54 =	vld [tilespmem:s16+$0x0];
	v1 =	vadd.s32 v30, v55;
	[tilespmem:s10+$0x15580] =	vst v4  }
0x36c: {  	v40 =	vld.idx.msk [tilespmem:v58+s5+$0x0], $0xffff;
	[tilespmem:s10+$0x15700] =	vst v9  }
0x36d: {  	s25 =	simm.s32 $0x10;
	s26 =	simm.s32 $0x80;
	v60 =	vadd.s32 v28, v55;
	v52 =	vld.idx.msk [tilespmem:v47+s5+$0x0], $0xffff;
	[tilespmem:s10+$0x15480] =	vst v2  }
0x36e: {  	s12 =	sand.u32 $0x1C00, s26;
	s14 =	sand.u32 $0x70, s25;
	v61 =	vadd.s32 v24, v55;
	v57 =	vld.idx.msk [tilespmem:v49+s5+$0x0], $0xffff;
	[tilespmem:s10+$0x15600] =	vst v5  }
0x36f: {  	s9 =	sor.u32 s14, s12;
	v62 =	vadd.s32 v22, v55;
	v6 =	vld.idx.msk [tilespmem:v6+s5+$0x0], $0xffff;
	[tilespmem:s10+$0x15680] =	vst v0  }
0x370: {  	[tilespmem:s9+$0x15400] =	vst v12;
	v47 =	vld.idx.msk [tilespmem:v1+s5+$0x0], $0xffff;
	v1 =	vadd.s32 v20, v54  }
0x371: {  	v4 =	vadd.s32 v29, v55;
	[tilespmem:s9+$0x15580] =	vst v14  }
0x372: {  	v42 =	vld.idx.msk [tilespmem:v60+s5+$0x0], $0xffff;
	[tilespmem:s9+$0x15700] =	vst v15;
	v2 =	vadd.s32 v17, v54  }
0x373: {  	v50 =	vld.idx.msk [tilespmem:v61+s5+$0x0], $0xffff;
	[tilespmem:s9+$0x15480] =	vst v13;
	v5 =	vadd.s32 v18, v54  }
0x374: {  	s15 =	sor.u32 s18, s18;
	v3 =	vld.idx.msk [tilespmem:v62+s5+$0x0], $0xffff;
	[tilespmem:s9+$0x15600] =	vst v16;
	v0 =	vadd.s32 v23, v54  }
0x375: {  	s31 =	sor.u32 $0x380, s15;
	[tilespmem:s10+$0x15500] =	vst v51;
	v61 =	vld.idx.msk [tilespmem:v1+s5+$0x0], $0xffff;
	v1 =	vadd.s32 v25, v55  }
0x376: {  	[tilespmem:s31+$0x15400] =	vst v56;
	v49 =	vld.idx.msk [tilespmem:v4+s5+$0x0], $0xffff  }
0x377: {  	[tilespmem:s10+$0x19400] =	vst v59;
	v58 =	vld.idx.msk [tilespmem:v2+s5+$0x0], $0xffff  }
0x378: {  	[tilespmem:s10+$0x19500] =	vst v35;
	v4 =	vadd.s32 v32, v55;
	v45 =	vld.idx.msk [tilespmem:v5+s5+$0x0], $0xffff  }
0x379: {  	[tilespmem:s10+$0x19580] =	vst v63;
	v2 =	vadd.s32 v27, v55;
	v62 =	vld.idx.msk [tilespmem:v0+s5+$0x0], $0xffff  }
0x37a: {  	[tilespmem:s9+$0x15680] =	vst v6;
	v0 =	vadd.s32 v31, v55;
	v63 =	vld.idx.msk [tilespmem:v1+s5+$0x0], $0xffff  }
0x37b: {  	s0 =	simm.s32 $0xA440;
	v5 =	vadd.s32 v21, v55;
	v1 =	vld [tilespmem:$0x1FE10]  }
0x37c: {  	v59 =	vld [tilespmem:s0+$0x0]  }
0x37d: {  	v6 =	vadd.s32 v19, v55;
	v51 =	vld.idx.msk [tilespmem:v4+s5+$0x0], $0xffff  }
0x37e: {  	v9 =	vadd.s32 v26, v54;
	v56 =	vld.idx.msk [tilespmem:v2+s5+$0x0], $0xffff  }
0x37f: {  	s18 =	simm.s32 $0x100;
	s16 =	simm.s32 $0x20;
	v2 =	vadd.s32 v28, v54;
	v55 =	vld.idx.msk [tilespmem:v0+s5+$0x0], $0xffff  }
0x380: {  	s23 =	sand.u32 $0x1C00, s18;
	s15 =	sand.u32 $0x70, s16;
	v0 =	vadd.s32 v22, v54;
	v4 =	vld.idx.msk [tilespmem:v5+s5+$0x0], $0xffff;
	[tilespmem:s10+$0x19600] =	vst v1  }
0x381: {  	s29 =	sor.u32 s15, s23;
	v1 =	vadd.s32 v30, v54;
	v5 =	vld [tilespmem:$0x1FE20];
	[tilespmem:s10+$0x19480] =	vst v11  }
0x382: {  	v12 =	vld.idx.msk [tilespmem:v6+s5+$0x0], $0xffff;
	[tilespmem:s29+$0x15400] =	vst v8  }
0x383: {  	v60 =	vld.idx.msk [tilespmem:v9+s5+$0x0], $0xffff;
	[tilespmem:s29+$0x15580] =	vst v7  }
0x384: {  	v9 =	vadd.s32 v24, v54;
	v35 =	vld.idx.msk [tilespmem:v2+s5+$0x0], $0xffff;
	[tilespmem:s29+$0x15700] =	vst v3  }
0x385: {  	v2 =	vld.idx.msk [tilespmem:v0+s5+$0x0], $0xffff;
	v11 =	vadd.s32 v26, v59;
	[tilespmem:s29+$0x15480] =	vst v10  }
0x386: {  	v0 =	vld.idx.msk [tilespmem:v1+s5+$0x0], $0xffff;
	[tilespmem:s10+$0x19680] =	vst v5;
	v5 =	vadd.s32 v29, v54  }
0x387: {  	v13 =	vadd.s32 v17, v59;
	v1 =	vld [tilespmem:$0x1FE30]  }
0x388: {  	s2 =	sor.u32 s26, s25  }
0x389: {  	s22 =	sor.u32 $0x380, s2;
	v6 =	vld.idx.msk [tilespmem:v9+s5+$0x0], $0xffff;
	v8 =	vadd.s32 v18, v59  }
0x38a: {  	s1 =	simm.s32 $0x30;
	s12 =	simm.s32 $0x50;
	s23 =	simm.s32 $0x180;
	v9 =	vadd.s32 v23, v59;
	v3 =	vld.idx.msk [tilespmem:v11+s5+$0x0], $0xffff  }
0x38b: {  	s25 =	sor.u32 s18, s16;
	s16 =	simm.s32 $0x40;
	s26 =	sor.u32 s23, s1;
	v7 =	vadd.s32 v20, v59;
	[tilespmem:s29+$0x15680] =	vst v12;
	v5 =	vld.idx.msk [tilespmem:v5+s5+$0x0], $0xffff  }
0x38c: {  	s18 =	sor.u32 $0x380, s25;
	s2 =	sand.u32 $0x1C00, s23;
	s11 =	sor.u32 $0x380, s26;
	v10 =	vadd.s32 v27, v54;
	v11 =	vadd.s32 v32, v54;
	[tilespmem:s29+$0x15600] =	vst v1;
	v1 =	vld.idx.msk [tilespmem:v13+s5+$0x0], $0xffff  }
.LBB2_17:
0x38d: {  	p0 =	sne.s32 s12, $0x3F0  }
0x38e: {  	s0 =	sadd.s32 $0x10, s0;
	s23 =	sadd.s32 $0x80, s23;
	[tilespmem:s9+$0x15500] =	vst v39;
	v39 =	vmov v38;
	v38 =	vmov v45;
	v45 =	vld.idx.msk [tilespmem:v8+s5+$0x0], $0xffff;
	s14 =	smov.u32 s12  }
0x38f: {  	s12 =	sadd.s32 $0x10, s12;
	v8 =	vld.idx.msk [tilespmem:v9+s5+$0x0], $0xffff;
	s15 =	sand.u32 $0x1C00, s23;
	s25 =	sor.u32 s23, s16;
	v9 =	vadd.s32 v31, v54;
	[tilespmem:s22+$0x15400] =	vst v48;
	v48 =	vmov v50;
	v50 =	vmov v6  }
0x390: {  	v6 =	vadd.s32 v25, v54;
	v12 =	vld.idx.msk [tilespmem:v7+s5+$0x0], $0xffff;
	s25 =	sor.u32 $0x380, s25;
	[tilespmem:s9+$0x19400] =	vst v57;
	v57 =	vmov v4  }
0x391: {  	v4 =	vadd.s32 v21, v54;
	v7 =	vld.idx.msk [tilespmem:v11+s5+$0x0], $0xffff;
	[tilespmem:s10+$0x19700] =	vst v41;
	v41 =	vmov v40;
	v40 =	vmov v55;
	s10 =	smov.u32 s9;
	s9 =	smov.u32 s29  }
0x392: {  	v11 =	vadd.s32 v19, v54;
	v54 =	vmov v59;
	[tilespmem:s10+$0x19500] =	vst v53;
	v53 =	vmov v56;
	v56 =	vld.idx.msk [tilespmem:v10+s5+$0x0], $0xffff  }
0x393: {  	v10 =	vadd.s32 v28, v54;
	v59 =	vld [tilespmem:s0+$0x0];
	[tilespmem:s10+$0x19580] =	vst v43;
	v43 =	vmov v42;
	v42 =	vmov v35  }
0x394: {  	v13 =	vadd.s32 v24, v54;
	v55 =	vld.idx.msk [tilespmem:v9+s5+$0x0], $0xffff;
	[tilespmem:s10+$0x19600] =	vst v46;
	v46 =	vmov v49;
	v49 =	vmov v5  }
0x395: {  	v5 =	vadd.s32 v22, v54;
	v14 =	vld.idx.msk [tilespmem:v6+s5+$0x0], $0xffff;
	[tilespmem:s10+$0x19680] =	vst v44;
	v44 =	vmov v47;
	v47 =	vmov v0  }
0x396: {  	s26 =	sand.u32 $0x70, s1;
	s1 =	smov.u32 s16;
	s16 =	smov.u32 s14;
	v0 =	vadd.s32 v30, v54;
	v4 =	vld.idx.msk [tilespmem:v4+s5+$0x0], $0xffff;
	[tilespmem:s31+$0x19400] =	vst v37;
	v37 =	vmov v36;
	v36 =	vmov v51  }
0x397: {  	s29 =	sor.u32 s26, s2;
	s2 =	smov.u32 s15;
	v15 =	vadd.s32 v29, v54;
	v51 =	vmov v7;
	s31 =	smov.u32 s22;
	v16 =	vld.idx.msk [tilespmem:v11+s5+$0x0], $0xffff;
	[tilespmem:s10+$0x19480] =	vst v52;
	v52 =	vmov v63  }
0x398: {  	s22 =	smov.u32 s18;
	s18 =	smov.u32 s11;
	s11 =	smov.u32 s25;
	v11 =	vadd.s32 v26, v59;
	v35 =	vld.idx.msk [tilespmem:v10+s5+$0x0], $0xffff;
	[tilespmem:s29+$0x15400] =	vst v60;
	v60 =	vmov v3  }
0x399: {  	v10 =	vadd.s32 v17, v59;
	v6 =	vld.idx.msk [tilespmem:v13+s5+$0x0], $0xffff;
	[tilespmem:s29+$0x15580] =	vst v62;
	v62 =	vmov v8  }
.Ltmp7:
0x39a: {  	v8 =	vadd.s32 v18, v59;
	[tilespmem:s29+$0x15700] =	vst v2;
	v2 =	vld.idx.msk [tilespmem:v5+s5+$0x0], $0xffff;
	(pc) =	sbr.rel @p0 .LBB2_17-.Ltmp7, $4  }
0x39b: {  	v9 =	vadd.s32 v23, v59;
	v63 =	vmov v14;
	v0 =	vld.idx.msk [tilespmem:v0+s5+$0x0], $0xffff;
	[tilespmem:s29+$0x15480] =	vst v58;
	v58 =	vmov v1  }
0x39c: {  	v7 =	vadd.s32 v20, v59;
	v5 =	vld.idx.msk [tilespmem:v15+s5+$0x0], $0xffff;
	[tilespmem:s29+$0x15600] =	vst v61;
	v61 =	vmov v12  }
0x39d: {  	v3 =	vld.idx.msk [tilespmem:v11+s5+$0x0], $0xffff;
	v11 =	vadd.s32 v32, v54;
	[tilespmem:s29+$0x15680] =	vst v16  }
0x39e: {  	v1 =	vld.idx.msk [tilespmem:v10+s5+$0x0], $0xffff;
	v10 =	vadd.s32 v27, v54  }
0x39f: {  	[tilespmem:s9+$0x15500] =	vst v39  }
0x3a0: {  	[tilespmem:s10+$0x19700] =	vst v41  }
0x3a1: {  	[tilespmem:s29+$0x15500] =	vst v38  }
0x3a2: {  	[tilespmem:s22+$0x15400] =	vst v48  }
0x3a3: {  	[tilespmem:s31+$0x19400] =	vst v37  }
0x3a4: {  	[tilespmem:s18+$0x15400] =	vst v50  }
0x3a5: {  	[tilespmem:s9+$0x19400] =	vst v57  }
0x3a6: {  	[tilespmem:s9+$0x19500] =	vst v53  }
0x3a7: {  	[tilespmem:s9+$0x19580] =	vst v43  }
0x3a8: {  	[tilespmem:s9+$0x19600] =	vst v46  }
0x3a9: {  	[tilespmem:s9+$0x19680] =	vst v44  }
0x3aa: {  	[tilespmem:s9+$0x19480] =	vst v52  }
0x3ab: {  	[tilespmem:s29+$0x19400] =	vst v4  }
0x3ac: {  	[tilespmem:s9+$0x19700] =	vst v40  }
0x3ad: {  	v12 =	vadd.s32 v31, v54;
	[tilespmem:s29+$0x19500] =	vst v56  }
0x3ae: {  	v13 =	vadd.s32 v25, v54;
	[tilespmem:s29+$0x19580] =	vst v42  }
0x3af: {  	v14 =	vadd.s32 v21, v54;
	[tilespmem:s29+$0x19600] =	vst v49  }
0x3b0: {  	v11 =	vld.idx.msk [tilespmem:v11+s5+$0x0], $0xffff;
	v15 =	vadd.s32 v19, v54;
	[tilespmem:s29+$0x19680] =	vst v47  }
0x3b1: {  	v10 =	vld.idx.msk [tilespmem:v10+s5+$0x0], $0xffff;
	[tilespmem:s29+$0x19480] =	vst v63  }
0x3b2: {  	[tilespmem:s29+$0x19700] =	vst v55;
	v12 =	vld.idx.msk [tilespmem:v12+s5+$0x0], $0xffff  }
0x3b3: {  	s0 =	sand.u32 $0x70, s1;
	[tilespmem:s22+$0x19400] =	vst v36;
	v13 =	vld.idx.msk [tilespmem:v13+s5+$0x0], $0xffff  }
0x3b4: {  	s0 =	sor.u32 s0, s2;
	[tilespmem:s18+$0x19400] =	vst v51;
	v14 =	vld.idx.msk [tilespmem:v14+s5+$0x0], $0xffff  }
0x3b5: {  	v15 =	vld.idx.msk [tilespmem:v15+s5+$0x0], $0xffff;
	[tilespmem:s0+$0x15400] =	vst v60  }
0x3b6: {  	v16 =	vadd.s32 v28, v59;
	[tilespmem:s0+$0x15580] =	vst v62  }
0x3b7: {  	v54 =	vadd.s32 v22, v59;
	[tilespmem:s0+$0x15700] =	vst v2  }
0x3b8: {  	v8 =	vld.idx.msk [tilespmem:v8+s5+$0x0], $0xffff;
	v57 =	vadd.s32 v30, v59;
	[tilespmem:s0+$0x15480] =	vst v58  }
0x3b9: {  	v7 =	vld.idx.msk [tilespmem:v7+s5+$0x0], $0xffff;
	v52 =	vadd.s32 v31, v59;
	[tilespmem:s0+$0x15600] =	vst v61  }
0x3ba: {  	v53 =	vadd.s32 v24, v59;
	v2 =	vld.idx.msk [tilespmem:v9+s5+$0x0], $0xffff;
	[tilespmem:s0+$0x15500] =	vst v45  }
0x3bb: {  	v60 =	vadd.s32 v29, v59;
	v16 =	vld.idx.msk [tilespmem:v16+s5+$0x0], $0xffff;
	[tilespmem:s0+$0x15680] =	vst v15  }
0x3bc: {  	v61 =	vadd.s32 v32, v59;
	v48 =	vld.idx.msk [tilespmem:v54+s5+$0x0], $0xffff;
	[tilespmem:s11+$0x15400] =	vst v6  }
0x3bd: {  	v62 =	vadd.s32 v27, v59;
	v9 =	vld.idx.msk [tilespmem:v57+s5+$0x0], $0xffff;
	[tilespmem:s0+$0x19400] =	vst v14  }
0x3be: {  	v57 =	vadd.s32 v21, v59;
	v39 =	vld.idx.msk [tilespmem:v52+s5+$0x0], $0xffff;
	[tilespmem:s0+$0x19500] =	vst v10  }
0x3bf: {  	v15 =	vld.idx.msk [tilespmem:v53+s5+$0x0], $0xffff;
	v53 =	vadd.s32 v25, v59;
	[tilespmem:s0+$0x19580] =	vst v35  }
0x3c0: {  	v54 =	vld.idx.msk [tilespmem:v60+s5+$0x0], $0xffff;
	v60 =	vadd.s32 v19, v59;
	[tilespmem:s0+$0x19600] =	vst v5  }
0x3c1: {  	v58 =	vld.idx.msk [tilespmem:v61+s5+$0x0], $0xffff;
	[tilespmem:s0+$0x19680] =	vst v0  }
0x3c2: {  	s15 =	sadd.s32 $0x80, s23;
	v37 =	vld.idx.msk [tilespmem:v62+s5+$0x0], $0xffff;
	[tilespmem:s0+$0x19480] =	vst v13  }
0x3c3: {  	s25 =	sand.u32 $0x70, s16;
	s23 =	sand.u32 $0x1C00, s15;
	v41 =	vld.idx.msk [tilespmem:v57+s5+$0x0], $0xffff;
	[tilespmem:s0+$0x19700] =	vst v12  }
0x3c4: {  	s2 =	sor.u32 s25, s23;
	[tilespmem:s11+$0x19400] =	vst v11;
	v61 =	vld.idx.msk [tilespmem:v53+s5+$0x0], $0xffff  }
0x3c5: {  	v62 =	vld.idx.msk [tilespmem:v60+s5+$0x0], $0xffff;
	[tilespmem:s2+$0x15400] =	vst v3  }
0x3c6: {  	[tilespmem:s2+$0x15580] =	vst v2  }
0x3c7: {  	[tilespmem:s2+$0x15700] =	vst v48  }
0x3c8: {  	[tilespmem:s2+$0x15480] =	vst v1  }
0x3c9: {  	[tilespmem:s2+$0x15600] =	vst v7  }
0x3ca: {  	s1 =	sor.u32 s15, s16;
	[tilespmem:s2+$0x15500] =	vst v8  }
0x3cb: {  	s1 =	sor.u32 $0x380, s1;
	[tilespmem:s2+$0x15680] =	vst v62  }
0x3cc: {  	[tilespmem:s1+$0x15400] =	vst v15  }
0x3cd: {  	[tilespmem:s2+$0x19400] =	vst v41  }
0x3ce: {  	[tilespmem:s2+$0x19500] =	vst v37  }
0x3cf: {  	[tilespmem:s2+$0x19580] =	vst v16  }
0x3d0: {  	[tilespmem:s2+$0x19600] =	vst v54  }
0x3d1: {  	[tilespmem:s2+$0x19680] =	vst v9  }
0x3d2: {  	[tilespmem:s2+$0x19480] =	vst v61  }
0x3d3: {  	[tilespmem:s2+$0x19700] =	vst v39  }
0x3d4: {  	[tilespmem:s1+$0x19400] =	vst v58  }
0x3d5: {  	v0 =	vld [tilespmem:s6+$0xA400];
	_ =	sdelay $0x6  }
0x3d6: {  	v1 =	vld [tilespmem:$0x1B400]  }
0x3d7: {  	v0 =	vld.idx.msk [tilespmem:v0+s24+$0x0], $0xffff;
	_ =	sdelay $0x4  }
0x3d8: {  	v0 =	vadd.f32 v0, v1;
	_ =	sdelay $0x1  }
0x3d9: {  	[tilespmem:$0x1B400] =	vst v0  }
0x3da: {  	v63 =	vld [tilespmem:s13+$0xA400];
	_ =	sdelay $0x7  }
0x3db: {  	v1 =	vld.idx.msk [tilespmem:v63+s24+$0x0], $0xffff;
	_ =	sdelay $0x2  }
0x3dc: {  	s0 =	smul.u32 @!p1 $0xFA000, s8;
	s26 =	sld [smem:$0x7FA]  }
0x3dd: {  	s1 =	rddreg [dreg:$0xc]  }
0x3de: {  	s2 =	simm.s32 @!p1 $0xD400;
	s0 =	sadd.s32 @!p1 s1, s0;
	v0 =	vadd.f32 v1, v0  }
0x3df: {  	s29 =	sld [smem:$0x7FB];
	s0 =	sshrl.u32 @!p1 s0, $0x3;
	p0 =	seq.s32 s26, $0x1  }
0x3e0: {  	s1 =	simm.s32 @!p1 $0x0;
	s0 =	sadd.s32 @!p1 s4, s0;
	s9 =	smul.u32 @!p0 $0xFA000, s8;
	[tilespmem:$0x1B400] =	vst v0  }
0x3e1: {  	[hbm4b:s0+s1] =	stream.linear.scatter @!p1 [tilespmem:s2], [sflag:$0x4], $0x2000, $0x38;
	[tilespmem:$0x1B480] =	vst v63  }
0x3e2: {  	s31 =	sld [smem:$0x7FC];
	s0 =	sadd.s32 @!p0 s19, s9  }
0x3e3: {  	v12 =	vld [tilespmem:$0x1FEB0];
	p2 =	seq.s32 s29, $0x1;
	s1 =	simm.s32 @!p0 $0x0;
	s0 =	sshrl.u32 @!p0 s0, $0x3  }
0x3e4: {  	v13 =	vld [tilespmem:$0x1FEC0];
	s2 =	simm.s32 @!p0 $0x11400;
	s9 =	smul.u32 @!p2 $0xFA000, s8;
	s0 =	sadd.s32 @!p0 s4, s0  }
0x3e5: {  	v14 =	vld [tilespmem:$0x1FED0];
	[hbm4b:s0+s1] =	stream.linear.scatter @!p0 [tilespmem:s2], [sflag:$0x4], $0x2000, $0x38  }
0x3e6: {  	v15 =	vld [tilespmem:$0x1FEE0];
	s0 =	sadd.s32 @!p2 s20, s9  }
0x3e7: {  	v16 =	vld [tilespmem:$0x1FEF0];
	s1 =	simm.s32 @!p2 $0x0;
	p0 =	seq.s32 s31, $0x1;
	s0 =	sshrl.u32 @!p2 s0, $0x3  }
0x3e8: {  	v62 =	vld [tilespmem:$0x1FF00];
	s2 =	simm.s32 @!p2 $0x15400;
	s8 =	smul.u32 @!p0 $0xFA000, s8;
	s0 =	sadd.s32 @!p2 s4, s0  }
0x3e9: {  	v53 =	vld [tilespmem:$0x1FF20];
	[hbm4b:s0+s1] =	stream.linear.scatter @!p2 [tilespmem:s2], [sflag:$0x4], $0x2000, $0x38  }
0x3ea: {  	v17 =	vld [tilespmem:$0x1FF30];
	s0 =	sadd.s32 @!p0 s21, s8  }
0x3eb: {  	s7 =	sadd.s32 $0x1, s7;
	v18 =	vld [tilespmem:$0x1FFF0];
	s0 =	sshrl.u32 @!p0 s0, $0x3  }
0x3ec: {  	v23 =	vld [tilespmem:$0x1FF80];
	s1 =	simm.s32 @!p0 $0x0;
	s2 =	simm.s32 @!p0 $0x19400;
	s0 =	sadd.s32 @!p0 s4, s0  }
0x3ed: {  	v20 =	vld [tilespmem:$0x1FF50];
	[hbm4b:s0+s1] =	stream.linear.scatter @!p0 [tilespmem:s2], [sflag:$0x4], $0x2000, $0x38  }
0x3ee: {  	v19 =	vld [tilespmem:$0x1FF40];
	p0 =	sne.s32 s7, $0x19  }
.Ltmp8:
0x3ef: {  	v22 =	vld [tilespmem:$0x1FF70];
	(pc) =	sbr.rel @p0 .LBB2_10-.Ltmp8, $4  }
0x3f0: {  	v24 =	vld [tilespmem:$0x1FF90]  }
0x3f1: {  	v21 =	vld [tilespmem:$0x1FF60]  }
0x3f2: {  	v25 =	vld [tilespmem:$0x1FFA0]  }
0x3f3: {  	v63 =	vld [tilespmem:$0x1FF10]  }
0x3f4: {  	s0 =	simm.s32 @!p1 $0x3  }
0x3f5: {  	_ =	swait.ge @!p1 [sflag:s0], $0x2000  }
0x3f6: {  	s22 =	sld [smem:$0x7FA];
	_ =	sdelay $0x2  }
0x3f7: {  	[sflag:s0] =	ssyncset.done @!p1 $0x0;
	p0 =	seq.s32 s22, $0x1  }
0x3f8: {  	[sflag:s0] =	ssyncadd.s32 @!p1 $0xFFFFE000;
	s0 =	simm.s32 @!p0 $0x3  }
0x3f9: {  	_ =	swait.ge @!p0 [sflag:s0], $0x2000  }
0x3fa: {  	s23 =	sld [smem:$0x7FB];
	_ =	sdelay $0x2  }
0x3fb: {  	[sflag:s0] =	ssyncset.done @!p0 $0x0;
	p2 =	seq.s32 s23, $0x1  }
0x3fc: {  	[sflag:s0] =	ssyncadd.s32 @!p0 $0xFFFFE000;
	s0 =	simm.s32 @!p2 $0x3  }
0x3fd: {  	_ =	swait.ge @!p2 [sflag:s0], $0x2000  }
0x3fe: {  	s25 =	sld [smem:$0x7FC];
	_ =	sdelay $0x2  }
0x3ff: {  	[sflag:s0] =	ssyncset.done @!p2 $0x0;
	p3 =	seq.s32 s25, $0x1  }
0x400: {  	[sflag:s0] =	ssyncadd.s32 @!p2 $0xFFFFE000;
	s0 =	simm.s32 @!p3 $0x3  }
0x401: {  	_ =	swait.ge @!p3 [sflag:s0], $0x2000  }
0x402: {  	[sflag:s0] =	ssyncset.done @!p3 $0x0  }
0x403: {  	[sflag:s0] =	ssyncadd.s32 @!p3 $0xFFFFE000;
	s0 =	simm.s32 @!p1 $0x4  }
0x404: {  	_ =	swait.ge @!p1 [sflag:s0], $0x2000  }
0x405: {  	[sflag:s0] =	ssyncset.done @!p1 $0x0  }
0x406: {  	[sflag:s0] =	ssyncadd.s32 @!p1 $0xFFFFE000;
	s0 =	simm.s32 @!p0 $0x4  }
0x407: {  	_ =	swait.ge @!p0 [sflag:s0], $0x2000  }
0x408: {  	[sflag:s0] =	ssyncset.done @!p0 $0x0  }
0x409: {  	[sflag:s0] =	ssyncadd.s32 @!p0 $0xFFFFE000;
	s0 =	simm.s32 @!p2 $0x4  }
0x40a: {  	_ =	swait.ge @!p2 [sflag:s0], $0x2000  }
0x40b: {  	[sflag:s0] =	ssyncset.done @!p2 $0x0  }
0x40c: {  	[sflag:s0] =	ssyncadd.s32 @!p2 $0xFFFFE000;
	s0 =	simm.s32 @!p3 $0x4  }
0x40d: {  	_ =	swait.ge @!p3 [sflag:s0], $0x2000  }
0x40e: {  	s1 =	simm.s32 $0x1B400;
	[sflag:s0] =	ssyncset.done @!p3 $0x0  }
0x40f: {  	s12 =	simm.s32 $0x5;
	s26 =	rddreg [dreg:$0xd];
	[sflag:s0] =	ssyncadd.s32 @!p3 $0xFFFFE000  }
0x410: {  	[hbm4b:s26+s5] =	stream.linear.scatter [tilespmem:s1], [sflag:$0x5], $0x80, $0x38;
	[tilespmem:$0x1B480] =	vst v63  }
0x411: {  	_ =	swait.ge [sflag:s12], $0x80  }
0x412: {  	s29 =	rddreg [dreg:$0xf]  }
0x413: {  	s31 =	rddreg [dreg:$0xe];
	s1 =	sadd.s32 $0x1, s29  }
0x414: {  	p0 =	sne.s32 s1, s31  }
.Ltmp9:
0x415: {  	_ = 	snop;
	(pc) =	sbr.rel @p0 .LBB2_1-.Ltmp9, $3  }
0x416: {  	_ =	sdelay $0x1  }
0x417: {  	[sflag:s12] =	ssyncset.done $0x0  }
0x418: {  	s10 =	simm.s32 $0x8000;
	[sflag:s12] =	ssyncadd.s32 $0xFFFFFF80  }
0x419: {  	_ =	sfence.sel $0x180000  }
0x41a: {  	[bflag:$0x0] =	sbarrier.arrive $0xFFFF  }
0x41b: {  	_ =	strace $0x90000047  }
0x41c: {  	s0 =	stileid.u32;
	[bflag:$0x2] =	sbarrier.arrive $0xFFFF  }
0x41d: {  	p0 =	sne.s32 s0, $0x0;
	s0 =	rddreg [dreg:$0x4]  }
0x41e: {  	s0 =	sadd.s32 @!p0 $0x100000, s0  }
0x41f: {  	[sflag:s0] =	ssyncadd.tile.s32 @!p0 $0x1;
	_ =	shalt  }
.Lfunc_end2:
_tile_overlayer_lowered:
.L_overlay_start_2:
0x420: {  	(tag) =	ssettag $0x2  }
0x421: {  	s0 =	rddreg [dreg:$0x0];
	s2 =	stileid.u32  }
0x422: {  	s1 =	rddreg [dreg:$0x1];
	p0 =	sne.s32 s2, $0x0  }
0x423: {  	s3 =	rddreg [dreg:$0x2];
	[bflag:$0x3] =	sbarrier.arrive $0xFFFF;
	s2 =	simm.s32 @!p0 $0x1C05  }
0x424: {  	[timem:s3], [sflag:s2] =	dma.local @!p0 [hbm:s0], s1  }
0x425: {  	s0 =	simm.s32 @!p0 $0x5  }
0x426: {  	_ =	swait.ge @!p0 [sflag:s0], s1  }
0x427: {  	s1 =	ssub.s32 @!p0 $0x0, s1;
	[sflag:s0] =	ssyncset.done @!p0 $0x0  }
0x428: {  	[sflag:s0] =	ssyncadd.s32 @!p0 s1  }
0x429: {  	[bflag:$0x3] =	sbarrier.arrive $0xFFFF  }
0x42a: {  	_ =	shalt  }

</sc_bundles>
